<compile_context>
chip_gen: v7x
topology: tpu7x:2x2x1
jax: 0.10.2.dev20260603
libtpu: 0.0.44.dev20260713+nightly
codegen_flags: <defaults>
</compile_context>

<pallas_src>
import functools

import jax
import jax.numpy as jnp
from jax import lax
from jax.experimental import pallas as pl
from jax.experimental.pallas import tpu as pltpu
from jax.experimental.pallas import tpu_sc as plsc

N_NODES = 10000
N_EDGES = 160000
D = 256
ALPHA = 0.5

H = 128
NS = 16
EPT = N_EDGES // NS
B = 80
NB = EPT // B
N_PAD = 10240
SLAB = N_PAD // NS
NCH = SLAB // B
DEG_W = 16


def _sc_segment_sums(xr, gf, gb, src, dst, ds_flat, zeros_blk, ones_blk):
  mesh = plsc.VectorSubcoreMesh(core_axis_name="c", subcore_axis_name="s")
  out_type = [
      jax.ShapeDtypeStruct((2 * N_PAD, H), jnp.float32),
      jax.ShapeDtypeStruct((2 * N_PAD, H), jnp.float32),
      jax.ShapeDtypeStruct((2 * N_PAD, H), jnp.float32),
  ]

  @functools.partial(
      pl.kernel,
      out_type=out_type,
      mesh=mesh,
      scratch_types=[
          pltpu.VMEM_SHARED((N_PAD, H), jnp.float32),
          pltpu.VMEM((B,), jnp.int32),
          pltpu.VMEM((B,), jnp.int32),
          pltpu.VMEM((B,), jnp.int32),
          pltpu.VMEM((B,), jnp.int32),
          pltpu.VMEM((B, H), jnp.float32),
          pltpu.VMEM((B, H), jnp.float32),
          pltpu.SemaphoreType.DMA,
          pltpu.SemaphoreType.DMA,
          pltpu.SemaphoreType.DMA,
          pltpu.SemaphoreType.DMA,
          pltpu.SemaphoreType.DMA,
      ],
  )
  def sc_kernel(xr_hbm, gf_hbm, gb_hbm, src_hbm, dst_hbm, ds_hbm, zf_hbm,
                ones_hbm, sf_big, sb_big, deg_big,
                acc, idx_g0, idx_s0, idx_g1, idx_s1, rows0, rows1,
                sem0, sem1, sem2, sem3, semi):
    cid = lax.axis_index("c")
    sid = lax.axis_index("s")
    z0 = sid * SLAB
    e0 = sid * EPT
    g0 = cid * N_EDGES + e0
    o0 = cid * N_PAD + z0

    def zero_acc():
      zcps = [pltpu.async_copy(zf_hbm, acc.at[pl.ds(z0 + k * B, B)], sem2)
              for k in range(NCH)]
      for cp in zcps:
        cp.wait()

    def drain_acc(out_big):
      bufs = [rows0, rows1]
      descs = [None, None]
      for k in range(NCH):
        buf = bufs[k % 2]
        if descs[k % 2] is not None:
          descs[k % 2].wait()
        pltpu.sync_copy(acc.at[pl.ds(z0 + k * B, B)], buf)
        descs[k % 2] = pltpu.async_copy(
            buf, out_big.at[pl.ds(o0 + k * B, B)], sem3)
      descs[NCH % 2].wait()
      descs[(NCH + 1) % 2].wait()
      plsc.subcore_barrier()

    def feat_pass(g_hbm, s_hbm, out_big):
      zero_acc()
      plsc.subcore_barrier()

      def body2(t, carry):
        b0 = 2 * t * B
        b1 = b0 + B
        i0 = pltpu.async_copy(g_hbm.at[pl.ds(g0 + b0, B)], idx_g0, semi)
        i1 = pltpu.async_copy(s_hbm.at[pl.ds(e0 + b0, B)], idx_s0, semi)
        i2 = pltpu.async_copy(g_hbm.at[pl.ds(g0 + b1, B)], idx_g1, semi)
        i3 = pltpu.async_copy(s_hbm.at[pl.ds(e0 + b1, B)], idx_s1, semi)
        i0.wait()
        i1.wait()
        cp0 = pltpu.async_copy(xr_hbm.at[idx_g0], rows0, sem0)
        i2.wait()
        i3.wait()
        cp1 = pltpu.async_copy(xr_hbm.at[idx_g1], rows1, sem1)
        cp0.wait()
        sc0 = pltpu.async_copy(rows0, acc.at[idx_s0], sem2, add=True)
        cp1.wait()
        sc1 = pltpu.async_copy(rows1, acc.at[idx_s1], sem3, add=True)
        sc0.wait()
        sc1.wait()
        return carry

      lax.fori_loop(0, NB // 2, body2, 0)
      bt = (NB - 1) * B
      pltpu.sync_copy(g_hbm.at[pl.ds(g0 + bt, B)], idx_g0)
      pltpu.sync_copy(s_hbm.at[pl.ds(e0 + bt, B)], idx_s0)
      pltpu.async_copy(xr_hbm.at[idx_g0], rows0, sem0).wait()
      pltpu.sync_copy(rows0, acc.at[idx_s0], add=True)
      plsc.subcore_barrier()
      drain_acc(out_big)

    def deg_pass():
      zero_acc()
      pltpu.sync_copy(ones_hbm, rows0)
      plsc.subcore_barrier()

      def body2(t, carry):
        b0 = 2 * t * B
        b1 = b0 + B
        i0 = pltpu.async_copy(ds_hbm.at[pl.ds(g0 + b0, B)], idx_s0, semi)
        i1 = pltpu.async_copy(ds_hbm.at[pl.ds(g0 + b1, B)], idx_s1, semi)
        i0.wait()
        cp0 = pltpu.async_copy(rows0, acc.at[idx_s0], sem0, add=True)
        i1.wait()
        cp1 = pltpu.async_copy(rows0, acc.at[idx_s1], sem1, add=True)
        cp0.wait()
        cp1.wait()
        return carry

      lax.fori_loop(0, NB // 2, body2, 0)
      bt = (NB - 1) * B
      pltpu.sync_copy(ds_hbm.at[pl.ds(g0 + bt, B)], idx_s0)
      pltpu.sync_copy(rows0, acc.at[idx_s0], add=True)
      plsc.subcore_barrier()
      drain_acc(deg_big)

    feat_pass(gf_hbm, dst_hbm, sf_big)
    feat_pass(gb_hbm, src_hbm, sb_big)
    deg_pass()

  return sc_kernel(xr, gf, gb, src, dst, ds_flat, zeros_blk, ones_blk)


R = 400


def _tc_combine(sf0, sf1, sb0, sb1, df, db, x,
                wf0, wf1, wb0, wb1, wr, b_in, b_out, b_root):
  def body(sf0_r, sf1_r, sb0_r, sb1_r, df_r, db_r, x_r,
           wf0_r, wf1_r, wb0_r, wb1_r, wr_r, bi_r, bo_r, br_r, o_r):
    invf = 1.0 / jnp.maximum(df_r[...], 1.0)
    invb = 1.0 / jnp.maximum(db_r[...], 1.0)
    fwd = jnp.dot(sf0_r[...] * invf, wf0_r[...],
                  preferred_element_type=jnp.float32)
    fwd = fwd + jnp.dot(sf1_r[...] * invf, wf1_r[...],
                        preferred_element_type=jnp.float32)
    bwd = jnp.dot(sb0_r[...] * invb, wb0_r[...],
                  preferred_element_type=jnp.float32)
    bwd = bwd + jnp.dot(sb1_r[...] * invb, wb1_r[...],
                        preferred_element_type=jnp.float32)
    root = jnp.dot(x_r[...], wr_r[...], preferred_element_type=jnp.float32)
    bias = ALPHA * bi_r[...] + (1.0 - ALPHA) * bo_r[...] + br_r[...]
    o_r[...] = ALPHA * fwd + (1.0 - ALPHA) * bwd + root + bias

  half = pl.BlockSpec((R, H), lambda i: (i, 0))
  col = pl.BlockSpec((R, 1), lambda i: (i, 0))
  whole = lambda s: pl.BlockSpec(s, lambda i: (0, 0))
  return pl.pallas_call(
      body,
      grid=(N_NODES // R,),
      in_specs=[half, half, half, half, col, col,
                pl.BlockSpec((R, D), lambda i: (i, 0)),
                whole((H, D)), whole((H, D)), whole((H, D)), whole((H, D)),
                whole((D, D)), whole((1, D)), whole((1, D)), whole((1, D))],
      out_specs=pl.BlockSpec((R, D), lambda i: (i, 0)),
      out_shape=jax.ShapeDtypeStruct((N_NODES, D), jnp.float32),
  )(sf0, sf1, sb0, sb1, df, db, x,
    wf0, wf1, wb0, wb1, wr, b_in, b_out, b_root)


def kernel(x, edge_index, W_in, b_in, W_out, b_out, W_root, b_root):
  ei = edge_index.astype(jnp.int32)
  src, dst = ei[0], ei[1]
  xr = x.reshape(2 * N_NODES, H)
  gf = jnp.concatenate([2 * src, 2 * src + 1])
  gb = jnp.concatenate([2 * dst, 2 * dst + 1])
  ds_flat = jnp.concatenate([dst, src])
  zeros_blk = jnp.zeros((B, H), jnp.float32)
  ones_blk = jnp.ones((B, H), jnp.float32)

  sf_big, sb_big, deg_big = _sc_segment_sums(
      xr, gf, gb, src, dst, ds_flat, zeros_blk, ones_blk)

  sf0, sf1 = sf_big[:N_NODES], sf_big[N_PAD:N_PAD + N_NODES]
  sb0, sb1 = sb_big[:N_NODES], sb_big[N_PAD:N_PAD + N_NODES]
  df = deg_big[:N_NODES, :1]
  db = deg_big[N_PAD:N_PAD + N_NODES, :1]

  wf = W_in.T
  wb = W_out.T
  return _tc_combine(
      sf0, sf1, sb0, sb1, df, db, x,
      wf[:H], wf[H:], wb[:H], wb[H:], W_root.T,
      b_in.reshape(1, D), b_out.reshape(1, D), b_root.reshape(1, D))

# --- scband reference (transcript-rebuilt; emitter-appended) ---
"""Pipeline reference for scband-dir-gnnconv-936302871066 (READ-ONLY COPY).

The authoritative reference and input builder live on the scoring server;
editing this copy changes nothing except your own understanding.
"""

import jax, jax.numpy as jnp
import numpy as np

N_NODES = 10000
N_EDGES = 160000
D = 256
ALPHA = 0.5


def setup_inputs(seed: int = 0) -> dict:
    key = jax.random.key(seed)
    ks = jax.random.split(key, 9)
    x = jax.random.normal(ks[0], (N_NODES, D), dtype=jnp.float32)
    edge_index = jax.random.randint(ks[1], (2, N_EDGES), 0, N_NODES, dtype=jnp.int64)
    s = 1.0 / np.sqrt(D)
    W_in = jax.random.uniform(ks[2], (D, D), dtype=jnp.float32, minval=-s, maxval=s)
    b_in = jax.random.uniform(ks[3], (D,), dtype=jnp.float32, minval=-s, maxval=s)
    W_out = jax.random.uniform(ks[4], (D, D), dtype=jnp.float32, minval=-s, maxval=s)
    b_out = jax.random.uniform(ks[5], (D,), dtype=jnp.float32, minval=-s, maxval=s)
    W_root = jax.random.uniform(ks[6], (D, D), dtype=jnp.float32, minval=-s, maxval=s)
    b_root = jax.random.uniform(ks[7], (D,), dtype=jnp.float32, minval=-s, maxval=s)
    return {"x": x, "edge_index": edge_index, "W_in": W_in, "b_in": b_in,
            "W_out": W_out, "b_out": b_out, "W_root": W_root, "b_root": b_root}


def _graph_conv_mean(x, src, dst, W, b, num_nodes):
    # GraphConv with mean aggregation, no self-loops, no root weight
    msgs = jnp.take(x, src, axis=0)                      # gather source features [E, D]
    agg = jax.ops.segment_sum(msgs, dst, num_segments=num_nodes)
    deg = jax.ops.segment_sum(jnp.ones((src.shape[0],), dtype=x.dtype), dst,
                              num_segments=num_nodes)
    agg = agg / jnp.clip(deg, 1.0, None)[:, None]
    return agg @ W.T + b


def reference(x, edge_index, W_in, b_in, W_out, b_out, W_root, b_root):
    src = edge_index[0]
    dst = edge_index[1]
    # conv_in: messages along original edge direction (src -> dst)
    forward_out = _graph_conv_mean(x, src, dst, W_in, b_in, N_NODES)
    # conv_out: messages along flipped edges (edge_index.flip(0))
    backward_out = _graph_conv_mean(x, dst, src, W_out, b_out, N_NODES)
    out = ALPHA * forward_out + (1.0 - ALPHA) * backward_out
    out = out + (x @ W_root.T + b_root)
    return out

if __name__ == "__main__":
    import jax
    _d = setup_inputs()
    print(jax.jit(kernel)(*tuple(_d.values())))

</pallas_src>

<mosaic_0001>
#map = affine_map<(d0, d1) -> (0, 0)>
#map1 = affine_map<(d0, d1) -> (0)>
module attributes {stable_mosaic.version = 14 : i64} {
  func.func @sc_kernel(%arg0: i32, %arg1: i32, %arg2: memref<20000x128xf32, #tpu.memory_space<hbm>>, %arg3: memref<320000xi32, #tpu.memory_space<hbm>>, %arg4: memref<320000xi32, #tpu.memory_space<hbm>>, %arg5: memref<160000xi32, #tpu.memory_space<hbm>>, %arg6: memref<160000xi32, #tpu.memory_space<hbm>>, %arg7: memref<320000xi32, #tpu.memory_space<hbm>>, %arg8: memref<80x128xf32, #tpu.memory_space<hbm>>, %arg9: memref<80x128xf32, #tpu.memory_space<hbm>>, %arg10: memref<20480x128xf32, #tpu.memory_space<hbm>>, %arg11: memref<20480x128xf32, #tpu.memory_space<hbm>>, %arg12: memref<20480x128xf32, #tpu.memory_space<hbm>>, %arg13: memref<10240x128xf32, #tpu.memory_space<vmem_shared>>, %arg14: memref<80xi32, #tpu.memory_space<vmem>>, %arg15: memref<80xi32, #tpu.memory_space<vmem>>, %arg16: memref<80xi32, #tpu.memory_space<vmem>>, %arg17: memref<80xi32, #tpu.memory_space<vmem>>, %arg18: memref<80x128xf32, #tpu.memory_space<vmem>>, %arg19: memref<80x128xf32, #tpu.memory_space<vmem>>, %arg20: memref<!tpu.dma_semaphore, #tpu.memory_space<semaphore_mem>>, %arg21: memref<!tpu.dma_semaphore, #tpu.memory_space<semaphore_mem>>, %arg22: memref<!tpu.dma_semaphore, #tpu.memory_space<semaphore_mem>>, %arg23: memref<!tpu.dma_semaphore, #tpu.memory_space<semaphore_mem>>, %arg24: memref<!tpu.dma_semaphore, #tpu.memory_space<semaphore_mem>>) attributes {dimension_semantics = [#tpu.dimension_semantics<core_parallel>, #tpu.dimension_semantics<subcore_parallel>], iteration_bounds = array<i64: 2, 16>, scalar_prefetch = 0 : i64, scratch_operands = 12 : i64, tpu.core_type = #tpu.core_type<sc_vector_subcore>, window_params = [{transform_indices = #map}, {transform_indices = #map1}, {transform_indices = #map1}, {transform_indices = #map1}, {transform_indices = #map1}, {transform_indices = #map1}, {transform_indices = #map}, {transform_indices = #map}, {transform_indices = #map}, {transform_indices = #map}, {transform_indices = #map}]} {
    %mul3A = arith.constant 640 : i32
    %mul3A_0 = arith.muli %arg1, %mul3A : i32
    %mul3A_1 = arith.constant 10000 : i32
    %mul3A_2 = arith.muli %arg1, %mul3A_1 : i32
    %mul3A_3 = arith.constant 160000 : i32
    %mul3A_4 = arith.muli %arg0, %mul3A_3 : i32
    %add3A = arith.addi %mul3A_4, %mul3A_2 : i32
    %mul3A_5 = arith.constant 10240 : i32
    %mul3A_6 = arith.muli %arg0, %mul3A_5 : i32
    %add3A_7 = arith.addi %mul3A_6, %mul3A_0 : i32
    %add3A_8 = arith.constant 0 : i32
    %add3A_9 = arith.addi %mul3A_0, %add3A_8 : i32
    %dma_start3A = arith.constant 0 : i32
    %dma_start3A_10 = tpu.memref_slice %arg13[%add3A_9, %dma_start3A] : memref<10240x128xf32, #tpu.memory_space<vmem_shared>> -> memref<80x128xf32, #tpu.memory_space<vmem_shared>>
    tpu.enqueue_dma source(%arg8 : memref<80x128xf32, #tpu.memory_space<hbm>>) target(%dma_start3A_10 : memref<80x128xf32, #tpu.memory_space<vmem_shared>>) target_semaphore(%arg22 : memref<!tpu.dma_semaphore, #tpu.memory_space<semaphore_mem>>)
    %add3A_11 = arith.constant 80 : i32
    %add3A_12 = arith.addi %mul3A_0, %add3A_11 : i32
    %dma_start3A_13 = arith.constant 0 : i32
    %dma_start3A_14 = tpu.memref_slice %arg13[%add3A_12, %dma_start3A_13] : memref<10240x128xf32, #tpu.memory_space<vmem_shared>> -> memref<80x128xf32, #tpu.memory_space<vmem_shared>>
    tpu.enqueue_dma source(%arg8 : memref<80x128xf32, #tpu.memory_space<hbm>>) target(%dma_start3A_14 : memref<80x128xf32, #tpu.memory_space<vmem_shared>>) target_semaphore(%arg22 : memref<!tpu.dma_semaphore, #tpu.memory_space<semaphore_mem>>)
    %add3A_15 = arith.constant 160 : i32
    %add3A_16 = arith.addi %mul3A_0, %add3A_15 : i32
    %dma_start3A_17 = arith.constant 0 : i32
    %dma_start3A_18 = tpu.memref_slice %arg13[%add3A_16, %dma_start3A_17] : memref<10240x128xf32, #tpu.memory_space<vmem_shared>> -> memref<80x128xf32, #tpu.memory_space<vmem_shared>>
    tpu.enqueue_dma source(%arg8 : memref<80x128xf32, #tpu.memory_space<hbm>>) target(%dma_start3A_18 : memref<80x128xf32, #tpu.memory_space<vmem_shared>>) target_semaphore(%arg22 : memref<!tpu.dma_semaphore, #tpu.memory_space<semaphore_mem>>)
    %add3A_19 = arith.constant 240 : i32
    %add3A_20 = arith.addi %mul3A_0, %add3A_19 : i32
    %dma_start3A_21 = arith.constant 0 : i32
    %dma_start3A_22 = tpu.memref_slice %arg13[%add3A_20, %dma_start3A_21] : memref<10240x128xf32, #tpu.memory_space<vmem_shared>> -> memref<80x128xf32, #tpu.memory_space<vmem_shared>>
    tpu.enqueue_dma source(%arg8 : memref<80x128xf32, #tpu.memory_space<hbm>>) target(%dma_start3A_22 : memref<80x128xf32, #tpu.memory_space<vmem_shared>>) target_semaphore(%arg22 : memref<!tpu.dma_semaphore, #tpu.memory_space<semaphore_mem>>)
    %add3A_23 = arith.constant 320 : i32
    %add3A_24 = arith.addi %mul3A_0, %add3A_23 : i32
    %dma_start3A_25 = arith.constant 0 : i32
    %dma_start3A_26 = tpu.memref_slice %arg13[%add3A_24, %dma_start3A_25] : memref<10240x128xf32, #tpu.memory_space<vmem_shared>> -> memref<80x128xf32, #tpu.memory_space<vmem_shared>>
    tpu.enqueue_dma source(%arg8 : memref<80x128xf32, #tpu.memory_space<hbm>>) target(%dma_start3A_26 : memref<80x128xf32, #tpu.memory_space<vmem_shared>>) target_semaphore(%arg22 : memref<!tpu.dma_semaphore, #tpu.memory_space<semaphore_mem>>)
    %add3A_27 = arith.constant 400 : i32
    %add3A_28 = arith.addi %mul3A_0, %add3A_27 : i32
    %dma_start3A_29 = arith.constant 0 : i32
    %dma_start3A_30 = tpu.memref_slice %arg13[%add3A_28, %dma_start3A_29] : memref<10240x128xf32, #tpu.memory_space<vmem_shared>> -> memref<80x128xf32, #tpu.memory_space<vmem_shared>>
    tpu.enqueue_dma source(%arg8 : memref<80x128xf32, #tpu.memory_space<hbm>>) target(%dma_start3A_30 : memref<80x128xf32, #tpu.memory_space<vmem_shared>>) target_semaphore(%arg22 : memref<!tpu.dma_semaphore, #tpu.memory_space<semaphore_mem>>)
    %add3A_31 = arith.constant 480 : i32
    %add3A_32 = arith.addi %mul3A_0, %add3A_31 : i32
    %dma_start3A_33 = arith.constant 0 : i32
    %dma_start3A_34 = tpu.memref_slice %arg13[%add3A_32, %dma_start3A_33] : memref<10240x128xf32, #tpu.memory_space<vmem_shared>> -> memref<80x128xf32, #tpu.memory_space<vmem_shared>>
    tpu.enqueue_dma source(%arg8 : memref<80x128xf32, #tpu.memory_space<hbm>>) target(%dma_start3A_34 : memref<80x128xf32, #tpu.memory_space<vmem_shared>>) target_semaphore(%arg22 : memref<!tpu.dma_semaphore, #tpu.memory_space<semaphore_mem>>)
    %add3A_35 = arith.constant 560 : i32
    %add3A_36 = arith.addi %mul3A_0, %add3A_35 : i32
    %dma_start3A_37 = arith.constant 0 : i32
    %dma_start3A_38 = tpu.memref_slice %arg13[%add3A_36, %dma_start3A_37] : memref<10240x128xf32, #tpu.memory_space<vmem_shared>> -> memref<80x128xf32, #tpu.memory_space<vmem_shared>>
    tpu.enqueue_dma source(%arg8 : memref<80x128xf32, #tpu.memory_space<hbm>>) target(%dma_start3A_38 : memref<80x128xf32, #tpu.memory_space<vmem_shared>>) target_semaphore(%arg22 : memref<!tpu.dma_semaphore, #tpu.memory_space<semaphore_mem>>)
    %dma_wait3A = arith.constant 0 : i32
    %dma_wait3A_39 = tpu.memref_slice %arg13[%add3A_9, %dma_wait3A] : memref<10240x128xf32, #tpu.memory_space<vmem_shared>> -> memref<80x128xf32, #tpu.memory_space<vmem_shared>>
    tpu.wait_dma2 semaphore(%arg22 : memref<!tpu.dma_semaphore, #tpu.memory_space<semaphore_mem>>) src(%arg8 : memref<80x128xf32, #tpu.memory_space<hbm>>) dst(%dma_wait3A_39 : memref<80x128xf32, #tpu.memory_space<vmem_shared>>)
    %dma_wait3A_40 = arith.constant 0 : i32
    %dma_wait3A_41 = tpu.memref_slice %arg13[%add3A_12, %dma_wait3A_40] : memref<10240x128xf32, #tpu.memory_space<vmem_shared>> -> memref<80x128xf32, #tpu.memory_space<vmem_shared>>
    tpu.wait_dma2 semaphore(%arg22 : memref<!tpu.dma_semaphore, #tpu.memory_space<semaphore_mem>>) src(%arg8 : memref<80x128xf32, #tpu.memory_space<hbm>>) dst(%dma_wait3A_41 : memref<80x128xf32, #tpu.memory_space<vmem_shared>>)
    %dma_wait3A_42 = arith.constant 0 : i32
    %dma_wait3A_43 = tpu.memref_slice %arg13[%add3A_16, %dma_wait3A_42] : memref<10240x128xf32, #tpu.memory_space<vmem_shared>> -> memref<80x128xf32, #tpu.memory_space<vmem_shared>>
    tpu.wait_dma2 semaphore(%arg22 : memref<!tpu.dma_semaphore, #tpu.memory_space<semaphore_mem>>) src(%arg8 : memref<80x128xf32, #tpu.memory_space<hbm>>) dst(%dma_wait3A_43 : memref<80x128xf32, #tpu.memory_space<vmem_shared>>)
    %dma_wait3A_44 = arith.constant 0 : i32
    %dma_wait3A_45 = tpu.memref_slice %arg13[%add3A_20, %dma_wait3A_44] : memref<10240x128xf32, #tpu.memory_space<vmem_shared>> -> memref<80x128xf32, #tpu.memory_space<vmem_shared>>
    tpu.wait_dma2 semaphore(%arg22 : memref<!tpu.dma_semaphore, #tpu.memory_space<semaphore_mem>>) src(%arg8 : memref<80x128xf32, #tpu.memory_space<hbm>>) dst(%dma_wait3A_45 : memref<80x128xf32, #tpu.memory_space<vmem_shared>>)
    %dma_wait3A_46 = arith.constant 0 : i32
    %dma_wait3A_47 = tpu.memref_slice %arg13[%add3A_24, %dma_wait3A_46] : memref<10240x128xf32, #tpu.memory_space<vmem_shared>> -> memref<80x128xf32, #tpu.memory_space<vmem_shared>>
    tpu.wait_dma2 semaphore(%arg22 : memref<!tpu.dma_semaphore, #tpu.memory_space<semaphore_mem>>) src(%arg8 : memref<80x128xf32, #tpu.memory_space<hbm>>) dst(%dma_wait3A_47 : memref<80x128xf32, #tpu.memory_space<vmem_shared>>)
    %dma_wait3A_48 = arith.constant 0 : i32
    %dma_wait3A_49 = tpu.memref_slice %arg13[%add3A_28, %dma_wait3A_48] : memref<10240x128xf32, #tpu.memory_space<vmem_shared>> -> memref<80x128xf32, #tpu.memory_space<vmem_shared>>
    tpu.wait_dma2 semaphore(%arg22 : memref<!tpu.dma_semaphore, #tpu.memory_space<semaphore_mem>>) src(%arg8 : memref<80x128xf32, #tpu.memory_space<hbm>>) dst(%dma_wait3A_49 : memref<80x128xf32, #tpu.memory_space<vmem_shared>>)
    %dma_wait3A_50 = arith.constant 0 : i32
    %dma_wait3A_51 = tpu.memref_slice %arg13[%add3A_32, %dma_wait3A_50] : memref<10240x128xf32, #tpu.memory_space<vmem_shared>> -> memref<80x128xf32, #tpu.memory_space<vmem_shared>>
    tpu.wait_dma2 semaphore(%arg22 : memref<!tpu.dma_semaphore, #tpu.memory_space<semaphore_mem>>) src(%arg8 : memref<80x128xf32, #tpu.memory_space<hbm>>) dst(%dma_wait3A_51 : memref<80x128xf32, #tpu.memory_space<vmem_shared>>)
    %dma_wait3A_52 = arith.constant 0 : i32
    %dma_wait3A_53 = tpu.memref_slice %arg13[%add3A_36, %dma_wait3A_52] : memref<10240x128xf32, #tpu.memory_space<vmem_shared>> -> memref<80x128xf32, #tpu.memory_space<vmem_shared>>
    tpu.wait_dma2 semaphore(%arg22 : memref<!tpu.dma_semaphore, #tpu.memory_space<semaphore_mem>>) src(%arg8 : memref<80x128xf32, #tpu.memory_space<hbm>>) dst(%dma_wait3A_53 : memref<80x128xf32, #tpu.memory_space<vmem_shared>>)
    %barrier3A = arith.constant 0 : index
    tpu.barrier barrier_id(%barrier3A)
    %scan3A = arith.constant 0 : i32
    %scan3A_54 = arith.constant 0 : i32
    %scan3A_55 = arith.constant 62 : i32
    %scan3A_56 = arith.addi %scan3A_54, %scan3A_55 : i32
    %scan3A_57 = arith.constant 1 : i32
    scf.for %scan3A_485 = %scan3A_54 to %scan3A_56 step %scan3A_57  : i32 {
      %mul3A_486 = arith.constant 2 : i32
      %mul3A_487 = arith.muli %mul3A_486, %scan3A_485 : i32
      %mul3A_488 = arith.constant 80 : i32
      %mul3A_489 = arith.muli %mul3A_487, %mul3A_488 : i32
      %add3A_490 = arith.constant 80 : i32
      %add3A_491 = arith.addi %mul3A_489, %add3A_490 : i32
      %add3A_492 = arith.addi %add3A, %mul3A_489 : i32
      %dma_start3A_493 = tpu.memref_slice %arg3[%add3A_492] : memref<320000xi32, #tpu.memory_space<hbm>> -> memref<80xi32, #tpu.memory_space<hbm>>
      %dma_start3A_494 = tpu.memref_slice %arg3[%add3A_492] : memref<320000xi32, #tpu.memory_space<hbm>> -> memref<80xi32, #tpu.memory_space<hbm>>
      tpu.enqueue_dma source(%dma_start3A_494 : memref<80xi32, #tpu.memory_space<hbm>>) target(%arg14 : memref<80xi32, #tpu.memory_space<vmem>>) target_semaphore(%arg24 : memref<!tpu.dma_semaphore, #tpu.memory_space<semaphore_mem>>)
      %add3A_495 = arith.addi %mul3A_2, %mul3A_489 : i32
      %dma_start3A_496 = tpu.memref_slice %arg6[%add3A_495] : memref<160000xi32, #tpu.memory_space<hbm>> -> memref<80xi32, #tpu.memory_space<hbm>>
      %dma_start3A_497 = tpu.memref_slice %arg6[%add3A_495] : memref<160000xi32, #tpu.memory_space<hbm>> -> memref<80xi32, #tpu.memory_space<hbm>>
      tpu.enqueue_dma source(%dma_start3A_497 : memref<80xi32, #tpu.memory_space<hbm>>) target(%arg15 : memref<80xi32, #tpu.memory_space<vmem>>) target_semaphore(%arg24 : memref<!tpu.dma_semaphore, #tpu.memory_space<semaphore_mem>>)
      %add3A_498 = arith.addi %add3A, %add3A_491 : i32
      %dma_start3A_499 = tpu.memref_slice %arg3[%add3A_498] : memref<320000xi32, #tpu.memory_space<hbm>> -> memref<80xi32, #tpu.memory_space<hbm>>
      %dma_start3A_500 = tpu.memref_slice %arg3[%add3A_498] : memref<320000xi32, #tpu.memory_space<hbm>> -> memref<80xi32, #tpu.memory_space<hbm>>
      tpu.enqueue_dma source(%dma_start3A_500 : memref<80xi32, #tpu.memory_space<hbm>>) target(%arg16 : memref<80xi32, #tpu.memory_space<vmem>>) target_semaphore(%arg24 : memref<!tpu.dma_semaphore, #tpu.memory_space<semaphore_mem>>)
      %add3A_501 = arith.addi %mul3A_2, %add3A_491 : i32
      %dma_start3A_502 = tpu.memref_slice %arg6[%add3A_501] : memref<160000xi32, #tpu.memory_space<hbm>> -> memref<80xi32, #tpu.memory_space<hbm>>
      %dma_start3A_503 = tpu.memref_slice %arg6[%add3A_501] : memref<160000xi32, #tpu.memory_space<hbm>> -> memref<80xi32, #tpu.memory_space<hbm>>
      tpu.enqueue_dma source(%dma_start3A_503 : memref<80xi32, #tpu.memory_space<hbm>>) target(%arg17 : memref<80xi32, #tpu.memory_space<vmem>>) target_semaphore(%arg24 : memref<!tpu.dma_semaphore, #tpu.memory_space<semaphore_mem>>)
      %dma_wait3A_504 = tpu.memref_slice %arg3[%add3A_492] : memref<320000xi32, #tpu.memory_space<hbm>> -> memref<80xi32, #tpu.memory_space<hbm>>
      %dma_wait3A_505 = tpu.memref_slice %arg3[%add3A_492] : memref<320000xi32, #tpu.memory_space<hbm>> -> memref<80xi32, #tpu.memory_space<hbm>>
      tpu.wait_dma2 semaphore(%arg24 : memref<!tpu.dma_semaphore, #tpu.memory_space<semaphore_mem>>) src(%dma_wait3A_505 : memref<80xi32, #tpu.memory_space<hbm>>) dst(%arg14 : memref<80xi32, #tpu.memory_space<vmem>>)
      %dma_wait3A_506 = tpu.memref_slice %arg6[%add3A_495] : memref<160000xi32, #tpu.memory_space<hbm>> -> memref<80xi32, #tpu.memory_space<hbm>>
      %dma_wait3A_507 = tpu.memref_slice %arg6[%add3A_495] : memref<160000xi32, #tpu.memory_space<hbm>> -> memref<80xi32, #tpu.memory_space<hbm>>
      tpu.wait_dma2 semaphore(%arg24 : memref<!tpu.dma_semaphore, #tpu.memory_space<semaphore_mem>>) src(%dma_wait3A_507 : memref<80xi32, #tpu.memory_space<hbm>>) dst(%arg15 : memref<80xi32, #tpu.memory_space<vmem>>)
      %dma_start3A_508 = arith.constant 0 : i32
      %dma_start3A_509 = arith.constant 0 : i32
      %dma_start3A_510 = tpu.memref_slice %arg2[%dma_start3A_508, %dma_start3A_509] : memref<20000x128xf32, #tpu.memory_space<hbm>> -> memref<20000x128xf32, #tpu.memory_space<hbm>>
      tpu.enqueue_indirect_dma source(%dma_start3A_510 : memref<20000x128xf32, #tpu.memory_space<hbm>>) target(%arg18 : memref<80x128xf32, #tpu.memory_space<vmem>>) offsets(%arg14 : memref<80xi32, #tpu.memory_space<vmem>>) semaphore(%arg20 : memref<!tpu.dma_semaphore, #tpu.memory_space<semaphore_mem>>)
      %dma_wait3A_511 = tpu.memref_slice %arg3[%add3A_498] : memref<320000xi32, #tpu.memory_space<hbm>> -> memref<80xi32, #tpu.memory_space<hbm>>
      %dma_wait3A_512 = tpu.memref_slice %arg3[%add3A_498] : memref<320000xi32, #tpu.memory_space<hbm>> -> memref<80xi32, #tpu.memory_space<hbm>>
      tpu.wait_dma2 semaphore(%arg24 : memref<!tpu.dma_semaphore, #tpu.memory_space<semaphore_mem>>) src(%dma_wait3A_512 : memref<80xi32, #tpu.memory_space<hbm>>) dst(%arg16 : memref<80xi32, #tpu.memory_space<vmem>>)
      %dma_wait3A_513 = tpu.memref_slice %arg6[%add3A_501] : memref<160000xi32, #tpu.memory_space<hbm>> -> memref<80xi32, #tpu.memory_space<hbm>>
      %dma_wait3A_514 = tpu.memref_slice %arg6[%add3A_501] : memref<160000xi32, #tpu.memory_space<hbm>> -> memref<80xi32, #tpu.memory_space<hbm>>
      tpu.wait_dma2 semaphore(%arg24 : memref<!tpu.dma_semaphore, #tpu.memory_space<semaphore_mem>>) src(%dma_wait3A_514 : memref<80xi32, #tpu.memory_space<hbm>>) dst(%arg17 : memref<80xi32, #tpu.memory_space<vmem>>)
      %dma_start3A_515 = arith.constant 0 : i32
      %dma_start3A_516 = arith.constant 0 : i32
      %dma_start3A_517 = tpu.memref_slice %arg2[%dma_start3A_515, %dma_start3A_516] : memref<20000x128xf32, #tpu.memory_space<hbm>> -> memref<20000x128xf32, #tpu.memory_space<hbm>>
      tpu.enqueue_indirect_dma source(%dma_start3A_517 : memref<20000x128xf32, #tpu.memory_space<hbm>>) target(%arg19 : memref<80x128xf32, #tpu.memory_space<vmem>>) offsets(%arg16 : memref<80xi32, #tpu.memory_space<vmem>>) semaphore(%arg21 : memref<!tpu.dma_semaphore, #tpu.memory_space<semaphore_mem>>)
      %dma_wait3A_518 = arith.constant 0 : i32
      %dma_wait3A_519 = arith.constant 0 : i32
      %dma_wait3A_520 = tpu.memref_slice %arg2[%dma_wait3A_518, %dma_wait3A_519] : memref<20000x128xf32, #tpu.memory_space<hbm>> -> memref<20000x128xf32, #tpu.memory_space<hbm>>
      tpu.wait_indirect_dma semaphore(%arg20 : memref<!tpu.dma_semaphore, #tpu.memory_space<semaphore_mem>>) src(%dma_wait3A_520 : memref<20000x128xf32, #tpu.memory_space<hbm>>) dst(%arg18 : memref<80x128xf32, #tpu.memory_space<vmem>>)
      %dma_start3A_521 = arith.constant 0 : i32
      %dma_start3A_522 = arith.constant 0 : i32
      %dma_start3A_523 = tpu.memref_slice %arg13[%dma_start3A_521, %dma_start3A_522] : memref<10240x128xf32, #tpu.memory_space<vmem_shared>> -> memref<10240x128xf32, #tpu.memory_space<vmem_shared>>
      tpu.enqueue_indirect_dma source(%arg18 : memref<80x128xf32, #tpu.memory_space<vmem>>) target(%dma_start3A_523 : memref<10240x128xf32, #tpu.memory_space<vmem_shared>>) offsets(%arg15 : memref<80xi32, #tpu.memory_space<vmem>>) semaphore(%arg22 : memref<!tpu.dma_semaphore, #tpu.memory_space<semaphore_mem>>) {add = true}
      %dma_wait3A_524 = arith.constant 0 : i32
      %dma_wait3A_525 = arith.constant 0 : i32
      %dma_wait3A_526 = tpu.memref_slice %arg2[%dma_wait3A_524, %dma_wait3A_525] : memref<20000x128xf32, #tpu.memory_space<hbm>> -> memref<20000x128xf32, #tpu.memory_space<hbm>>
      tpu.wait_indirect_dma semaphore(%arg21 : memref<!tpu.dma_semaphore, #tpu.memory_space<semaphore_mem>>) src(%dma_wait3A_526 : memref<20000x128xf32, #tpu.memory_space<hbm>>) dst(%arg19 : memref<80x128xf32, #tpu.memory_space<vmem>>)
      %dma_start3A_527 = arith.constant 0 : i32
      %dma_start3A_528 = arith.constant 0 : i32
      %dma_start3A_529 = tpu.memref_slice %arg13[%dma_start3A_527, %dma_start3A_528] : memref<10240x128xf32, #tpu.memory_space<vmem_shared>> -> memref<10240x128xf32, #tpu.memory_space<vmem_shared>>
      tpu.enqueue_indirect_dma source(%arg19 : memref<80x128xf32, #tpu.memory_space<vmem>>) target(%dma_start3A_529 : memref<10240x128xf32, #tpu.memory_space<vmem_shared>>) offsets(%arg17 : memref<80xi32, #tpu.memory_space<vmem>>) semaphore(%arg23 : memref<!tpu.dma_semaphore, #tpu.memory_space<semaphore_mem>>) {add = true}
      %dma_wait3A_530 = arith.constant 0 : i32
      %dma_wait3A_531 = arith.constant 0 : i32
      %dma_wait3A_532 = tpu.memref_slice %arg13[%dma_wait3A_530, %dma_wait3A_531] : memref<10240x128xf32, #tpu.memory_space<vmem_shared>> -> memref<10240x128xf32, #tpu.memory_space<vmem_shared>>
      tpu.wait_indirect_dma semaphore(%arg22 : memref<!tpu.dma_semaphore, #tpu.memory_space<semaphore_mem>>) src(%arg18 : memref<80x128xf32, #tpu.memory_space<vmem>>) dst(%dma_wait3A_532 : memref<10240x128xf32, #tpu.memory_space<vmem_shared>>)
      %dma_wait3A_533 = arith.constant 0 : i32
      %dma_wait3A_534 = arith.constant 0 : i32
      %dma_wait3A_535 = tpu.memref_slice %arg13[%dma_wait3A_533, %dma_wait3A_534] : memref<10240x128xf32, #tpu.memory_space<vmem_shared>> -> memref<10240x128xf32, #tpu.memory_space<vmem_shared>>
      tpu.wait_indirect_dma semaphore(%arg23 : memref<!tpu.dma_semaphore, #tpu.memory_space<semaphore_mem>>) src(%arg19 : memref<80x128xf32, #tpu.memory_space<vmem>>) dst(%dma_wait3A_535 : memref<10240x128xf32, #tpu.memory_space<vmem_shared>>)
    }
    %scan3A_58 = arith.constant 62 : i32
    %add3A_59 = arith.constant 9920 : i32
    %add3A_60 = arith.addi %add3A, %add3A_59 : i32
    "tpu.region"() ({
      %run_scoped3A = tpu.sem_alloc : memref<!tpu.dma_semaphore, #tpu.memory_space<semaphore_mem>>
      %dma_start3A_485 = tpu.memref_slice %arg3[%add3A_60] : memref<320000xi32, #tpu.memory_space<hbm>> -> memref<80xi32, #tpu.memory_space<hbm>>
      %dma_start3A_486 = tpu.memref_slice %arg3[%add3A_60] : memref<320000xi32, #tpu.memory_space<hbm>> -> memref<80xi32, #tpu.memory_space<hbm>>
      tpu.enqueue_dma source(%dma_start3A_486 : memref<80xi32, #tpu.memory_space<hbm>>) target(%arg14 : memref<80xi32, #tpu.memory_space<vmem>>) target_semaphore(%run_scoped3A : memref<!tpu.dma_semaphore, #tpu.memory_space<semaphore_mem>>)
      %dma_wait3A_487 = tpu.memref_slice %arg3[%add3A_60] : memref<320000xi32, #tpu.memory_space<hbm>> -> memref<80xi32, #tpu.memory_space<hbm>>
      %dma_wait3A_488 = tpu.memref_slice %arg3[%add3A_60] : memref<320000xi32, #tpu.memory_space<hbm>> -> memref<80xi32, #tpu.memory_space<hbm>>
      tpu.wait_dma2 semaphore(%run_scoped3A : memref<!tpu.dma_semaphore, #tpu.memory_space<semaphore_mem>>) src(%dma_wait3A_488 : memref<80xi32, #tpu.memory_space<hbm>>) dst(%arg14 : memref<80xi32, #tpu.memory_space<vmem>>)
      tpu.yield
    }) : () -> ()
    %add3A_61 = arith.constant 9920 : i32
    %add3A_62 = arith.addi %mul3A_2, %add3A_61 : i32
    "tpu.region"() ({
      %run_scoped3A = tpu.sem_alloc : memref<!tpu.dma_semaphore, #tpu.memory_space<semaphore_mem>>
      %dma_start3A_485 = tpu.memref_slice %arg6[%add3A_62] : memref<160000xi32, #tpu.memory_space<hbm>> -> memref<80xi32, #tpu.memory_space<hbm>>
      %dma_start3A_486 = tpu.memref_slice %arg6[%add3A_62] : memref<160000xi32, #tpu.memory_space<hbm>> -> memref<80xi32, #tpu.memory_space<hbm>>
      tpu.enqueue_dma source(%dma_start3A_486 : memref<80xi32, #tpu.memory_space<hbm>>) target(%arg15 : memref<80xi32, #tpu.memory_space<vmem>>) target_semaphore(%run_scoped3A : memref<!tpu.dma_semaphore, #tpu.memory_space<semaphore_mem>>)
      %dma_wait3A_487 = tpu.memref_slice %arg6[%add3A_62] : memref<160000xi32, #tpu.memory_space<hbm>> -> memref<80xi32, #tpu.memory_space<hbm>>
      %dma_wait3A_488 = tpu.memref_slice %arg6[%add3A_62] : memref<160000xi32, #tpu.memory_space<hbm>> -> memref<80xi32, #tpu.memory_space<hbm>>
      tpu.wait_dma2 semaphore(%run_scoped3A : memref<!tpu.dma_semaphore, #tpu.memory_space<semaphore_mem>>) src(%dma_wait3A_488 : memref<80xi32, #tpu.memory_space<hbm>>) dst(%arg15 : memref<80xi32, #tpu.memory_space<vmem>>)
      tpu.yield
    }) : () -> ()
    %dma_start3A_63 = arith.constant 0 : i32
    %dma_start3A_64 = arith.constant 0 : i32
    %dma_start3A_65 = tpu.memref_slice %arg2[%dma_start3A_63, %dma_start3A_64] : memref<20000x128xf32, #tpu.memory_space<hbm>> -> memref<20000x128xf32, #tpu.memory_space<hbm>>
    tpu.enqueue_indirect_dma source(%dma_start3A_65 : memref<20000x128xf32, #tpu.memory_space<hbm>>) target(%arg18 : memref<80x128xf32, #tpu.memory_space<vmem>>) offsets(%arg14 : memref<80xi32, #tpu.memory_space<vmem>>) semaphore(%arg20 : memref<!tpu.dma_semaphore, #tpu.memory_space<semaphore_mem>>)
    %dma_wait3A_66 = arith.constant 0 : i32
    %dma_wait3A_67 = arith.constant 0 : i32
    %dma_wait3A_68 = tpu.memref_slice %arg2[%dma_wait3A_66, %dma_wait3A_67] : memref<20000x128xf32, #tpu.memory_space<hbm>> -> memref<20000x128xf32, #tpu.memory_space<hbm>>
    tpu.wait_indirect_dma semaphore(%arg20 : memref<!tpu.dma_semaphore, #tpu.memory_space<semaphore_mem>>) src(%dma_wait3A_68 : memref<20000x128xf32, #tpu.memory_space<hbm>>) dst(%arg18 : memref<80x128xf32, #tpu.memory_space<vmem>>)
    "tpu.region"() ({
      %run_scoped3A = tpu.sem_alloc : memref<!tpu.dma_semaphore, #tpu.memory_space<semaphore_mem>>
      %dma_start3A_485 = arith.constant 0 : i32
      %dma_start3A_486 = arith.constant 0 : i32
      %dma_start3A_487 = tpu.memref_slice %arg13[%dma_start3A_485, %dma_start3A_486] : memref<10240x128xf32, #tpu.memory_space<vmem_shared>> -> memref<10240x128xf32, #tpu.memory_space<vmem_shared>>
      tpu.enqueue_indirect_dma source(%arg18 : memref<80x128xf32, #tpu.memory_space<vmem>>) target(%dma_start3A_487 : memref<10240x128xf32, #tpu.memory_space<vmem_shared>>) offsets(%arg15 : memref<80xi32, #tpu.memory_space<vmem>>) semaphore(%run_scoped3A : memref<!tpu.dma_semaphore, #tpu.memory_space<semaphore_mem>>) {add = true}
      %dma_wait3A_488 = arith.constant 0 : i32
      %dma_wait3A_489 = arith.constant 0 : i32
      %dma_wait3A_490 = tpu.memref_slice %arg13[%dma_wait3A_488, %dma_wait3A_489] : memref<10240x128xf32, #tpu.memory_space<vmem_shared>> -> memref<10240x128xf32, #tpu.memory_space<vmem_shared>>
      tpu.wait_indirect_dma semaphore(%run_scoped3A : memref<!tpu.dma_semaphore, #tpu.memory_space<semaphore_mem>>) src(%arg18 : memref<80x128xf32, #tpu.memory_space<vmem>>) dst(%dma_wait3A_490 : memref<10240x128xf32, #tpu.memory_space<vmem_shared>>)
      tpu.yield
    }) : () -> ()
    %barrier3A_69 = arith.constant 0 : index
    tpu.barrier barrier_id(%barrier3A_69)
    %add3A_70 = arith.constant 0 : i32
    %add3A_71 = arith.addi %mul3A_0, %add3A_70 : i32
    "tpu.region"() ({
      %run_scoped3A = tpu.sem_alloc : memref<!tpu.dma_semaphore, #tpu.memory_space<semaphore_mem>>
      %dma_start3A_485 = arith.constant 0 : i32
      %dma_start3A_486 = tpu.memref_slice %arg13[%add3A_71, %dma_start3A_485] : memref<10240x128xf32, #tpu.memory_space<vmem_shared>> -> memref<80x128xf32, #tpu.memory_space<vmem_shared>>
      %dma_start3A_487 = arith.constant 0 : i32
      %dma_start3A_488 = tpu.memref_slice %arg13[%add3A_71, %dma_start3A_487] : memref<10240x128xf32, #tpu.memory_space<vmem_shared>> -> memref<80x128xf32, #tpu.memory_space<vmem_shared>>
      tpu.enqueue_dma source(%dma_start3A_488 : memref<80x128xf32, #tpu.memory_space<vmem_shared>>) target(%arg18 : memref<80x128xf32, #tpu.memory_space<vmem>>) target_semaphore(%run_scoped3A : memref<!tpu.dma_semaphore, #tpu.memory_space<semaphore_mem>>)
      %dma_wait3A_489 = arith.constant 0 : i32
      %dma_wait3A_490 = tpu.memref_slice %arg13[%add3A_71, %dma_wait3A_489] : memref<10240x128xf32, #tpu.memory_space<vmem_shared>> -> memref<80x128xf32, #tpu.memory_space<vmem_shared>>
      %dma_wait3A_491 = arith.constant 0 : i32
      %dma_wait3A_492 = tpu.memref_slice %arg13[%add3A_71, %dma_wait3A_491] : memref<10240x128xf32, #tpu.memory_space<vmem_shared>> -> memref<80x128xf32, #tpu.memory_space<vmem_shared>>
      tpu.wait_dma2 semaphore(%run_scoped3A : memref<!tpu.dma_semaphore, #tpu.memory_space<semaphore_mem>>) src(%dma_wait3A_492 : memref<80x128xf32, #tpu.memory_space<vmem_shared>>) dst(%arg18 : memref<80x128xf32, #tpu.memory_space<vmem>>)
      tpu.yield
    }) : () -> ()
    %add3A_72 = arith.constant 0 : i32
    %add3A_73 = arith.addi %add3A_7, %add3A_72 : i32
    %dma_start3A_74 = arith.constant 0 : i32
    %dma_start3A_75 = tpu.memref_slice %arg10[%add3A_73, %dma_start3A_74] : memref<20480x128xf32, #tpu.memory_space<hbm>> -> memref<80x128xf32, #tpu.memory_space<hbm>>
    %dma_start3A_76 = arith.constant 0 : i32
    %dma_start3A_77 = tpu.memref_slice %arg10[%add3A_73, %dma_start3A_76] : memref<20480x128xf32, #tpu.memory_space<hbm>> -> memref<80x128xf32, #tpu.memory_space<hbm>>
    tpu.enqueue_dma source(%arg18 : memref<80x128xf32, #tpu.memory_space<vmem>>) target(%dma_start3A_77 : memref<80x128xf32, #tpu.memory_space<hbm>>) target_semaphore(%arg23 : memref<!tpu.dma_semaphore, #tpu.memory_space<semaphore_mem>>)
    %add3A_78 = arith.constant 80 : i32
    %add3A_79 = arith.addi %mul3A_0, %add3A_78 : i32
    "tpu.region"() ({
      %run_scoped3A = tpu.sem_alloc : memref<!tpu.dma_semaphore, #tpu.memory_space<semaphore_mem>>
      %dma_start3A_485 = arith.constant 0 : i32
      %dma_start3A_486 = tpu.memref_slice %arg13[%add3A_79, %dma_start3A_485] : memref<10240x128xf32, #tpu.memory_space<vmem_shared>> -> memref<80x128xf32, #tpu.memory_space<vmem_shared>>
      %dma_start3A_487 = arith.constant 0 : i32
      %dma_start3A_488 = tpu.memref_slice %arg13[%add3A_79, %dma_start3A_487] : memref<10240x128xf32, #tpu.memory_space<vmem_shared>> -> memref<80x128xf32, #tpu.memory_space<vmem_shared>>
      tpu.enqueue_dma source(%dma_start3A_488 : memref<80x128xf32, #tpu.memory_space<vmem_shared>>) target(%arg19 : memref<80x128xf32, #tpu.memory_space<vmem>>) target_semaphore(%run_scoped3A : memref<!tpu.dma_semaphore, #tpu.memory_space<semaphore_mem>>)
      %dma_wait3A_489 = arith.constant 0 : i32
      %dma_wait3A_490 = tpu.memref_slice %arg13[%add3A_79, %dma_wait3A_489] : memref<10240x128xf32, #tpu.memory_space<vmem_shared>> -> memref<80x128xf32, #tpu.memory_space<vmem_shared>>
      %dma_wait3A_491 = arith.constant 0 : i32
      %dma_wait3A_492 = tpu.memref_slice %arg13[%add3A_79, %dma_wait3A_491] : memref<10240x128xf32, #tpu.memory_space<vmem_shared>> -> memref<80x128xf32, #tpu.memory_space<vmem_shared>>
      tpu.wait_dma2 semaphore(%run_scoped3A : memref<!tpu.dma_semaphore, #tpu.memory_space<semaphore_mem>>) src(%dma_wait3A_492 : memref<80x128xf32, #tpu.memory_space<vmem_shared>>) dst(%arg19 : memref<80x128xf32, #tpu.memory_space<vmem>>)
      tpu.yield
    }) : () -> ()
    %add3A_80 = arith.constant 80 : i32
    %add3A_81 = arith.addi %add3A_7, %add3A_80 : i32
    %dma_start3A_82 = arith.constant 0 : i32
    %dma_start3A_83 = tpu.memref_slice %arg10[%add3A_81, %dma_start3A_82] : memref<20480x128xf32, #tpu.memory_space<hbm>> -> memref<80x128xf32, #tpu.memory_space<hbm>>
    %dma_start3A_84 = arith.constant 0 : i32
    %dma_start3A_85 = tpu.memref_slice %arg10[%add3A_81, %dma_start3A_84] : memref<20480x128xf32, #tpu.memory_space<hbm>> -> memref<80x128xf32, #tpu.memory_space<hbm>>
    tpu.enqueue_dma source(%arg19 : memref<80x128xf32, #tpu.memory_space<vmem>>) target(%dma_start3A_85 : memref<80x128xf32, #tpu.memory_space<hbm>>) target_semaphore(%arg23 : memref<!tpu.dma_semaphore, #tpu.memory_space<semaphore_mem>>)
    %dma_wait3A_86 = arith.constant 0 : i32
    %dma_wait3A_87 = tpu.memref_slice %arg10[%add3A_73, %dma_wait3A_86] : memref<20480x128xf32, #tpu.memory_space<hbm>> -> memref<80x128xf32, #tpu.memory_space<hbm>>
    %dma_wait3A_88 = arith.constant 0 : i32
    %dma_wait3A_89 = tpu.memref_slice %arg10[%add3A_73, %dma_wait3A_88] : memref<20480x128xf32, #tpu.memory_space<hbm>> -> memref<80x128xf32, #tpu.memory_space<hbm>>
    tpu.wait_dma2 semaphore(%arg23 : memref<!tpu.dma_semaphore, #tpu.memory_space<semaphore_mem>>) src(%arg18 : memref<80x128xf32, #tpu.memory_space<vmem>>) dst(%dma_wait3A_89 : memref<80x128xf32, #tpu.memory_space<hbm>>)
    %add3A_90 = arith.constant 160 : i32
    %add3A_91 = arith.addi %mul3A_0, %add3A_90 : i32
    "tpu.region"() ({
      %run_scoped3A = tpu.sem_alloc : memref<!tpu.dma_semaphore, #tpu.memory_space<semaphore_mem>>
      %dma_start3A_485 = arith.constant 0 : i32
      %dma_start3A_486 = tpu.memref_slice %arg13[%add3A_91, %dma_start3A_485] : memref<10240x128xf32, #tpu.memory_space<vmem_shared>> -> memref<80x128xf32, #tpu.memory_space<vmem_shared>>
      %dma_start3A_487 = arith.constant 0 : i32
      %dma_start3A_488 = tpu.memref_slice %arg13[%add3A_91, %dma_start3A_487] : memref<10240x128xf32, #tpu.memory_space<vmem_shared>> -> memref<80x128xf32, #tpu.memory_space<vmem_shared>>
      tpu.enqueue_dma source(%dma_start3A_488 : memref<80x128xf32, #tpu.memory_space<vmem_shared>>) target(%arg18 : memref<80x128xf32, #tpu.memory_space<vmem>>) target_semaphore(%run_scoped3A : memref<!tpu.dma_semaphore, #tpu.memory_space<semaphore_mem>>)
      %dma_wait3A_489 = arith.constant 0 : i32
      %dma_wait3A_490 = tpu.memref_slice %arg13[%add3A_91, %dma_wait3A_489] : memref<10240x128xf32, #tpu.memory_space<vmem_shared>> -> memref<80x128xf32, #tpu.memory_space<vmem_shared>>
      %dma_wait3A_491 = arith.constant 0 : i32
      %dma_wait3A_492 = tpu.memref_slice %arg13[%add3A_91, %dma_wait3A_491] : memref<10240x128xf32, #tpu.memory_space<vmem_shared>> -> memref<80x128xf32, #tpu.memory_space<vmem_shared>>
      tpu.wait_dma2 semaphore(%run_scoped3A : memref<!tpu.dma_semaphore, #tpu.memory_space<semaphore_mem>>) src(%dma_wait3A_492 : memref<80x128xf32, #tpu.memory_space<vmem_shared>>) dst(%arg18 : memref<80x128xf32, #tpu.memory_space<vmem>>)
      tpu.yield
    }) : () -> ()
    %add3A_92 = arith.constant 160 : i32
    %add3A_93 = arith.addi %add3A_7, %add3A_92 : i32
    %dma_start3A_94 = arith.constant 0 : i32
    %dma_start3A_95 = tpu.memref_slice %arg10[%add3A_93, %dma_start3A_94] : memref<20480x128xf32, #tpu.memory_space<hbm>> -> memref<80x128xf32, #tpu.memory_space<hbm>>
    %dma_start3A_96 = arith.constant 0 : i32
    %dma_start3A_97 = tpu.memref_slice %arg10[%add3A_93, %dma_start3A_96] : memref<20480x128xf32, #tpu.memory_space<hbm>> -> memref<80x128xf32, #tpu.memory_space<hbm>>
    tpu.enqueue_dma source(%arg18 : memref<80x128xf32, #tpu.memory_space<vmem>>) target(%dma_start3A_97 : memref<80x128xf32, #tpu.memory_space<hbm>>) target_semaphore(%arg23 : memref<!tpu.dma_semaphore, #tpu.memory_space<semaphore_mem>>)
    %dma_wait3A_98 = arith.constant 0 : i32
    %dma_wait3A_99 = tpu.memref_slice %arg10[%add3A_81, %dma_wait3A_98] : memref<20480x128xf32, #tpu.memory_space<hbm>> -> memref<80x128xf32, #tpu.memory_space<hbm>>
    %dma_wait3A_100 = arith.constant 0 : i32
    %dma_wait3A_101 = tpu.memref_slice %arg10[%add3A_81, %dma_wait3A_100] : memref<20480x128xf32, #tpu.memory_space<hbm>> -> memref<80x128xf32, #tpu.memory_space<hbm>>
    tpu.wait_dma2 semaphore(%arg23 : memref<!tpu.dma_semaphore, #tpu.memory_space<semaphore_mem>>) src(%arg19 : memref<80x128xf32, #tpu.memory_space<vmem>>) dst(%dma_wait3A_101 : memref<80x128xf32, #tpu.memory_space<hbm>>)
    %add3A_102 = arith.constant 240 : i32
    %add3A_103 = arith.addi %mul3A_0, %add3A_102 : i32
    "tpu.region"() ({
      %run_scoped3A = tpu.sem_alloc : memref<!tpu.dma_semaphore, #tpu.memory_space<semaphore_mem>>
      %dma_start3A_485 = arith.constant 0 : i32
      %dma_start3A_486 = tpu.memref_slice %arg13[%add3A_103, %dma_start3A_485] : memref<10240x128xf32, #tpu.memory_space<vmem_shared>> -> memref<80x128xf32, #tpu.memory_space<vmem_shared>>
      %dma_start3A_487 = arith.constant 0 : i32
      %dma_start3A_488 = tpu.memref_slice %arg13[%add3A_103, %dma_start3A_487] : memref<10240x128xf32, #tpu.memory_space<vmem_shared>> -> memref<80x128xf32, #tpu.memory_space<vmem_shared>>
      tpu.enqueue_dma source(%dma_start3A_488 : memref<80x128xf32, #tpu.memory_space<vmem_shared>>) target(%arg19 : memref<80x128xf32, #tpu.memory_space<vmem>>) target_semaphore(%run_scoped3A : memref<!tpu.dma_semaphore, #tpu.memory_space<semaphore_mem>>)
      %dma_wait3A_489 = arith.constant 0 : i32
      %dma_wait3A_490 = tpu.memref_slice %arg13[%add3A_103, %dma_wait3A_489] : memref<10240x128xf32, #tpu.memory_space<vmem_shared>> -> memref<80x128xf32, #tpu.memory_space<vmem_shared>>
      %dma_wait3A_491 = arith.constant 0 : i32
      %dma_wait3A_492 = tpu.memref_slice %arg13[%add3A_103, %dma_wait3A_491] : memref<10240x128xf32, #tpu.memory_space<vmem_shared>> -> memref<80x128xf32, #tpu.memory_space<vmem_shared>>
      tpu.wait_dma2 semaphore(%run_scoped3A : memref<!tpu.dma_semaphore, #tpu.memory_space<semaphore_mem>>) src(%dma_wait3A_492 : memref<80x128xf32, #tpu.memory_space<vmem_shared>>) dst(%arg19 : memref<80x128xf32, #tpu.memory_space<vmem>>)
      tpu.yield
    }) : () -> ()
    %add3A_104 = arith.constant 240 : i32
    %add3A_105 = arith.addi %add3A_7, %add3A_104 : i32
    %dma_start3A_106 = arith.constant 0 : i32
    %dma_start3A_107 = tpu.memref_slice %arg10[%add3A_105, %dma_start3A_106] : memref<20480x128xf32, #tpu.memory_space<hbm>> -> memref<80x128xf32, #tpu.memory_space<hbm>>
    %dma_start3A_108 = arith.constant 0 : i32
    %dma_start3A_109 = tpu.memref_slice %arg10[%add3A_105, %dma_start3A_108] : memref<20480x128xf32, #tpu.memory_space<hbm>> -> memref<80x128xf32, #tpu.memory_space<hbm>>
    tpu.enqueue_dma source(%arg19 : memref<80x128xf32, #tpu.memory_space<vmem>>) target(%dma_start3A_109 : memref<80x128xf32, #tpu.memory_space<hbm>>) target_semaphore(%arg23 : memref<!tpu.dma_semaphore, #tpu.memory_space<semaphore_mem>>)
    %dma_wait3A_110 = arith.constant 0 : i32
    %dma_wait3A_111 = tpu.memref_slice %arg10[%add3A_93, %dma_wait3A_110] : memref<20480x128xf32, #tpu.memory_space<hbm>> -> memref<80x128xf32, #tpu.memory_space<hbm>>
    %dma_wait3A_112 = arith.constant 0 : i32
    %dma_wait3A_113 = tpu.memref_slice %arg10[%add3A_93, %dma_wait3A_112] : memref<20480x128xf32, #tpu.memory_space<hbm>> -> memref<80x128xf32, #tpu.memory_space<hbm>>
    tpu.wait_dma2 semaphore(%arg23 : memref<!tpu.dma_semaphore, #tpu.memory_space<semaphore_mem>>) src(%arg18 : memref<80x128xf32, #tpu.memory_space<vmem>>) dst(%dma_wait3A_113 : memref<80x128xf32, #tpu.memory_space<hbm>>)
    %add3A_114 = arith.constant 320 : i32
    %add3A_115 = arith.addi %mul3A_0, %add3A_114 : i32
    "tpu.region"() ({
      %run_scoped3A = tpu.sem_alloc : memref<!tpu.dma_semaphore, #tpu.memory_space<semaphore_mem>>
      %dma_start3A_485 = arith.constant 0 : i32
      %dma_start3A_486 = tpu.memref_slice %arg13[%add3A_115, %dma_start3A_485] : memref<10240x128xf32, #tpu.memory_space<vmem_shared>> -> memref<80x128xf32, #tpu.memory_space<vmem_shared>>
      %dma_start3A_487 = arith.constant 0 : i32
      %dma_start3A_488 = tpu.memref_slice %arg13[%add3A_115, %dma_start3A_487] : memref<10240x128xf32, #tpu.memory_space<vmem_shared>> -> memref<80x128xf32, #tpu.memory_space<vmem_shared>>
      tpu.enqueue_dma source(%dma_start3A_488 : memref<80x128xf32, #tpu.memory_space<vmem_shared>>) target(%arg18 : memref<80x128xf32, #tpu.memory_space<vmem>>) target_semaphore(%run_scoped3A : memref<!tpu.dma_semaphore, #tpu.memory_space<semaphore_mem>>)
      %dma_wait3A_489 = arith.constant 0 : i32
      %dma_wait3A_490 = tpu.memref_slice %arg13[%add3A_115, %dma_wait3A_489] : memref<10240x128xf32, #tpu.memory_space<vmem_shared>> -> memref<80x128xf32, #tpu.memory_space<vmem_shared>>
      %dma_wait3A_491 = arith.constant 0 : i32
      %dma_wait3A_492 = tpu.memref_slice %arg13[%add3A_115, %dma_wait3A_491] : memref<10240x128xf32, #tpu.memory_space<vmem_shared>> -> memref<80x128xf32, #tpu.memory_space<vmem_shared>>
      tpu.wait_dma2 semaphore(%run_scoped3A : memref<!tpu.dma_semaphore, #tpu.memory_space<semaphore_mem>>) src(%dma_wait3A_492 : memref<80x128xf32, #tpu.memory_space<vmem_shared>>) dst(%arg18 : memref<80x128xf32, #tpu.memory_space<vmem>>)
      tpu.yield
    }) : () -> ()
    %add3A_116 = arith.constant 320 : i32
    %add3A_117 = arith.addi %add3A_7, %add3A_116 : i32
    %dma_start3A_118 = arith.constant 0 : i32
    %dma_start3A_119 = tpu.memref_slice %arg10[%add3A_117, %dma_start3A_118] : memref<20480x128xf32, #tpu.memory_space<hbm>> -> memref<80x128xf32, #tpu.memory_space<hbm>>
    %dma_start3A_120 = arith.constant 0 : i32
    %dma_start3A_121 = tpu.memref_slice %arg10[%add3A_117, %dma_start3A_120] : memref<20480x128xf32, #tpu.memory_space<hbm>> -> memref<80x128xf32, #tpu.memory_space<hbm>>
    tpu.enqueue_dma source(%arg18 : memref<80x128xf32, #tpu.memory_space<vmem>>) target(%dma_start3A_121 : memref<80x128xf32, #tpu.memory_space<hbm>>) target_semaphore(%arg23 : memref<!tpu.dma_semaphore, #tpu.memory_space<semaphore_mem>>)
    %dma_wait3A_122 = arith.constant 0 : i32
    %dma_wait3A_123 = tpu.memref_slice %arg10[%add3A_105, %dma_wait3A_122] : memref<20480x128xf32, #tpu.memory_space<hbm>> -> memref<80x128xf32, #tpu.memory_space<hbm>>
    %dma_wait3A_124 = arith.constant 0 : i32
    %dma_wait3A_125 = tpu.memref_slice %arg10[%add3A_105, %dma_wait3A_124] : memref<20480x128xf32, #tpu.memory_space<hbm>> -> memref<80x128xf32, #tpu.memory_space<hbm>>
    tpu.wait_dma2 semaphore(%arg23 : memref<!tpu.dma_semaphore, #tpu.memory_space<semaphore_mem>>) src(%arg19 : memref<80x128xf32, #tpu.memory_space<vmem>>) dst(%dma_wait3A_125 : memref<80x128xf32, #tpu.memory_space<hbm>>)
    %add3A_126 = arith.constant 400 : i32
    %add3A_127 = arith.addi %mul3A_0, %add3A_126 : i32
    "tpu.region"() ({
      %run_scoped3A = tpu.sem_alloc : memref<!tpu.dma_semaphore, #tpu.memory_space<semaphore_mem>>
      %dma_start3A_485 = arith.constant 0 : i32
      %dma_start3A_486 = tpu.memref_slice %arg13[%add3A_127, %dma_start3A_485] : memref<10240x128xf32, #tpu.memory_space<vmem_shared>> -> memref<80x128xf32, #tpu.memory_space<vmem_shared>>
      %dma_start3A_487 = arith.constant 0 : i32
      %dma_start3A_488 = tpu.memref_slice %arg13[%add3A_127, %dma_start3A_487] : memref<10240x128xf32, #tpu.memory_space<vmem_shared>> -> memref<80x128xf32, #tpu.memory_space<vmem_shared>>
      tpu.enqueue_dma source(%dma_start3A_488 : memref<80x128xf32, #tpu.memory_space<vmem_shared>>) target(%arg19 : memref<80x128xf32, #tpu.memory_space<vmem>>) target_semaphore(%run_scoped3A : memref<!tpu.dma_semaphore, #tpu.memory_space<semaphore_mem>>)
      %dma_wait3A_489 = arith.constant 0 : i32
      %dma_wait3A_490 = tpu.memref_slice %arg13[%add3A_127, %dma_wait3A_489] : memref<10240x128xf32, #tpu.memory_space<vmem_shared>> -> memref<80x128xf32, #tpu.memory_space<vmem_shared>>
      %dma_wait3A_491 = arith.constant 0 : i32
      %dma_wait3A_492 = tpu.memref_slice %arg13[%add3A_127, %dma_wait3A_491] : memref<10240x128xf32, #tpu.memory_space<vmem_shared>> -> memref<80x128xf32, #tpu.memory_space<vmem_shared>>
      tpu.wait_dma2 semaphore(%run_scoped3A : memref<!tpu.dma_semaphore, #tpu.memory_space<semaphore_mem>>) src(%dma_wait3A_492 : memref<80x128xf32, #tpu.memory_space<vmem_shared>>) dst(%arg19 : memref<80x128xf32, #tpu.memory_space<vmem>>)
      tpu.yield
    }) : () -> ()
    %add3A_128 = arith.constant 400 : i32
    %add3A_129 = arith.addi %add3A_7, %add3A_128 : i32
    %dma_start3A_130 = arith.constant 0 : i32
    %dma_start3A_131 = tpu.memref_slice %arg10[%add3A_129, %dma_start3A_130] : memref<20480x128xf32, #tpu.memory_space<hbm>> -> memref<80x128xf32, #tpu.memory_space<hbm>>
    %dma_start3A_132 = arith.constant 0 : i32
    %dma_start3A_133 = tpu.memref_slice %arg10[%add3A_129, %dma_start3A_132] : memref<20480x128xf32, #tpu.memory_space<hbm>> -> memref<80x128xf32, #tpu.memory_space<hbm>>
    tpu.enqueue_dma source(%arg19 : memref<80x128xf32, #tpu.memory_space<vmem>>) target(%dma_start3A_133 : memref<80x128xf32, #tpu.memory_space<hbm>>) target_semaphore(%arg23 : memref<!tpu.dma_semaphore, #tpu.memory_space<semaphore_mem>>)
    %dma_wait3A_134 = arith.constant 0 : i32
    %dma_wait3A_135 = tpu.memref_slice %arg10[%add3A_117, %dma_wait3A_134] : memref<20480x128xf32, #tpu.memory_space<hbm>> -> memref<80x128xf32, #tpu.memory_space<hbm>>
    %dma_wait3A_136 = arith.constant 0 : i32
    %dma_wait3A_137 = tpu.memref_slice %arg10[%add3A_117, %dma_wait3A_136] : memref<20480x128xf32, #tpu.memory_space<hbm>> -> memref<80x128xf32, #tpu.memory_space<hbm>>
    tpu.wait_dma2 semaphore(%arg23 : memref<!tpu.dma_semaphore, #tpu.memory_space<semaphore_mem>>) src(%arg18 : memref<80x128xf32, #tpu.memory_space<vmem>>) dst(%dma_wait3A_137 : memref<80x128xf32, #tpu.memory_space<hbm>>)
    %add3A_138 = arith.constant 480 : i32
    %add3A_139 = arith.addi %mul3A_0, %add3A_138 : i32
    "tpu.region"() ({
      %run_scoped3A = tpu.sem_alloc : memref<!tpu.dma_semaphore, #tpu.memory_space<semaphore_mem>>
      %dma_start3A_485 = arith.constant 0 : i32
      %dma_start3A_486 = tpu.memref_slice %arg13[%add3A_139, %dma_start3A_485] : memref<10240x128xf32, #tpu.memory_space<vmem_shared>> -> memref<80x128xf32, #tpu.memory_space<vmem_shared>>
      %dma_start3A_487 = arith.constant 0 : i32
      %dma_start3A_488 = tpu.memref_slice %arg13[%add3A_139, %dma_start3A_487] : memref<10240x128xf32, #tpu.memory_space<vmem_shared>> -> memref<80x128xf32, #tpu.memory_space<vmem_shared>>
      tpu.enqueue_dma source(%dma_start3A_488 : memref<80x128xf32, #tpu.memory_space<vmem_shared>>) target(%arg18 : memref<80x128xf32, #tpu.memory_space<vmem>>) target_semaphore(%run_scoped3A : memref<!tpu.dma_semaphore, #tpu.memory_space<semaphore_mem>>)
      %dma_wait3A_489 = arith.constant 0 : i32
      %dma_wait3A_490 = tpu.memref_slice %arg13[%add3A_139, %dma_wait3A_489] : memref<10240x128xf32, #tpu.memory_space<vmem_shared>> -> memref<80x128xf32, #tpu.memory_space<vmem_shared>>
      %dma_wait3A_491 = arith.constant 0 : i32
      %dma_wait3A_492 = tpu.memref_slice %arg13[%add3A_139, %dma_wait3A_491] : memref<10240x128xf32, #tpu.memory_space<vmem_shared>> -> memref<80x128xf32, #tpu.memory_space<vmem_shared>>
      tpu.wait_dma2 semaphore(%run_scoped3A : memref<!tpu.dma_semaphore, #tpu.memory_space<semaphore_mem>>) src(%dma_wait3A_492 : memref<80x128xf32, #tpu.memory_space<vmem_shared>>) dst(%arg18 : memref<80x128xf32, #tpu.memory_space<vmem>>)
      tpu.yield
    }) : () -> ()
    %add3A_140 = arith.constant 480 : i32
    %add3A_141 = arith.addi %add3A_7, %add3A_140 : i32
    %dma_start3A_142 = arith.constant 0 : i32
    %dma_start3A_143 = tpu.memref_slice %arg10[%add3A_141, %dma_start3A_142] : memref<20480x128xf32, #tpu.memory_space<hbm>> -> memref<80x128xf32, #tpu.memory_space<hbm>>
    %dma_start3A_144 = arith.constant 0 : i32
    %dma_start3A_145 = tpu.memref_slice %arg10[%add3A_141, %dma_start3A_144] : memref<20480x128xf32, #tpu.memory_space<hbm>> -> memref<80x128xf32, #tpu.memory_space<hbm>>
    tpu.enqueue_dma source(%arg18 : memref<80x128xf32, #tpu.memory_space<vmem>>) target(%dma_start3A_145 : memref<80x128xf32, #tpu.memory_space<hbm>>) target_semaphore(%arg23 : memref<!tpu.dma_semaphore, #tpu.memory_space<semaphore_mem>>)
    %dma_wait3A_146 = arith.constant 0 : i32
    %dma_wait3A_147 = tpu.memref_slice %arg10[%add3A_129, %dma_wait3A_146] : memref<20480x128xf32, #tpu.memory_space<hbm>> -> memref<80x128xf32, #tpu.memory_space<hbm>>
    %dma_wait3A_148 = arith.constant 0 : i32
    %dma_wait3A_149 = tpu.memref_slice %arg10[%add3A_129, %dma_wait3A_148] : memref<20480x128xf32, #tpu.memory_space<hbm>> -> memref<80x128xf32, #tpu.memory_space<hbm>>
    tpu.wait_dma2 semaphore(%arg23 : memref<!tpu.dma_semaphore, #tpu.memory_space<semaphore_mem>>) src(%arg19 : memref<80x128xf32, #tpu.memory_space<vmem>>) dst(%dma_wait3A_149 : memref<80x128xf32, #tpu.memory_space<hbm>>)
    %add3A_150 = arith.constant 560 : i32
    %add3A_151 = arith.addi %mul3A_0, %add3A_150 : i32
    "tpu.region"() ({
      %run_scoped3A = tpu.sem_alloc : memref<!tpu.dma_semaphore, #tpu.memory_space<semaphore_mem>>
      %dma_start3A_485 = arith.constant 0 : i32
      %dma_start3A_486 = tpu.memref_slice %arg13[%add3A_151, %dma_start3A_485] : memref<10240x128xf32, #tpu.memory_space<vmem_shared>> -> memref<80x128xf32, #tpu.memory_space<vmem_shared>>
      %dma_start3A_487 = arith.constant 0 : i32
      %dma_start3A_488 = tpu.memref_slice %arg13[%add3A_151, %dma_start3A_487] : memref<10240x128xf32, #tpu.memory_space<vmem_shared>> -> memref<80x128xf32, #tpu.memory_space<vmem_shared>>
      tpu.enqueue_dma source(%dma_start3A_488 : memref<80x128xf32, #tpu.memory_space<vmem_shared>>) target(%arg19 : memref<80x128xf32, #tpu.memory_space<vmem>>) target_semaphore(%run_scoped3A : memref<!tpu.dma_semaphore, #tpu.memory_space<semaphore_mem>>)
      %dma_wait3A_489 = arith.constant 0 : i32
      %dma_wait3A_490 = tpu.memref_slice %arg13[%add3A_151, %dma_wait3A_489] : memref<10240x128xf32, #tpu.memory_space<vmem_shared>> -> memref<80x128xf32, #tpu.memory_space<vmem_shared>>
      %dma_wait3A_491 = arith.constant 0 : i32
      %dma_wait3A_492 = tpu.memref_slice %arg13[%add3A_151, %dma_wait3A_491] : memref<10240x128xf32, #tpu.memory_space<vmem_shared>> -> memref<80x128xf32, #tpu.memory_space<vmem_shared>>
      tpu.wait_dma2 semaphore(%run_scoped3A : memref<!tpu.dma_semaphore, #tpu.memory_space<semaphore_mem>>) src(%dma_wait3A_492 : memref<80x128xf32, #tpu.memory_space<vmem_shared>>) dst(%arg19 : memref<80x128xf32, #tpu.memory_space<vmem>>)
      tpu.yield
    }) : () -> ()
    %add3A_152 = arith.constant 560 : i32
    %add3A_153 = arith.addi %add3A_7, %add3A_152 : i32
    %dma_start3A_154 = arith.constant 0 : i32
    %dma_start3A_155 = tpu.memref_slice %arg10[%add3A_153, %dma_start3A_154] : memref<20480x128xf32, #tpu.memory_space<hbm>> -> memref<80x128xf32, #tpu.memory_space<hbm>>
    %dma_start3A_156 = arith.constant 0 : i32
    %dma_start3A_157 = tpu.memref_slice %arg10[%add3A_153, %dma_start3A_156] : memref<20480x128xf32, #tpu.memory_space<hbm>> -> memref<80x128xf32, #tpu.memory_space<hbm>>
    tpu.enqueue_dma source(%arg19 : memref<80x128xf32, #tpu.memory_space<vmem>>) target(%dma_start3A_157 : memref<80x128xf32, #tpu.memory_space<hbm>>) target_semaphore(%arg23 : memref<!tpu.dma_semaphore, #tpu.memory_space<semaphore_mem>>)
    %dma_wait3A_158 = arith.constant 0 : i32
    %dma_wait3A_159 = tpu.memref_slice %arg10[%add3A_141, %dma_wait3A_158] : memref<20480x128xf32, #tpu.memory_space<hbm>> -> memref<80x128xf32, #tpu.memory_space<hbm>>
    %dma_wait3A_160 = arith.constant 0 : i32
    %dma_wait3A_161 = tpu.memref_slice %arg10[%add3A_141, %dma_wait3A_160] : memref<20480x128xf32, #tpu.memory_space<hbm>> -> memref<80x128xf32, #tpu.memory_space<hbm>>
    tpu.wait_dma2 semaphore(%arg23 : memref<!tpu.dma_semaphore, #tpu.memory_space<semaphore_mem>>) src(%arg18 : memref<80x128xf32, #tpu.memory_space<vmem>>) dst(%dma_wait3A_161 : memref<80x128xf32, #tpu.memory_space<hbm>>)
    %dma_wait3A_162 = arith.constant 0 : i32
    %dma_wait3A_163 = tpu.memref_slice %arg10[%add3A_153, %dma_wait3A_162] : memref<20480x128xf32, #tpu.memory_space<hbm>> -> memref<80x128xf32, #tpu.memory_space<hbm>>
    %dma_wait3A_164 = arith.constant 0 : i32
    %dma_wait3A_165 = tpu.memref_slice %arg10[%add3A_153, %dma_wait3A_164] : memref<20480x128xf32, #tpu.memory_space<hbm>> -> memref<80x128xf32, #tpu.memory_space<hbm>>
    tpu.wait_dma2 semaphore(%arg23 : memref<!tpu.dma_semaphore, #tpu.memory_space<semaphore_mem>>) src(%arg19 : memref<80x128xf32, #tpu.memory_space<vmem>>) dst(%dma_wait3A_165 : memref<80x128xf32, #tpu.memory_space<hbm>>)
    %barrier3A_166 = arith.constant 0 : index
    tpu.barrier barrier_id(%barrier3A_166)
    %add3A_167 = arith.constant 0 : i32
    %add3A_168 = arith.addi %mul3A_0, %add3A_167 : i32
    %dma_start3A_169 = arith.constant 0 : i32
    %dma_start3A_170 = tpu.memref_slice %arg13[%add3A_168, %dma_start3A_169] : memref<10240x128xf32, #tpu.memory_space<vmem_shared>> -> memref<80x128xf32, #tpu.memory_space<vmem_shared>>
    tpu.enqueue_dma source(%arg8 : memref<80x128xf32, #tpu.memory_space<hbm>>) target(%dma_start3A_170 : memref<80x128xf32, #tpu.memory_space<vmem_shared>>) target_semaphore(%arg22 : memref<!tpu.dma_semaphore, #tpu.memory_space<semaphore_mem>>)
    %add3A_171 = arith.constant 80 : i32
    %add3A_172 = arith.addi %mul3A_0, %add3A_171 : i32
    %dma_start3A_173 = arith.constant 0 : i32
    %dma_start3A_174 = tpu.memref_slice %arg13[%add3A_172, %dma_start3A_173] : memref<10240x128xf32, #tpu.memory_space<vmem_shared>> -> memref<80x128xf32, #tpu.memory_space<vmem_shared>>
    tpu.enqueue_dma source(%arg8 : memref<80x128xf32, #tpu.memory_space<hbm>>) target(%dma_start3A_174 : memref<80x128xf32, #tpu.memory_space<vmem_shared>>) target_semaphore(%arg22 : memref<!tpu.dma_semaphore, #tpu.memory_space<semaphore_mem>>)
    %add3A_175 = arith.constant 160 : i32
    %add3A_176 = arith.addi %mul3A_0, %add3A_175 : i32
    %dma_start3A_177 = arith.constant 0 : i32
    %dma_start3A_178 = tpu.memref_slice %arg13[%add3A_176, %dma_start3A_177] : memref<10240x128xf32, #tpu.memory_space<vmem_shared>> -> memref<80x128xf32, #tpu.memory_space<vmem_shared>>
    tpu.enqueue_dma source(%arg8 : memref<80x128xf32, #tpu.memory_space<hbm>>) target(%dma_start3A_178 : memref<80x128xf32, #tpu.memory_space<vmem_shared>>) target_semaphore(%arg22 : memref<!tpu.dma_semaphore, #tpu.memory_space<semaphore_mem>>)
    %add3A_179 = arith.constant 240 : i32
    %add3A_180 = arith.addi %mul3A_0, %add3A_179 : i32
    %dma_start3A_181 = arith.constant 0 : i32
    %dma_start3A_182 = tpu.memref_slice %arg13[%add3A_180, %dma_start3A_181] : memref<10240x128xf32, #tpu.memory_space<vmem_shared>> -> memref<80x128xf32, #tpu.memory_space<vmem_shared>>
    tpu.enqueue_dma source(%arg8 : memref<80x128xf32, #tpu.memory_space<hbm>>) target(%dma_start3A_182 : memref<80x128xf32, #tpu.memory_space<vmem_shared>>) target_semaphore(%arg22 : memref<!tpu.dma_semaphore, #tpu.memory_space<semaphore_mem>>)
    %add3A_183 = arith.constant 320 : i32
    %add3A_184 = arith.addi %mul3A_0, %add3A_183 : i32
    %dma_start3A_185 = arith.constant 0 : i32
    %dma_start3A_186 = tpu.memref_slice %arg13[%add3A_184, %dma_start3A_185] : memref<10240x128xf32, #tpu.memory_space<vmem_shared>> -> memref<80x128xf32, #tpu.memory_space<vmem_shared>>
    tpu.enqueue_dma source(%arg8 : memref<80x128xf32, #tpu.memory_space<hbm>>) target(%dma_start3A_186 : memref<80x128xf32, #tpu.memory_space<vmem_shared>>) target_semaphore(%arg22 : memref<!tpu.dma_semaphore, #tpu.memory_space<semaphore_mem>>)
    %add3A_187 = arith.constant 400 : i32
    %add3A_188 = arith.addi %mul3A_0, %add3A_187 : i32
    %dma_start3A_189 = arith.constant 0 : i32
    %dma_start3A_190 = tpu.memref_slice %arg13[%add3A_188, %dma_start3A_189] : memref<10240x128xf32, #tpu.memory_space<vmem_shared>> -> memref<80x128xf32, #tpu.memory_space<vmem_shared>>
    tpu.enqueue_dma source(%arg8 : memref<80x128xf32, #tpu.memory_space<hbm>>) target(%dma_start3A_190 : memref<80x128xf32, #tpu.memory_space<vmem_shared>>) target_semaphore(%arg22 : memref<!tpu.dma_semaphore, #tpu.memory_space<semaphore_mem>>)
    %add3A_191 = arith.constant 480 : i32
    %add3A_192 = arith.addi %mul3A_0, %add3A_191 : i32
    %dma_start3A_193 = arith.constant 0 : i32
    %dma_start3A_194 = tpu.memref_slice %arg13[%add3A_192, %dma_start3A_193] : memref<10240x128xf32, #tpu.memory_space<vmem_shared>> -> memref<80x128xf32, #tpu.memory_space<vmem_shared>>
    tpu.enqueue_dma source(%arg8 : memref<80x128xf32, #tpu.memory_space<hbm>>) target(%dma_start3A_194 : memref<80x128xf32, #tpu.memory_space<vmem_shared>>) target_semaphore(%arg22 : memref<!tpu.dma_semaphore, #tpu.memory_space<semaphore_mem>>)
    %add3A_195 = arith.constant 560 : i32
    %add3A_196 = arith.addi %mul3A_0, %add3A_195 : i32
    %dma_start3A_197 = arith.constant 0 : i32
    %dma_start3A_198 = tpu.memref_slice %arg13[%add3A_196, %dma_start3A_197] : memref<10240x128xf32, #tpu.memory_space<vmem_shared>> -> memref<80x128xf32, #tpu.memory_space<vmem_shared>>
    tpu.enqueue_dma source(%arg8 : memref<80x128xf32, #tpu.memory_space<hbm>>) target(%dma_start3A_198 : memref<80x128xf32, #tpu.memory_space<vmem_shared>>) target_semaphore(%arg22 : memref<!tpu.dma_semaphore, #tpu.memory_space<semaphore_mem>>)
    %dma_wait3A_199 = arith.constant 0 : i32
    %dma_wait3A_200 = tpu.memref_slice %arg13[%add3A_168, %dma_wait3A_199] : memref<10240x128xf32, #tpu.memory_space<vmem_shared>> -> memref<80x128xf32, #tpu.memory_space<vmem_shared>>
    tpu.wait_dma2 semaphore(%arg22 : memref<!tpu.dma_semaphore, #tpu.memory_space<semaphore_mem>>) src(%arg8 : memref<80x128xf32, #tpu.memory_space<hbm>>) dst(%dma_wait3A_200 : memref<80x128xf32, #tpu.memory_space<vmem_shared>>)
    %dma_wait3A_201 = arith.constant 0 : i32
    %dma_wait3A_202 = tpu.memref_slice %arg13[%add3A_172, %dma_wait3A_201] : memref<10240x128xf32, #tpu.memory_space<vmem_shared>> -> memref<80x128xf32, #tpu.memory_space<vmem_shared>>
    tpu.wait_dma2 semaphore(%arg22 : memref<!tpu.dma_semaphore, #tpu.memory_space<semaphore_mem>>) src(%arg8 : memref<80x128xf32, #tpu.memory_space<hbm>>) dst(%dma_wait3A_202 : memref<80x128xf32, #tpu.memory_space<vmem_shared>>)
    %dma_wait3A_203 = arith.constant 0 : i32
    %dma_wait3A_204 = tpu.memref_slice %arg13[%add3A_176, %dma_wait3A_203] : memref<10240x128xf32, #tpu.memory_space<vmem_shared>> -> memref<80x128xf32, #tpu.memory_space<vmem_shared>>
    tpu.wait_dma2 semaphore(%arg22 : memref<!tpu.dma_semaphore, #tpu.memory_space<semaphore_mem>>) src(%arg8 : memref<80x128xf32, #tpu.memory_space<hbm>>) dst(%dma_wait3A_204 : memref<80x128xf32, #tpu.memory_space<vmem_shared>>)
    %dma_wait3A_205 = arith.constant 0 : i32
    %dma_wait3A_206 = tpu.memref_slice %arg13[%add3A_180, %dma_wait3A_205] : memref<10240x128xf32, #tpu.memory_space<vmem_shared>> -> memref<80x128xf32, #tpu.memory_space<vmem_shared>>
    tpu.wait_dma2 semaphore(%arg22 : memref<!tpu.dma_semaphore, #tpu.memory_space<semaphore_mem>>) src(%arg8 : memref<80x128xf32, #tpu.memory_space<hbm>>) dst(%dma_wait3A_206 : memref<80x128xf32, #tpu.memory_space<vmem_shared>>)
    %dma_wait3A_207 = arith.constant 0 : i32
    %dma_wait3A_208 = tpu.memref_slice %arg13[%add3A_184, %dma_wait3A_207] : memref<10240x128xf32, #tpu.memory_space<vmem_shared>> -> memref<80x128xf32, #tpu.memory_space<vmem_shared>>
    tpu.wait_dma2 semaphore(%arg22 : memref<!tpu.dma_semaphore, #tpu.memory_space<semaphore_mem>>) src(%arg8 : memref<80x128xf32, #tpu.memory_space<hbm>>) dst(%dma_wait3A_208 : memref<80x128xf32, #tpu.memory_space<vmem_shared>>)
    %dma_wait3A_209 = arith.constant 0 : i32
    %dma_wait3A_210 = tpu.memref_slice %arg13[%add3A_188, %dma_wait3A_209] : memref<10240x128xf32, #tpu.memory_space<vmem_shared>> -> memref<80x128xf32, #tpu.memory_space<vmem_shared>>
    tpu.wait_dma2 semaphore(%arg22 : memref<!tpu.dma_semaphore, #tpu.memory_space<semaphore_mem>>) src(%arg8 : memref<80x128xf32, #tpu.memory_space<hbm>>) dst(%dma_wait3A_210 : memref<80x128xf32, #tpu.memory_space<vmem_shared>>)
    %dma_wait3A_211 = arith.constant 0 : i32
    %dma_wait3A_212 = tpu.memref_slice %arg13[%add3A_192, %dma_wait3A_211] : memref<10240x128xf32, #tpu.memory_space<vmem_shared>> -> memref<80x128xf32, #tpu.memory_space<vmem_shared>>
    tpu.wait_dma2 semaphore(%arg22 : memref<!tpu.dma_semaphore, #tpu.memory_space<semaphore_mem>>) src(%arg8 : memref<80x128xf32, #tpu.memory_space<hbm>>) dst(%dma_wait3A_212 : memref<80x128xf32, #tpu.memory_space<vmem_shared>>)
    %dma_wait3A_213 = arith.constant 0 : i32
    %dma_wait3A_214 = tpu.memref_slice %arg13[%add3A_196, %dma_wait3A_213] : memref<10240x128xf32, #tpu.memory_space<vmem_shared>> -> memref<80x128xf32, #tpu.memory_space<vmem_shared>>
    tpu.wait_dma2 semaphore(%arg22 : memref<!tpu.dma_semaphore, #tpu.memory_space<semaphore_mem>>) src(%arg8 : memref<80x128xf32, #tpu.memory_space<hbm>>) dst(%dma_wait3A_214 : memref<80x128xf32, #tpu.memory_space<vmem_shared>>)
    %barrier3A_215 = arith.constant 0 : index
    tpu.barrier barrier_id(%barrier3A_215)
    %scan3A_216 = arith.constant 0 : i32
    %scan3A_217 = arith.constant 0 : i32
    %scan3A_218 = arith.constant 62 : i32
    %scan3A_219 = arith.addi %scan3A_217, %scan3A_218 : i32
    %scan3A_220 = arith.constant 1 : i32
    scf.for %scan3A_485 = %scan3A_217 to %scan3A_219 step %scan3A_220  : i32 {
      %mul3A_486 = arith.constant 2 : i32
      %mul3A_487 = arith.muli %mul3A_486, %scan3A_485 : i32
      %mul3A_488 = arith.constant 80 : i32
      %mul3A_489 = arith.muli %mul3A_487, %mul3A_488 : i32
      %add3A_490 = arith.constant 80 : i32
      %add3A_491 = arith.addi %mul3A_489, %add3A_490 : i32
      %add3A_492 = arith.addi %add3A, %mul3A_489 : i32
      %dma_start3A_493 = tpu.memref_slice %arg4[%add3A_492] : memref<320000xi32, #tpu.memory_space<hbm>> -> memref<80xi32, #tpu.memory_space<hbm>>
      %dma_start3A_494 = tpu.memref_slice %arg4[%add3A_492] : memref<320000xi32, #tpu.memory_space<hbm>> -> memref<80xi32, #tpu.memory_space<hbm>>
      tpu.enqueue_dma source(%dma_start3A_494 : memref<80xi32, #tpu.memory_space<hbm>>) target(%arg14 : memref<80xi32, #tpu.memory_space<vmem>>) target_semaphore(%arg24 : memref<!tpu.dma_semaphore, #tpu.memory_space<semaphore_mem>>)
      %add3A_495 = arith.addi %mul3A_2, %mul3A_489 : i32
      %dma_start3A_496 = tpu.memref_slice %arg5[%add3A_495] : memref<160000xi32, #tpu.memory_space<hbm>> -> memref<80xi32, #tpu.memory_space<hbm>>
      %dma_start3A_497 = tpu.memref_slice %arg5[%add3A_495] : memref<160000xi32, #tpu.memory_space<hbm>> -> memref<80xi32, #tpu.memory_space<hbm>>
      tpu.enqueue_dma source(%dma_start3A_497 : memref<80xi32, #tpu.memory_space<hbm>>) target(%arg15 : memref<80xi32, #tpu.memory_space<vmem>>) target_semaphore(%arg24 : memref<!tpu.dma_semaphore, #tpu.memory_space<semaphore_mem>>)
      %add3A_498 = arith.addi %add3A, %add3A_491 : i32
      %dma_start3A_499 = tpu.memref_slice %arg4[%add3A_498] : memref<320000xi32, #tpu.memory_space<hbm>> -> memref<80xi32, #tpu.memory_space<hbm>>
      %dma_start3A_500 = tpu.memref_slice %arg4[%add3A_498] : memref<320000xi32, #tpu.memory_space<hbm>> -> memref<80xi32, #tpu.memory_space<hbm>>
      tpu.enqueue_dma source(%dma_start3A_500 : memref<80xi32, #tpu.memory_space<hbm>>) target(%arg16 : memref<80xi32, #tpu.memory_space<vmem>>) target_semaphore(%arg24 : memref<!tpu.dma_semaphore, #tpu.memory_space<semaphore_mem>>)
      %add3A_501 = arith.addi %mul3A_2, %add3A_491 : i32
      %dma_start3A_502 = tpu.memref_slice %arg5[%add3A_501] : memref<160000xi32, #tpu.memory_space<hbm>> -> memref<80xi32, #tpu.memory_space<hbm>>
      %dma_start3A_503 = tpu.memref_slice %arg5[%add3A_501] : memref<160000xi32, #tpu.memory_space<hbm>> -> memref<80xi32, #tpu.memory_space<hbm>>
      tpu.enqueue_dma source(%dma_start3A_503 : memref<80xi32, #tpu.memory_space<hbm>>) target(%arg17 : memref<80xi32, #tpu.memory_space<vmem>>) target_semaphore(%arg24 : memref<!tpu.dma_semaphore, #tpu.memory_space<semaphore_mem>>)
      %dma_wait3A_504 = tpu.memref_slice %arg4[%add3A_492] : memref<320000xi32, #tpu.memory_space<hbm>> -> memref<80xi32, #tpu.memory_space<hbm>>
      %dma_wait3A_505 = tpu.memref_slice %arg4[%add3A_492] : memref<320000xi32, #tpu.memory_space<hbm>> -> memref<80xi32, #tpu.memory_space<hbm>>
      tpu.wait_dma2 semaphore(%arg24 : memref<!tpu.dma_semaphore, #tpu.memory_space<semaphore_mem>>) src(%dma_wait3A_505 : memref<80xi32, #tpu.memory_space<hbm>>) dst(%arg14 : memref<80xi32, #tpu.memory_space<vmem>>)
      %dma_wait3A_506 = tpu.memref_slice %arg5[%add3A_495] : memref<160000xi32, #tpu.memory_space<hbm>> -> memref<80xi32, #tpu.memory_space<hbm>>
      %dma_wait3A_507 = tpu.memref_slice %arg5[%add3A_495] : memref<160000xi32, #tpu.memory_space<hbm>> -> memref<80xi32, #tpu.memory_space<hbm>>
      tpu.wait_dma2 semaphore(%arg24 : memref<!tpu.dma_semaphore, #tpu.memory_space<semaphore_mem>>) src(%dma_wait3A_507 : memref<80xi32, #tpu.memory_space<hbm>>) dst(%arg15 : memref<80xi32, #tpu.memory_space<vmem>>)
      %dma_start3A_508 = arith.constant 0 : i32
      %dma_start3A_509 = arith.constant 0 : i32
      %dma_start3A_510 = tpu.memref_slice %arg2[%dma_start3A_508, %dma_start3A_509] : memref<20000x128xf32, #tpu.memory_space<hbm>> -> memref<20000x128xf32, #tpu.memory_space<hbm>>
      tpu.enqueue_indirect_dma source(%dma_start3A_510 : memref<20000x128xf32, #tpu.memory_space<hbm>>) target(%arg18 : memref<80x128xf32, #tpu.memory_space<vmem>>) offsets(%arg14 : memref<80xi32, #tpu.memory_space<vmem>>) semaphore(%arg20 : memref<!tpu.dma_semaphore, #tpu.memory_space<semaphore_mem>>)
      %dma_wait3A_511 = tpu.memref_slice %arg4[%add3A_498] : memref<320000xi32, #tpu.memory_space<hbm>> -> memref<80xi32, #tpu.memory_space<hbm>>
      %dma_wait3A_512 = tpu.memref_slice %arg4[%add3A_498] : memref<320000xi32, #tpu.memory_space<hbm>> -> memref<80xi32, #tpu.memory_space<hbm>>
      tpu.wait_dma2 semaphore(%arg24 : memref<!tpu.dma_semaphore, #tpu.memory_space<semaphore_mem>>) src(%dma_wait3A_512 : memref<80xi32, #tpu.memory_space<hbm>>) dst(%arg16 : memref<80xi32, #tpu.memory_space<vmem>>)
      %dma_wait3A_513 = tpu.memref_slice %arg5[%add3A_501] : memref<160000xi32, #tpu.memory_space<hbm>> -> memref<80xi32, #tpu.memory_space<hbm>>
      %dma_wait3A_514 = tpu.memref_slice %arg5[%add3A_501] : memref<160000xi32, #tpu.memory_space<hbm>> -> memref<80xi32, #tpu.memory_space<hbm>>
      tpu.wait_dma2 semaphore(%arg24 : memref<!tpu.dma_semaphore, #tpu.memory_space<semaphore_mem>>) src(%dma_wait3A_514 : memref<80xi32, #tpu.memory_space<hbm>>) dst(%arg17 : memref<80xi32, #tpu.memory_space<vmem>>)
      %dma_start3A_515 = arith.constant 0 : i32
      %dma_start3A_516 = arith.constant 0 : i32
      %dma_start3A_517 = tpu.memref_slice %arg2[%dma_start3A_515, %dma_start3A_516] : memref<20000x128xf32, #tpu.memory_space<hbm>> -> memref<20000x128xf32, #tpu.memory_space<hbm>>
      tpu.enqueue_indirect_dma source(%dma_start3A_517 : memref<20000x128xf32, #tpu.memory_space<hbm>>) target(%arg19 : memref<80x128xf32, #tpu.memory_space<vmem>>) offsets(%arg16 : memref<80xi32, #tpu.memory_space<vmem>>) semaphore(%arg21 : memref<!tpu.dma_semaphore, #tpu.memory_space<semaphore_mem>>)
      %dma_wait3A_518 = arith.constant 0 : i32
      %dma_wait3A_519 = arith.constant 0 : i32
      %dma_wait3A_520 = tpu.memref_slice %arg2[%dma_wait3A_518, %dma_wait3A_519] : memref<20000x128xf32, #tpu.memory_space<hbm>> -> memref<20000x128xf32, #tpu.memory_space<hbm>>
      tpu.wait_indirect_dma semaphore(%arg20 : memref<!tpu.dma_semaphore, #tpu.memory_space<semaphore_mem>>) src(%dma_wait3A_520 : memref<20000x128xf32, #tpu.memory_space<hbm>>) dst(%arg18 : memref<80x128xf32, #tpu.memory_space<vmem>>)
      %dma_start3A_521 = arith.constant 0 : i32
      %dma_start3A_522 = arith.constant 0 : i32
      %dma_start3A_523 = tpu.memref_slice %arg13[%dma_start3A_521, %dma_start3A_522] : memref<10240x128xf32, #tpu.memory_space<vmem_shared>> -> memref<10240x128xf32, #tpu.memory_space<vmem_shared>>
      tpu.enqueue_indirect_dma source(%arg18 : memref<80x128xf32, #tpu.memory_space<vmem>>) target(%dma_start3A_523 : memref<10240x128xf32, #tpu.memory_space<vmem_shared>>) offsets(%arg15 : memref<80xi32, #tpu.memory_space<vmem>>) semaphore(%arg22 : memref<!tpu.dma_semaphore, #tpu.memory_space<semaphore_mem>>) {add = true}
      %dma_wait3A_524 = arith.constant 0 : i32
      %dma_wait3A_525 = arith.constant 0 : i32
      %dma_wait3A_526 = tpu.memref_slice %arg2[%dma_wait3A_524, %dma_wait3A_525] : memref<20000x128xf32, #tpu.memory_space<hbm>> -> memref<20000x128xf32, #tpu.memory_space<hbm>>
      tpu.wait_indirect_dma semaphore(%arg21 : memref<!tpu.dma_semaphore, #tpu.memory_space<semaphore_mem>>) src(%dma_wait3A_526 : memref<20000x128xf32, #tpu.memory_space<hbm>>) dst(%arg19 : memref<80x128xf32, #tpu.memory_space<vmem>>)
      %dma_start3A_527 = arith.constant 0 : i32
      %dma_start3A_528 = arith.constant 0 : i32
      %dma_start3A_529 = tpu.memref_slice %arg13[%dma_start3A_527, %dma_start3A_528] : memref<10240x128xf32, #tpu.memory_space<vmem_shared>> -> memref<10240x128xf32, #tpu.memory_space<vmem_shared>>
      tpu.enqueue_indirect_dma source(%arg19 : memref<80x128xf32, #tpu.memory_space<vmem>>) target(%dma_start3A_529 : memref<10240x128xf32, #tpu.memory_space<vmem_shared>>) offsets(%arg17 : memref<80xi32, #tpu.memory_space<vmem>>) semaphore(%arg23 : memref<!tpu.dma_semaphore, #tpu.memory_space<semaphore_mem>>) {add = true}
      %dma_wait3A_530 = arith.constant 0 : i32
      %dma_wait3A_531 = arith.constant 0 : i32
      %dma_wait3A_532 = tpu.memref_slice %arg13[%dma_wait3A_530, %dma_wait3A_531] : memref<10240x128xf32, #tpu.memory_space<vmem_shared>> -> memref<10240x128xf32, #tpu.memory_space<vmem_shared>>
      tpu.wait_indirect_dma semaphore(%arg22 : memref<!tpu.dma_semaphore, #tpu.memory_space<semaphore_mem>>) src(%arg18 : memref<80x128xf32, #tpu.memory_space<vmem>>) dst(%dma_wait3A_532 : memref<10240x128xf32, #tpu.memory_space<vmem_shared>>)
      %dma_wait3A_533 = arith.constant 0 : i32
      %dma_wait3A_534 = arith.constant 0 : i32
      %dma_wait3A_535 = tpu.memref_slice %arg13[%dma_wait3A_533, %dma_wait3A_534] : memref<10240x128xf32, #tpu.memory_space<vmem_shared>> -> memref<10240x128xf32, #tpu.memory_space<vmem_shared>>
      tpu.wait_indirect_dma semaphore(%arg23 : memref<!tpu.dma_semaphore, #tpu.memory_space<semaphore_mem>>) src(%arg19 : memref<80x128xf32, #tpu.memory_space<vmem>>) dst(%dma_wait3A_535 : memref<10240x128xf32, #tpu.memory_space<vmem_shared>>)
    }
    %scan3A_221 = arith.constant 62 : i32
    %add3A_222 = arith.constant 9920 : i32
    %add3A_223 = arith.addi %add3A, %add3A_222 : i32
    "tpu.region"() ({
      %run_scoped3A = tpu.sem_alloc : memref<!tpu.dma_semaphore, #tpu.memory_space<semaphore_mem>>
      %dma_start3A_485 = tpu.memref_slice %arg4[%add3A_223] : memref<320000xi32, #tpu.memory_space<hbm>> -> memref<80xi32, #tpu.memory_space<hbm>>
      %dma_start3A_486 = tpu.memref_slice %arg4[%add3A_223] : memref<320000xi32, #tpu.memory_space<hbm>> -> memref<80xi32, #tpu.memory_space<hbm>>
      tpu.enqueue_dma source(%dma_start3A_486 : memref<80xi32, #tpu.memory_space<hbm>>) target(%arg14 : memref<80xi32, #tpu.memory_space<vmem>>) target_semaphore(%run_scoped3A : memref<!tpu.dma_semaphore, #tpu.memory_space<semaphore_mem>>)
      %dma_wait3A_487 = tpu.memref_slice %arg4[%add3A_223] : memref<320000xi32, #tpu.memory_space<hbm>> -> memref<80xi32, #tpu.memory_space<hbm>>
      %dma_wait3A_488 = tpu.memref_slice %arg4[%add3A_223] : memref<320000xi32, #tpu.memory_space<hbm>> -> memref<80xi32, #tpu.memory_space<hbm>>
      tpu.wait_dma2 semaphore(%run_scoped3A : memref<!tpu.dma_semaphore, #tpu.memory_space<semaphore_mem>>) src(%dma_wait3A_488 : memref<80xi32, #tpu.memory_space<hbm>>) dst(%arg14 : memref<80xi32, #tpu.memory_space<vmem>>)
      tpu.yield
    }) : () -> ()
    %add3A_224 = arith.constant 9920 : i32
    %add3A_225 = arith.addi %mul3A_2, %add3A_224 : i32
    "tpu.region"() ({
      %run_scoped3A = tpu.sem_alloc : memref<!tpu.dma_semaphore, #tpu.memory_space<semaphore_mem>>
      %dma_start3A_485 = tpu.memref_slice %arg5[%add3A_225] : memref<160000xi32, #tpu.memory_space<hbm>> -> memref<80xi32, #tpu.memory_space<hbm>>
      %dma_start3A_486 = tpu.memref_slice %arg5[%add3A_225] : memref<160000xi32, #tpu.memory_space<hbm>> -> memref<80xi32, #tpu.memory_space<hbm>>
      tpu.enqueue_dma source(%dma_start3A_486 : memref<80xi32, #tpu.memory_space<hbm>>) target(%arg15 : memref<80xi32, #tpu.memory_space<vmem>>) target_semaphore(%run_scoped3A : memref<!tpu.dma_semaphore, #tpu.memory_space<semaphore_mem>>)
      %dma_wait3A_487 = tpu.memref_slice %arg5[%add3A_225] : memref<160000xi32, #tpu.memory_space<hbm>> -> memref<80xi32, #tpu.memory_space<hbm>>
      %dma_wait3A_488 = tpu.memref_slice %arg5[%add3A_225] : memref<160000xi32, #tpu.memory_space<hbm>> -> memref<80xi32, #tpu.memory_space<hbm>>
      tpu.wait_dma2 semaphore(%run_scoped3A : memref<!tpu.dma_semaphore, #tpu.memory_space<semaphore_mem>>) src(%dma_wait3A_488 : memref<80xi32, #tpu.memory_space<hbm>>) dst(%arg15 : memref<80xi32, #tpu.memory_space<vmem>>)
      tpu.yield
    }) : () -> ()
    %dma_start3A_226 = arith.constant 0 : i32
    %dma_start3A_227 = arith.constant 0 : i32
    %dma_start3A_228 = tpu.memref_slice %arg2[%dma_start3A_226, %dma_start3A_227] : memref<20000x128xf32, #tpu.memory_space<hbm>> -> memref<20000x128xf32, #tpu.memory_space<hbm>>
    tpu.enqueue_indirect_dma source(%dma_start3A_228 : memref<20000x128xf32, #tpu.memory_space<hbm>>) target(%arg18 : memref<80x128xf32, #tpu.memory_space<vmem>>) offsets(%arg14 : memref<80xi32, #tpu.memory_space<vmem>>) semaphore(%arg20 : memref<!tpu.dma_semaphore, #tpu.memory_space<semaphore_mem>>)
    %dma_wait3A_229 = arith.constant 0 : i32
    %dma_wait3A_230 = arith.constant 0 : i32
    %dma_wait3A_231 = tpu.memref_slice %arg2[%dma_wait3A_229, %dma_wait3A_230] : memref<20000x128xf32, #tpu.memory_space<hbm>> -> memref<20000x128xf32, #tpu.memory_space<hbm>>
    tpu.wait_indirect_dma semaphore(%arg20 : memref<!tpu.dma_semaphore, #tpu.memory_space<semaphore_mem>>) src(%dma_wait3A_231 : memref<20000x128xf32, #tpu.memory_space<hbm>>) dst(%arg18 : memref<80x128xf32, #tpu.memory_space<vmem>>)
    "tpu.region"() ({
      %run_scoped3A = tpu.sem_alloc : memref<!tpu.dma_semaphore, #tpu.memory_space<semaphore_mem>>
      %dma_start3A_485 = arith.constant 0 : i32
      %dma_start3A_486 = arith.constant 0 : i32
      %dma_start3A_487 = tpu.memref_slice %arg13[%dma_start3A_485, %dma_start3A_486] : memref<10240x128xf32, #tpu.memory_space<vmem_shared>> -> memref<10240x128xf32, #tpu.memory_space<vmem_shared>>
      tpu.enqueue_indirect_dma source(%arg18 : memref<80x128xf32, #tpu.memory_space<vmem>>) target(%dma_start3A_487 : memref<10240x128xf32, #tpu.memory_space<vmem_shared>>) offsets(%arg15 : memref<80xi32, #tpu.memory_space<vmem>>) semaphore(%run_scoped3A : memref<!tpu.dma_semaphore, #tpu.memory_space<semaphore_mem>>) {add = true}
      %dma_wait3A_488 = arith.constant 0 : i32
      %dma_wait3A_489 = arith.constant 0 : i32
      %dma_wait3A_490 = tpu.memref_slice %arg13[%dma_wait3A_488, %dma_wait3A_489] : memref<10240x128xf32, #tpu.memory_space<vmem_shared>> -> memref<10240x128xf32, #tpu.memory_space<vmem_shared>>
      tpu.wait_indirect_dma semaphore(%run_scoped3A : memref<!tpu.dma_semaphore, #tpu.memory_space<semaphore_mem>>) src(%arg18 : memref<80x128xf32, #tpu.memory_space<vmem>>) dst(%dma_wait3A_490 : memref<10240x128xf32, #tpu.memory_space<vmem_shared>>)
      tpu.yield
    }) : () -> ()
    %barrier3A_232 = arith.constant 0 : index
    tpu.barrier barrier_id(%barrier3A_232)
    %add3A_233 = arith.constant 0 : i32
    %add3A_234 = arith.addi %mul3A_0, %add3A_233 : i32
    "tpu.region"() ({
      %run_scoped3A = tpu.sem_alloc : memref<!tpu.dma_semaphore, #tpu.memory_space<semaphore_mem>>
      %dma_start3A_485 = arith.constant 0 : i32
      %dma_start3A_486 = tpu.memref_slice %arg13[%add3A_234, %dma_start3A_485] : memref<10240x128xf32, #tpu.memory_space<vmem_shared>> -> memref<80x128xf32, #tpu.memory_space<vmem_shared>>
      %dma_start3A_487 = arith.constant 0 : i32
      %dma_start3A_488 = tpu.memref_slice %arg13[%add3A_234, %dma_start3A_487] : memref<10240x128xf32, #tpu.memory_space<vmem_shared>> -> memref<80x128xf32, #tpu.memory_space<vmem_shared>>
      tpu.enqueue_dma source(%dma_start3A_488 : memref<80x128xf32, #tpu.memory_space<vmem_shared>>) target(%arg18 : memref<80x128xf32, #tpu.memory_space<vmem>>) target_semaphore(%run_scoped3A : memref<!tpu.dma_semaphore, #tpu.memory_space<semaphore_mem>>)
      %dma_wait3A_489 = arith.constant 0 : i32
      %dma_wait3A_490 = tpu.memref_slice %arg13[%add3A_234, %dma_wait3A_489] : memref<10240x128xf32, #tpu.memory_space<vmem_shared>> -> memref<80x128xf32, #tpu.memory_space<vmem_shared>>
      %dma_wait3A_491 = arith.constant 0 : i32
      %dma_wait3A_492 = tpu.memref_slice %arg13[%add3A_234, %dma_wait3A_491] : memref<10240x128xf32, #tpu.memory_space<vmem_shared>> -> memref<80x128xf32, #tpu.memory_space<vmem_shared>>
      tpu.wait_dma2 semaphore(%run_scoped3A : memref<!tpu.dma_semaphore, #tpu.memory_space<semaphore_mem>>) src(%dma_wait3A_492 : memref<80x128xf32, #tpu.memory_space<vmem_shared>>) dst(%arg18 : memref<80x128xf32, #tpu.memory_space<vmem>>)
      tpu.yield
    }) : () -> ()
    %add3A_235 = arith.constant 0 : i32
    %add3A_236 = arith.addi %add3A_7, %add3A_235 : i32
    %dma_start3A_237 = arith.constant 0 : i32
    %dma_start3A_238 = tpu.memref_slice %arg11[%add3A_236, %dma_start3A_237] : memref<20480x128xf32, #tpu.memory_space<hbm>> -> memref<80x128xf32, #tpu.memory_space<hbm>>
    %dma_start3A_239 = arith.constant 0 : i32
    %dma_start3A_240 = tpu.memref_slice %arg11[%add3A_236, %dma_start3A_239] : memref<20480x128xf32, #tpu.memory_space<hbm>> -> memref<80x128xf32, #tpu.memory_space<hbm>>
    tpu.enqueue_dma source(%arg18 : memref<80x128xf32, #tpu.memory_space<vmem>>) target(%dma_start3A_240 : memref<80x128xf32, #tpu.memory_space<hbm>>) target_semaphore(%arg23 : memref<!tpu.dma_semaphore, #tpu.memory_space<semaphore_mem>>)
    %add3A_241 = arith.constant 80 : i32
    %add3A_242 = arith.addi %mul3A_0, %add3A_241 : i32
    "tpu.region"() ({
      %run_scoped3A = tpu.sem_alloc : memref<!tpu.dma_semaphore, #tpu.memory_space<semaphore_mem>>
      %dma_start3A_485 = arith.constant 0 : i32
      %dma_start3A_486 = tpu.memref_slice %arg13[%add3A_242, %dma_start3A_485] : memref<10240x128xf32, #tpu.memory_space<vmem_shared>> -> memref<80x128xf32, #tpu.memory_space<vmem_shared>>
      %dma_start3A_487 = arith.constant 0 : i32
      %dma_start3A_488 = tpu.memref_slice %arg13[%add3A_242, %dma_start3A_487] : memref<10240x128xf32, #tpu.memory_space<vmem_shared>> -> memref<80x128xf32, #tpu.memory_space<vmem_shared>>
      tpu.enqueue_dma source(%dma_start3A_488 : memref<80x128xf32, #tpu.memory_space<vmem_shared>>) target(%arg19 : memref<80x128xf32, #tpu.memory_space<vmem>>) target_semaphore(%run_scoped3A : memref<!tpu.dma_semaphore, #tpu.memory_space<semaphore_mem>>)
      %dma_wait3A_489 = arith.constant 0 : i32
      %dma_wait3A_490 = tpu.memref_slice %arg13[%add3A_242, %dma_wait3A_489] : memref<10240x128xf32, #tpu.memory_space<vmem_shared>> -> memref<80x128xf32, #tpu.memory_space<vmem_shared>>
      %dma_wait3A_491 = arith.constant 0 : i32
      %dma_wait3A_492 = tpu.memref_slice %arg13[%add3A_242, %dma_wait3A_491] : memref<10240x128xf32, #tpu.memory_space<vmem_shared>> -> memref<80x128xf32, #tpu.memory_space<vmem_shared>>
      tpu.wait_dma2 semaphore(%run_scoped3A : memref<!tpu.dma_semaphore, #tpu.memory_space<semaphore_mem>>) src(%dma_wait3A_492 : memref<80x128xf32, #tpu.memory_space<vmem_shared>>) dst(%arg19 : memref<80x128xf32, #tpu.memory_space<vmem>>)
      tpu.yield
    }) : () -> ()
    %add3A_243 = arith.constant 80 : i32
    %add3A_244 = arith.addi %add3A_7, %add3A_243 : i32
    %dma_start3A_245 = arith.constant 0 : i32
    %dma_start3A_246 = tpu.memref_slice %arg11[%add3A_244, %dma_start3A_245] : memref<20480x128xf32, #tpu.memory_space<hbm>> -> memref<80x128xf32, #tpu.memory_space<hbm>>
    %dma_start3A_247 = arith.constant 0 : i32
    %dma_start3A_248 = tpu.memref_slice %arg11[%add3A_244, %dma_start3A_247] : memref<20480x128xf32, #tpu.memory_space<hbm>> -> memref<80x128xf32, #tpu.memory_space<hbm>>
    tpu.enqueue_dma source(%arg19 : memref<80x128xf32, #tpu.memory_space<vmem>>) target(%dma_start3A_248 : memref<80x128xf32, #tpu.memory_space<hbm>>) target_semaphore(%arg23 : memref<!tpu.dma_semaphore, #tpu.memory_space<semaphore_mem>>)
    %dma_wait3A_249 = arith.constant 0 : i32
    %dma_wait3A_250 = tpu.memref_slice %arg11[%add3A_236, %dma_wait3A_249] : memref<20480x128xf32, #tpu.memory_space<hbm>> -> memref<80x128xf32, #tpu.memory_space<hbm>>
    %dma_wait3A_251 = arith.constant 0 : i32
    %dma_wait3A_252 = tpu.memref_slice %arg11[%add3A_236, %dma_wait3A_251] : memref<20480x128xf32, #tpu.memory_space<hbm>> -> memref<80x128xf32, #tpu.memory_space<hbm>>
    tpu.wait_dma2 semaphore(%arg23 : memref<!tpu.dma_semaphore, #tpu.memory_space<semaphore_mem>>) src(%arg18 : memref<80x128xf32, #tpu.memory_space<vmem>>) dst(%dma_wait3A_252 : memref<80x128xf32, #tpu.memory_space<hbm>>)
    %add3A_253 = arith.constant 160 : i32
    %add3A_254 = arith.addi %mul3A_0, %add3A_253 : i32
    "tpu.region"() ({
      %run_scoped3A = tpu.sem_alloc : memref<!tpu.dma_semaphore, #tpu.memory_space<semaphore_mem>>
      %dma_start3A_485 = arith.constant 0 : i32
      %dma_start3A_486 = tpu.memref_slice %arg13[%add3A_254, %dma_start3A_485] : memref<10240x128xf32, #tpu.memory_space<vmem_shared>> -> memref<80x128xf32, #tpu.memory_space<vmem_shared>>
      %dma_start3A_487 = arith.constant 0 : i32
      %dma_start3A_488 = tpu.memref_slice %arg13[%add3A_254, %dma_start3A_487] : memref<10240x128xf32, #tpu.memory_space<vmem_shared>> -> memref<80x128xf32, #tpu.memory_space<vmem_shared>>
      tpu.enqueue_dma source(%dma_start3A_488 : memref<80x128xf32, #tpu.memory_space<vmem_shared>>) target(%arg18 : memref<80x128xf32, #tpu.memory_space<vmem>>) target_semaphore(%run_scoped3A : memref<!tpu.dma_semaphore, #tpu.memory_space<semaphore_mem>>)
      %dma_wait3A_489 = arith.constant 0 : i32
      %dma_wait3A_490 = tpu.memref_slice %arg13[%add3A_254, %dma_wait3A_489] : memref<10240x128xf32, #tpu.memory_space<vmem_shared>> -> memref<80x128xf32, #tpu.memory_space<vmem_shared>>
      %dma_wait3A_491 = arith.constant 0 : i32
      %dma_wait3A_492 = tpu.memref_slice %arg13[%add3A_254, %dma_wait3A_491] : memref<10240x128xf32, #tpu.memory_space<vmem_shared>> -> memref<80x128xf32, #tpu.memory_space<vmem_shared>>
      tpu.wait_dma2 semaphore(%run_scoped3A : memref<!tpu.dma_semaphore, #tpu.memory_space<semaphore_mem>>) src(%dma_wait3A_492 : memref<80x128xf32, #tpu.memory_space<vmem_shared>>) dst(%arg18 : memref<80x128xf32, #tpu.memory_space<vmem>>)
      tpu.yield
    }) : () -> ()
    %add3A_255 = arith.constant 160 : i32
    %add3A_256 = arith.addi %add3A_7, %add3A_255 : i32
    %dma_start3A_257 = arith.constant 0 : i32
    %dma_start3A_258 = tpu.memref_slice %arg11[%add3A_256, %dma_start3A_257] : memref<20480x128xf32, #tpu.memory_space<hbm>> -> memref<80x128xf32, #tpu.memory_space<hbm>>
    %dma_start3A_259 = arith.constant 0 : i32
    %dma_start3A_260 = tpu.memref_slice %arg11[%add3A_256, %dma_start3A_259] : memref<20480x128xf32, #tpu.memory_space<hbm>> -> memref<80x128xf32, #tpu.memory_space<hbm>>
    tpu.enqueue_dma source(%arg18 : memref<80x128xf32, #tpu.memory_space<vmem>>) target(%dma_start3A_260 : memref<80x128xf32, #tpu.memory_space<hbm>>) target_semaphore(%arg23 : memref<!tpu.dma_semaphore, #tpu.memory_space<semaphore_mem>>)
    %dma_wait3A_261 = arith.constant 0 : i32
    %dma_wait3A_262 = tpu.memref_slice %arg11[%add3A_244, %dma_wait3A_261] : memref<20480x128xf32, #tpu.memory_space<hbm>> -> memref<80x128xf32, #tpu.memory_space<hbm>>
    %dma_wait3A_263 = arith.constant 0 : i32
    %dma_wait3A_264 = tpu.memref_slice %arg11[%add3A_244, %dma_wait3A_263] : memref<20480x128xf32, #tpu.memory_space<hbm>> -> memref<80x128xf32, #tpu.memory_space<hbm>>
    tpu.wait_dma2 semaphore(%arg23 : memref<!tpu.dma_semaphore, #tpu.memory_space<semaphore_mem>>) src(%arg19 : memref<80x128xf32, #tpu.memory_space<vmem>>) dst(%dma_wait3A_264 : memref<80x128xf32, #tpu.memory_space<hbm>>)
    %add3A_265 = arith.constant 240 : i32
    %add3A_266 = arith.addi %mul3A_0, %add3A_265 : i32
    "tpu.region"() ({
      %run_scoped3A = tpu.sem_alloc : memref<!tpu.dma_semaphore, #tpu.memory_space<semaphore_mem>>
      %dma_start3A_485 = arith.constant 0 : i32
      %dma_start3A_486 = tpu.memref_slice %arg13[%add3A_266, %dma_start3A_485] : memref<10240x128xf32, #tpu.memory_space<vmem_shared>> -> memref<80x128xf32, #tpu.memory_space<vmem_shared>>
      %dma_start3A_487 = arith.constant 0 : i32
      %dma_start3A_488 = tpu.memref_slice %arg13[%add3A_266, %dma_start3A_487] : memref<10240x128xf32, #tpu.memory_space<vmem_shared>> -> memref<80x128xf32, #tpu.memory_space<vmem_shared>>
      tpu.enqueue_dma source(%dma_start3A_488 : memref<80x128xf32, #tpu.memory_space<vmem_shared>>) target(%arg19 : memref<80x128xf32, #tpu.memory_space<vmem>>) target_semaphore(%run_scoped3A : memref<!tpu.dma_semaphore, #tpu.memory_space<semaphore_mem>>)
      %dma_wait3A_489 = arith.constant 0 : i32
      %dma_wait3A_490 = tpu.memref_slice %arg13[%add3A_266, %dma_wait3A_489] : memref<10240x128xf32, #tpu.memory_space<vmem_shared>> -> memref<80x128xf32, #tpu.memory_space<vmem_shared>>
      %dma_wait3A_491 = arith.constant 0 : i32
      %dma_wait3A_492 = tpu.memref_slice %arg13[%add3A_266, %dma_wait3A_491] : memref<10240x128xf32, #tpu.memory_space<vmem_shared>> -> memref<80x128xf32, #tpu.memory_space<vmem_shared>>
      tpu.wait_dma2 semaphore(%run_scoped3A : memref<!tpu.dma_semaphore, #tpu.memory_space<semaphore_mem>>) src(%dma_wait3A_492 : memref<80x128xf32, #tpu.memory_space<vmem_shared>>) dst(%arg19 : memref<80x128xf32, #tpu.memory_space<vmem>>)
      tpu.yield
    }) : () -> ()
    %add3A_267 = arith.constant 240 : i32
    %add3A_268 = arith.addi %add3A_7, %add3A_267 : i32
    %dma_start3A_269 = arith.constant 0 : i32
    %dma_start3A_270 = tpu.memref_slice %arg11[%add3A_268, %dma_start3A_269] : memref<20480x128xf32, #tpu.memory_space<hbm>> -> memref<80x128xf32, #tpu.memory_space<hbm>>
    %dma_start3A_271 = arith.constant 0 : i32
    %dma_start3A_272 = tpu.memref_slice %arg11[%add3A_268, %dma_start3A_271] : memref<20480x128xf32, #tpu.memory_space<hbm>> -> memref<80x128xf32, #tpu.memory_space<hbm>>
    tpu.enqueue_dma source(%arg19 : memref<80x128xf32, #tpu.memory_space<vmem>>) target(%dma_start3A_272 : memref<80x128xf32, #tpu.memory_space<hbm>>) target_semaphore(%arg23 : memref<!tpu.dma_semaphore, #tpu.memory_space<semaphore_mem>>)
    %dma_wait3A_273 = arith.constant 0 : i32
    %dma_wait3A_274 = tpu.memref_slice %arg11[%add3A_256, %dma_wait3A_273] : memref<20480x128xf32, #tpu.memory_space<hbm>> -> memref<80x128xf32, #tpu.memory_space<hbm>>
    %dma_wait3A_275 = arith.constant 0 : i32
    %dma_wait3A_276 = tpu.memref_slice %arg11[%add3A_256, %dma_wait3A_275] : memref<20480x128xf32, #tpu.memory_space<hbm>> -> memref<80x128xf32, #tpu.memory_space<hbm>>
    tpu.wait_dma2 semaphore(%arg23 : memref<!tpu.dma_semaphore, #tpu.memory_space<semaphore_mem>>) src(%arg18 : memref<80x128xf32, #tpu.memory_space<vmem>>) dst(%dma_wait3A_276 : memref<80x128xf32, #tpu.memory_space<hbm>>)
    %add3A_277 = arith.constant 320 : i32
    %add3A_278 = arith.addi %mul3A_0, %add3A_277 : i32
    "tpu.region"() ({
      %run_scoped3A = tpu.sem_alloc : memref<!tpu.dma_semaphore, #tpu.memory_space<semaphore_mem>>
      %dma_start3A_485 = arith.constant 0 : i32
      %dma_start3A_486 = tpu.memref_slice %arg13[%add3A_278, %dma_start3A_485] : memref<10240x128xf32, #tpu.memory_space<vmem_shared>> -> memref<80x128xf32, #tpu.memory_space<vmem_shared>>
      %dma_start3A_487 = arith.constant 0 : i32
      %dma_start3A_488 = tpu.memref_slice %arg13[%add3A_278, %dma_start3A_487] : memref<10240x128xf32, #tpu.memory_space<vmem_shared>> -> memref<80x128xf32, #tpu.memory_space<vmem_shared>>
      tpu.enqueue_dma source(%dma_start3A_488 : memref<80x128xf32, #tpu.memory_space<vmem_shared>>) target(%arg18 : memref<80x128xf32, #tpu.memory_space<vmem>>) target_semaphore(%run_scoped3A : memref<!tpu.dma_semaphore, #tpu.memory_space<semaphore_mem>>)
      %dma_wait3A_489 = arith.constant 0 : i32
      %dma_wait3A_490 = tpu.memref_slice %arg13[%add3A_278, %dma_wait3A_489] : memref<10240x128xf32, #tpu.memory_space<vmem_shared>> -> memref<80x128xf32, #tpu.memory_space<vmem_shared>>
      %dma_wait3A_491 = arith.constant 0 : i32
      %dma_wait3A_492 = tpu.memref_slice %arg13[%add3A_278, %dma_wait3A_491] : memref<10240x128xf32, #tpu.memory_space<vmem_shared>> -> memref<80x128xf32, #tpu.memory_space<vmem_shared>>
      tpu.wait_dma2 semaphore(%run_scoped3A : memref<!tpu.dma_semaphore, #tpu.memory_space<semaphore_mem>>) src(%dma_wait3A_492 : memref<80x128xf32, #tpu.memory_space<vmem_shared>>) dst(%arg18 : memref<80x128xf32, #tpu.memory_space<vmem>>)
      tpu.yield
    }) : () -> ()
    %add3A_279 = arith.constant 320 : i32
    %add3A_280 = arith.addi %add3A_7, %add3A_279 : i32
    %dma_start3A_281 = arith.constant 0 : i32
    %dma_start3A_282 = tpu.memref_slice %arg11[%add3A_280, %dma_start3A_281] : memref<20480x128xf32, #tpu.memory_space<hbm>> -> memref<80x128xf32, #tpu.memory_space<hbm>>
    %dma_start3A_283 = arith.constant 0 : i32
    %dma_start3A_284 = tpu.memref_slice %arg11[%add3A_280, %dma_start3A_283] : memref<20480x128xf32, #tpu.memory_space<hbm>> -> memref<80x128xf32, #tpu.memory_space<hbm>>
    tpu.enqueue_dma source(%arg18 : memref<80x128xf32, #tpu.memory_space<vmem>>) target(%dma_start3A_284 : memref<80x128xf32, #tpu.memory_space<hbm>>) target_semaphore(%arg23 : memref<!tpu.dma_semaphore, #tpu.memory_space<semaphore_mem>>)
    %dma_wait3A_285 = arith.constant 0 : i32
    %dma_wait3A_286 = tpu.memref_slice %arg11[%add3A_268, %dma_wait3A_285] : memref<20480x128xf32, #tpu.memory_space<hbm>> -> memref<80x128xf32, #tpu.memory_space<hbm>>
    %dma_wait3A_287 = arith.constant 0 : i32
    %dma_wait3A_288 = tpu.memref_slice %arg11[%add3A_268, %dma_wait3A_287] : memref<20480x128xf32, #tpu.memory_space<hbm>> -> memref<80x128xf32, #tpu.memory_space<hbm>>
    tpu.wait_dma2 semaphore(%arg23 : memref<!tpu.dma_semaphore, #tpu.memory_space<semaphore_mem>>) src(%arg19 : memref<80x128xf32, #tpu.memory_space<vmem>>) dst(%dma_wait3A_288 : memref<80x128xf32, #tpu.memory_space<hbm>>)
    %add3A_289 = arith.constant 400 : i32
    %add3A_290 = arith.addi %mul3A_0, %add3A_289 : i32
    "tpu.region"() ({
      %run_scoped3A = tpu.sem_alloc : memref<!tpu.dma_semaphore, #tpu.memory_space<semaphore_mem>>
      %dma_start3A_485 = arith.constant 0 : i32
      %dma_start3A_486 = tpu.memref_slice %arg13[%add3A_290, %dma_start3A_485] : memref<10240x128xf32, #tpu.memory_space<vmem_shared>> -> memref<80x128xf32, #tpu.memory_space<vmem_shared>>
      %dma_start3A_487 = arith.constant 0 : i32
      %dma_start3A_488 = tpu.memref_slice %arg13[%add3A_290, %dma_start3A_487] : memref<10240x128xf32, #tpu.memory_space<vmem_shared>> -> memref<80x128xf32, #tpu.memory_space<vmem_shared>>
      tpu.enqueue_dma source(%dma_start3A_488 : memref<80x128xf32, #tpu.memory_space<vmem_shared>>) target(%arg19 : memref<80x128xf32, #tpu.memory_space<vmem>>) target_semaphore(%run_scoped3A : memref<!tpu.dma_semaphore, #tpu.memory_space<semaphore_mem>>)
      %dma_wait3A_489 = arith.constant 0 : i32
      %dma_wait3A_490 = tpu.memref_slice %arg13[%add3A_290, %dma_wait3A_489] : memref<10240x128xf32, #tpu.memory_space<vmem_shared>> -> memref<80x128xf32, #tpu.memory_space<vmem_shared>>
      %dma_wait3A_491 = arith.constant 0 : i32
      %dma_wait3A_492 = tpu.memref_slice %arg13[%add3A_290, %dma_wait3A_491] : memref<10240x128xf32, #tpu.memory_space<vmem_shared>> -> memref<80x128xf32, #tpu.memory_space<vmem_shared>>
      tpu.wait_dma2 semaphore(%run_scoped3A : memref<!tpu.dma_semaphore, #tpu.memory_space<semaphore_mem>>) src(%dma_wait3A_492 : memref<80x128xf32, #tpu.memory_space<vmem_shared>>) dst(%arg19 : memref<80x128xf32, #tpu.memory_space<vmem>>)
      tpu.yield
    }) : () -> ()
    %add3A_291 = arith.constant 400 : i32
    %add3A_292 = arith.addi %add3A_7, %add3A_291 : i32
    %dma_start3A_293 = arith.constant 0 : i32
    %dma_start3A_294 = tpu.memref_slice %arg11[%add3A_292, %dma_start3A_293] : memref<20480x128xf32, #tpu.memory_space<hbm>> -> memref<80x128xf32, #tpu.memory_space<hbm>>
    %dma_start3A_295 = arith.constant 0 : i32
    %dma_start3A_296 = tpu.memref_slice %arg11[%add3A_292, %dma_start3A_295] : memref<20480x128xf32, #tpu.memory_space<hbm>> -> memref<80x128xf32, #tpu.memory_space<hbm>>
    tpu.enqueue_dma source(%arg19 : memref<80x128xf32, #tpu.memory_space<vmem>>) target(%dma_start3A_296 : memref<80x128xf32, #tpu.memory_space<hbm>>) target_semaphore(%arg23 : memref<!tpu.dma_semaphore, #tpu.memory_space<semaphore_mem>>)
    %dma_wait3A_297 = arith.constant 0 : i32
    %dma_wait3A_298 = tpu.memref_slice %arg11[%add3A_280, %dma_wait3A_297] : memref<20480x128xf32, #tpu.memory_space<hbm>> -> memref<80x128xf32, #tpu.memory_space<hbm>>
    %dma_wait3A_299 = arith.constant 0 : i32
    %dma_wait3A_300 = tpu.memref_slice %arg11[%add3A_280, %dma_wait3A_299] : memref<20480x128xf32, #tpu.memory_space<hbm>> -> memref<80x128xf32, #tpu.memory_space<hbm>>
    tpu.wait_dma2 semaphore(%arg23 : memref<!tpu.dma_semaphore, #tpu.memory_space<semaphore_mem>>) src(%arg18 : memref<80x128xf32, #tpu.memory_space<vmem>>) dst(%dma_wait3A_300 : memref<80x128xf32, #tpu.memory_space<hbm>>)
    %add3A_301 = arith.constant 480 : i32
    %add3A_302 = arith.addi %mul3A_0, %add3A_301 : i32
    "tpu.region"() ({
      %run_scoped3A = tpu.sem_alloc : memref<!tpu.dma_semaphore, #tpu.memory_space<semaphore_mem>>
      %dma_start3A_485 = arith.constant 0 : i32
      %dma_start3A_486 = tpu.memref_slice %arg13[%add3A_302, %dma_start3A_485] : memref<10240x128xf32, #tpu.memory_space<vmem_shared>> -> memref<80x128xf32, #tpu.memory_space<vmem_shared>>
      %dma_start3A_487 = arith.constant 0 : i32
      %dma_start3A_488 = tpu.memref_slice %arg13[%add3A_302, %dma_start3A_487] : memref<10240x128xf32, #tpu.memory_space<vmem_shared>> -> memref<80x128xf32, #tpu.memory_space<vmem_shared>>
      tpu.enqueue_dma source(%dma_start3A_488 : memref<80x128xf32, #tpu.memory_space<vmem_shared>>) target(%arg18 : memref<80x128xf32, #tpu.memory_space<vmem>>) target_semaphore(%run_scoped3A : memref<!tpu.dma_semaphore, #tpu.memory_space<semaphore_mem>>)
      %dma_wait3A_489 = arith.constant 0 : i32
      %dma_wait3A_490 = tpu.memref_slice %arg13[%add3A_302, %dma_wait3A_489] : memref<10240x128xf32, #tpu.memory_space<vmem_shared>> -> memref<80x128xf32, #tpu.memory_space<vmem_shared>>
      %dma_wait3A_491 = arith.constant 0 : i32
      %dma_wait3A_492 = tpu.memref_slice %arg13[%add3A_302, %dma_wait3A_491] : memref<10240x128xf32, #tpu.memory_space<vmem_shared>> -> memref<80x128xf32, #tpu.memory_space<vmem_shared>>
      tpu.wait_dma2 semaphore(%run_scoped3A : memref<!tpu.dma_semaphore, #tpu.memory_space<semaphore_mem>>) src(%dma_wait3A_492 : memref<80x128xf32, #tpu.memory_space<vmem_shared>>) dst(%arg18 : memref<80x128xf32, #tpu.memory_space<vmem>>)
      tpu.yield
    }) : () -> ()
    %add3A_303 = arith.constant 480 : i32
    %add3A_304 = arith.addi %add3A_7, %add3A_303 : i32
    %dma_start3A_305 = arith.constant 0 : i32
    %dma_start3A_306 = tpu.memref_slice %arg11[%add3A_304, %dma_start3A_305] : memref<20480x128xf32, #tpu.memory_space<hbm>> -> memref<80x128xf32, #tpu.memory_space<hbm>>
    %dma_start3A_307 = arith.constant 0 : i32
    %dma_start3A_308 = tpu.memref_slice %arg11[%add3A_304, %dma_start3A_307] : memref<20480x128xf32, #tpu.memory_space<hbm>> -> memref<80x128xf32, #tpu.memory_space<hbm>>
    tpu.enqueue_dma source(%arg18 : memref<80x128xf32, #tpu.memory_space<vmem>>) target(%dma_start3A_308 : memref<80x128xf32, #tpu.memory_space<hbm>>) target_semaphore(%arg23 : memref<!tpu.dma_semaphore, #tpu.memory_space<semaphore_mem>>)
    %dma_wait3A_309 = arith.constant 0 : i32
    %dma_wait3A_310 = tpu.memref_slice %arg11[%add3A_292, %dma_wait3A_309] : memref<20480x128xf32, #tpu.memory_space<hbm>> -> memref<80x128xf32, #tpu.memory_space<hbm>>
    %dma_wait3A_311 = arith.constant 0 : i32
    %dma_wait3A_312 = tpu.memref_slice %arg11[%add3A_292, %dma_wait3A_311] : memref<20480x128xf32, #tpu.memory_space<hbm>> -> memref<80x128xf32, #tpu.memory_space<hbm>>
    tpu.wait_dma2 semaphore(%arg23 : memref<!tpu.dma_semaphore, #tpu.memory_space<semaphore_mem>>) src(%arg19 : memref<80x128xf32, #tpu.memory_space<vmem>>) dst(%dma_wait3A_312 : memref<80x128xf32, #tpu.memory_space<hbm>>)
    %add3A_313 = arith.constant 560 : i32
    %add3A_314 = arith.addi %mul3A_0, %add3A_313 : i32
    "tpu.region"() ({
      %run_scoped3A = tpu.sem_alloc : memref<!tpu.dma_semaphore, #tpu.memory_space<semaphore_mem>>
      %dma_start3A_485 = arith.constant 0 : i32
      %dma_start3A_486 = tpu.memref_slice %arg13[%add3A_314, %dma_start3A_485] : memref<10240x128xf32, #tpu.memory_space<vmem_shared>> -> memref<80x128xf32, #tpu.memory_space<vmem_shared>>
      %dma_start3A_487 = arith.constant 0 : i32
      %dma_start3A_488 = tpu.memref_slice %arg13[%add3A_314, %dma_start3A_487] : memref<10240x128xf32, #tpu.memory_space<vmem_shared>> -> memref<80x128xf32, #tpu.memory_space<vmem_shared>>
      tpu.enqueue_dma source(%dma_start3A_488 : memref<80x128xf32, #tpu.memory_space<vmem_shared>>) target(%arg19 : memref<80x128xf32, #tpu.memory_space<vmem>>) target_semaphore(%run_scoped3A : memref<!tpu.dma_semaphore, #tpu.memory_space<semaphore_mem>>)
      %dma_wait3A_489 = arith.constant 0 : i32
      %dma_wait3A_490 = tpu.memref_slice %arg13[%add3A_314, %dma_wait3A_489] : memref<10240x128xf32, #tpu.memory_space<vmem_shared>> -> memref<80x128xf32, #tpu.memory_space<vmem_shared>>
      %dma_wait3A_491 = arith.constant 0 : i32
      %dma_wait3A_492 = tpu.memref_slice %arg13[%add3A_314, %dma_wait3A_491] : memref<10240x128xf32, #tpu.memory_space<vmem_shared>> -> memref<80x128xf32, #tpu.memory_space<vmem_shared>>
      tpu.wait_dma2 semaphore(%run_scoped3A : memref<!tpu.dma_semaphore, #tpu.memory_space<semaphore_mem>>) src(%dma_wait3A_492 : memref<80x128xf32, #tpu.memory_space<vmem_shared>>) dst(%arg19 : memref<80x128xf32, #tpu.memory_space<vmem>>)
      tpu.yield
    }) : () -> ()
    %add3A_315 = arith.constant 560 : i32
    %add3A_316 = arith.addi %add3A_7, %add3A_315 : i32
    %dma_start3A_317 = arith.constant 0 : i32
    %dma_start3A_318 = tpu.memref_slice %arg11[%add3A_316, %dma_start3A_317] : memref<20480x128xf32, #tpu.memory_space<hbm>> -> memref<80x128xf32, #tpu.memory_space<hbm>>
    %dma_start3A_319 = arith.constant 0 : i32
    %dma_start3A_320 = tpu.memref_slice %arg11[%add3A_316, %dma_start3A_319] : memref<20480x128xf32, #tpu.memory_space<hbm>> -> memref<80x128xf32, #tpu.memory_space<hbm>>
    tpu.enqueue_dma source(%arg19 : memref<80x128xf32, #tpu.memory_space<vmem>>) target(%dma_start3A_320 : memref<80x128xf32, #tpu.memory_space<hbm>>) target_semaphore(%arg23 : memref<!tpu.dma_semaphore, #tpu.memory_space<semaphore_mem>>)
    %dma_wait3A_321 = arith.constant 0 : i32
    %dma_wait3A_322 = tpu.memref_slice %arg11[%add3A_304, %dma_wait3A_321] : memref<20480x128xf32, #tpu.memory_space<hbm>> -> memref<80x128xf32, #tpu.memory_space<hbm>>
    %dma_wait3A_323 = arith.constant 0 : i32
    %dma_wait3A_324 = tpu.memref_slice %arg11[%add3A_304, %dma_wait3A_323] : memref<20480x128xf32, #tpu.memory_space<hbm>> -> memref<80x128xf32, #tpu.memory_space<hbm>>
    tpu.wait_dma2 semaphore(%arg23 : memref<!tpu.dma_semaphore, #tpu.memory_space<semaphore_mem>>) src(%arg18 : memref<80x128xf32, #tpu.memory_space<vmem>>) dst(%dma_wait3A_324 : memref<80x128xf32, #tpu.memory_space<hbm>>)
    %dma_wait3A_325 = arith.constant 0 : i32
    %dma_wait3A_326 = tpu.memref_slice %arg11[%add3A_316, %dma_wait3A_325] : memref<20480x128xf32, #tpu.memory_space<hbm>> -> memref<80x128xf32, #tpu.memory_space<hbm>>
    %dma_wait3A_327 = arith.constant 0 : i32
    %dma_wait3A_328 = tpu.memref_slice %arg11[%add3A_316, %dma_wait3A_327] : memref<20480x128xf32, #tpu.memory_space<hbm>> -> memref<80x128xf32, #tpu.memory_space<hbm>>
    tpu.wait_dma2 semaphore(%arg23 : memref<!tpu.dma_semaphore, #tpu.memory_space<semaphore_mem>>) src(%arg19 : memref<80x128xf32, #tpu.memory_space<vmem>>) dst(%dma_wait3A_328 : memref<80x128xf32, #tpu.memory_space<hbm>>)
    %barrier3A_329 = arith.constant 0 : index
    tpu.barrier barrier_id(%barrier3A_329)
    %add3A_330 = arith.constant 0 : i32
    %add3A_331 = arith.addi %mul3A_0, %add3A_330 : i32
    %dma_start3A_332 = arith.constant 0 : i32
    %dma_start3A_333 = tpu.memref_slice %arg13[%add3A_331, %dma_start3A_332] : memref<10240x128xf32, #tpu.memory_space<vmem_shared>> -> memref<80x128xf32, #tpu.memory_space<vmem_shared>>
    tpu.enqueue_dma source(%arg8 : memref<80x128xf32, #tpu.memory_space<hbm>>) target(%dma_start3A_333 : memref<80x128xf32, #tpu.memory_space<vmem_shared>>) target_semaphore(%arg22 : memref<!tpu.dma_semaphore, #tpu.memory_space<semaphore_mem>>)
    %add3A_334 = arith.constant 80 : i32
    %add3A_335 = arith.addi %mul3A_0, %add3A_334 : i32
    %dma_start3A_336 = arith.constant 0 : i32
    %dma_start3A_337 = tpu.memref_slice %arg13[%add3A_335, %dma_start3A_336] : memref<10240x128xf32, #tpu.memory_space<vmem_shared>> -> memref<80x128xf32, #tpu.memory_space<vmem_shared>>
    tpu.enqueue_dma source(%arg8 : memref<80x128xf32, #tpu.memory_space<hbm>>) target(%dma_start3A_337 : memref<80x128xf32, #tpu.memory_space<vmem_shared>>) target_semaphore(%arg22 : memref<!tpu.dma_semaphore, #tpu.memory_space<semaphore_mem>>)
    %add3A_338 = arith.constant 160 : i32
    %add3A_339 = arith.addi %mul3A_0, %add3A_338 : i32
    %dma_start3A_340 = arith.constant 0 : i32
    %dma_start3A_341 = tpu.memref_slice %arg13[%add3A_339, %dma_start3A_340] : memref<10240x128xf32, #tpu.memory_space<vmem_shared>> -> memref<80x128xf32, #tpu.memory_space<vmem_shared>>
    tpu.enqueue_dma source(%arg8 : memref<80x128xf32, #tpu.memory_space<hbm>>) target(%dma_start3A_341 : memref<80x128xf32, #tpu.memory_space<vmem_shared>>) target_semaphore(%arg22 : memref<!tpu.dma_semaphore, #tpu.memory_space<semaphore_mem>>)
    %add3A_342 = arith.constant 240 : i32
    %add3A_343 = arith.addi %mul3A_0, %add3A_342 : i32
    %dma_start3A_344 = arith.constant 0 : i32
    %dma_start3A_345 = tpu.memref_slice %arg13[%add3A_343, %dma_start3A_344] : memref<10240x128xf32, #tpu.memory_space<vmem_shared>> -> memref<80x128xf32, #tpu.memory_space<vmem_shared>>
    tpu.enqueue_dma source(%arg8 : memref<80x128xf32, #tpu.memory_space<hbm>>) target(%dma_start3A_345 : memref<80x128xf32, #tpu.memory_space<vmem_shared>>) target_semaphore(%arg22 : memref<!tpu.dma_semaphore, #tpu.memory_space<semaphore_mem>>)
    %add3A_346 = arith.constant 320 : i32
    %add3A_347 = arith.addi %mul3A_0, %add3A_346 : i32
    %dma_start3A_348 = arith.constant 0 : i32
    %dma_start3A_349 = tpu.memref_slice %arg13[%add3A_347, %dma_start3A_348] : memref<10240x128xf32, #tpu.memory_space<vmem_shared>> -> memref<80x128xf32, #tpu.memory_space<vmem_shared>>
    tpu.enqueue_dma source(%arg8 : memref<80x128xf32, #tpu.memory_space<hbm>>) target(%dma_start3A_349 : memref<80x128xf32, #tpu.memory_space<vmem_shared>>) target_semaphore(%arg22 : memref<!tpu.dma_semaphore, #tpu.memory_space<semaphore_mem>>)
    %add3A_350 = arith.constant 400 : i32
    %add3A_351 = arith.addi %mul3A_0, %add3A_350 : i32
    %dma_start3A_352 = arith.constant 0 : i32
    %dma_start3A_353 = tpu.memref_slice %arg13[%add3A_351, %dma_start3A_352] : memref<10240x128xf32, #tpu.memory_space<vmem_shared>> -> memref<80x128xf32, #tpu.memory_space<vmem_shared>>
    tpu.enqueue_dma source(%arg8 : memref<80x128xf32, #tpu.memory_space<hbm>>) target(%dma_start3A_353 : memref<80x128xf32, #tpu.memory_space<vmem_shared>>) target_semaphore(%arg22 : memref<!tpu.dma_semaphore, #tpu.memory_space<semaphore_mem>>)
    %add3A_354 = arith.constant 480 : i32
    %add3A_355 = arith.addi %mul3A_0, %add3A_354 : i32
    %dma_start3A_356 = arith.constant 0 : i32
    %dma_start3A_357 = tpu.memref_slice %arg13[%add3A_355, %dma_start3A_356] : memref<10240x128xf32, #tpu.memory_space<vmem_shared>> -> memref<80x128xf32, #tpu.memory_space<vmem_shared>>
    tpu.enqueue_dma source(%arg8 : memref<80x128xf32, #tpu.memory_space<hbm>>) target(%dma_start3A_357 : memref<80x128xf32, #tpu.memory_space<vmem_shared>>) target_semaphore(%arg22 : memref<!tpu.dma_semaphore, #tpu.memory_space<semaphore_mem>>)
    %add3A_358 = arith.constant 560 : i32
    %add3A_359 = arith.addi %mul3A_0, %add3A_358 : i32
    %dma_start3A_360 = arith.constant 0 : i32
    %dma_start3A_361 = tpu.memref_slice %arg13[%add3A_359, %dma_start3A_360] : memref<10240x128xf32, #tpu.memory_space<vmem_shared>> -> memref<80x128xf32, #tpu.memory_space<vmem_shared>>
    tpu.enqueue_dma source(%arg8 : memref<80x128xf32, #tpu.memory_space<hbm>>) target(%dma_start3A_361 : memref<80x128xf32, #tpu.memory_space<vmem_shared>>) target_semaphore(%arg22 : memref<!tpu.dma_semaphore, #tpu.memory_space<semaphore_mem>>)
    %dma_wait3A_362 = arith.constant 0 : i32
    %dma_wait3A_363 = tpu.memref_slice %arg13[%add3A_331, %dma_wait3A_362] : memref<10240x128xf32, #tpu.memory_space<vmem_shared>> -> memref<80x128xf32, #tpu.memory_space<vmem_shared>>
    tpu.wait_dma2 semaphore(%arg22 : memref<!tpu.dma_semaphore, #tpu.memory_space<semaphore_mem>>) src(%arg8 : memref<80x128xf32, #tpu.memory_space<hbm>>) dst(%dma_wait3A_363 : memref<80x128xf32, #tpu.memory_space<vmem_shared>>)
    %dma_wait3A_364 = arith.constant 0 : i32
    %dma_wait3A_365 = tpu.memref_slice %arg13[%add3A_335, %dma_wait3A_364] : memref<10240x128xf32, #tpu.memory_space<vmem_shared>> -> memref<80x128xf32, #tpu.memory_space<vmem_shared>>
    tpu.wait_dma2 semaphore(%arg22 : memref<!tpu.dma_semaphore, #tpu.memory_space<semaphore_mem>>) src(%arg8 : memref<80x128xf32, #tpu.memory_space<hbm>>) dst(%dma_wait3A_365 : memref<80x128xf32, #tpu.memory_space<vmem_shared>>)
    %dma_wait3A_366 = arith.constant 0 : i32
    %dma_wait3A_367 = tpu.memref_slice %arg13[%add3A_339, %dma_wait3A_366] : memref<10240x128xf32, #tpu.memory_space<vmem_shared>> -> memref<80x128xf32, #tpu.memory_space<vmem_shared>>
    tpu.wait_dma2 semaphore(%arg22 : memref<!tpu.dma_semaphore, #tpu.memory_space<semaphore_mem>>) src(%arg8 : memref<80x128xf32, #tpu.memory_space<hbm>>) dst(%dma_wait3A_367 : memref<80x128xf32, #tpu.memory_space<vmem_shared>>)
    %dma_wait3A_368 = arith.constant 0 : i32
    %dma_wait3A_369 = tpu.memref_slice %arg13[%add3A_343, %dma_wait3A_368] : memref<10240x128xf32, #tpu.memory_space<vmem_shared>> -> memref<80x128xf32, #tpu.memory_space<vmem_shared>>
    tpu.wait_dma2 semaphore(%arg22 : memref<!tpu.dma_semaphore, #tpu.memory_space<semaphore_mem>>) src(%arg8 : memref<80x128xf32, #tpu.memory_space<hbm>>) dst(%dma_wait3A_369 : memref<80x128xf32, #tpu.memory_space<vmem_shared>>)
    %dma_wait3A_370 = arith.constant 0 : i32
    %dma_wait3A_371 = tpu.memref_slice %arg13[%add3A_347, %dma_wait3A_370] : memref<10240x128xf32, #tpu.memory_space<vmem_shared>> -> memref<80x128xf32, #tpu.memory_space<vmem_shared>>
    tpu.wait_dma2 semaphore(%arg22 : memref<!tpu.dma_semaphore, #tpu.memory_space<semaphore_mem>>) src(%arg8 : memref<80x128xf32, #tpu.memory_space<hbm>>) dst(%dma_wait3A_371 : memref<80x128xf32, #tpu.memory_space<vmem_shared>>)
    %dma_wait3A_372 = arith.constant 0 : i32
    %dma_wait3A_373 = tpu.memref_slice %arg13[%add3A_351, %dma_wait3A_372] : memref<10240x128xf32, #tpu.memory_space<vmem_shared>> -> memref<80x128xf32, #tpu.memory_space<vmem_shared>>
    tpu.wait_dma2 semaphore(%arg22 : memref<!tpu.dma_semaphore, #tpu.memory_space<semaphore_mem>>) src(%arg8 : memref<80x128xf32, #tpu.memory_space<hbm>>) dst(%dma_wait3A_373 : memref<80x128xf32, #tpu.memory_space<vmem_shared>>)
    %dma_wait3A_374 = arith.constant 0 : i32
    %dma_wait3A_375 = tpu.memref_slice %arg13[%add3A_355, %dma_wait3A_374] : memref<10240x128xf32, #tpu.memory_space<vmem_shared>> -> memref<80x128xf32, #tpu.memory_space<vmem_shared>>
    tpu.wait_dma2 semaphore(%arg22 : memref<!tpu.dma_semaphore, #tpu.memory_space<semaphore_mem>>) src(%arg8 : memref<80x128xf32, #tpu.memory_space<hbm>>) dst(%dma_wait3A_375 : memref<80x128xf32, #tpu.memory_space<vmem_shared>>)
    %dma_wait3A_376 = arith.constant 0 : i32
    %dma_wait3A_377 = tpu.memref_slice %arg13[%add3A_359, %dma_wait3A_376] : memref<10240x128xf32, #tpu.memory_space<vmem_shared>> -> memref<80x128xf32, #tpu.memory_space<vmem_shared>>
    tpu.wait_dma2 semaphore(%arg22 : memref<!tpu.dma_semaphore, #tpu.memory_space<semaphore_mem>>) src(%arg8 : memref<80x128xf32, #tpu.memory_space<hbm>>) dst(%dma_wait3A_377 : memref<80x128xf32, #tpu.memory_space<vmem_shared>>)
    "tpu.region"() ({
      %run_scoped3A = tpu.sem_alloc : memref<!tpu.dma_semaphore, #tpu.memory_space<semaphore_mem>>
      tpu.enqueue_dma source(%arg9 : memref<80x128xf32, #tpu.memory_space<hbm>>) target(%arg18 : memref<80x128xf32, #tpu.memory_space<vmem>>) target_semaphore(%run_scoped3A : memref<!tpu.dma_semaphore, #tpu.memory_space<semaphore_mem>>)
      tpu.wait_dma2 semaphore(%run_scoped3A : memref<!tpu.dma_semaphore, #tpu.memory_space<semaphore_mem>>) src(%arg9 : memref<80x128xf32, #tpu.memory_space<hbm>>) dst(%arg18 : memref<80x128xf32, #tpu.memory_space<vmem>>)
      tpu.yield
    }) : () -> ()
    %barrier3A_378 = arith.constant 0 : index
    tpu.barrier barrier_id(%barrier3A_378)
    %scan3A_379 = arith.constant 0 : i32
    %scan3A_380 = arith.constant 0 : i32
    %scan3A_381 = arith.constant 62 : i32
    %scan3A_382 = arith.addi %scan3A_380, %scan3A_381 : i32
    %scan3A_383 = arith.constant 1 : i32
    scf.for %scan3A_485 = %scan3A_380 to %scan3A_382 step %scan3A_383  : i32 {
      %mul3A_486 = arith.constant 2 : i32
      %mul3A_487 = arith.muli %mul3A_486, %scan3A_485 : i32
      %mul3A_488 = arith.constant 80 : i32
      %mul3A_489 = arith.muli %mul3A_487, %mul3A_488 : i32
      %add3A_490 = arith.constant 80 : i32
      %add3A_491 = arith.addi %mul3A_489, %add3A_490 : i32
      %add3A_492 = arith.addi %add3A, %mul3A_489 : i32
      %dma_start3A_493 = tpu.memref_slice %arg7[%add3A_492] : memref<320000xi32, #tpu.memory_space<hbm>> -> memref<80xi32, #tpu.memory_space<hbm>>
      %dma_start3A_494 = tpu.memref_slice %arg7[%add3A_492] : memref<320000xi32, #tpu.memory_space<hbm>> -> memref<80xi32, #tpu.memory_space<hbm>>
      tpu.enqueue_dma source(%dma_start3A_494 : memref<80xi32, #tpu.memory_space<hbm>>) target(%arg15 : memref<80xi32, #tpu.memory_space<vmem>>) target_semaphore(%arg24 : memref<!tpu.dma_semaphore, #tpu.memory_space<semaphore_mem>>)
      %add3A_495 = arith.addi %add3A, %add3A_491 : i32
      %dma_start3A_496 = tpu.memref_slice %arg7[%add3A_495] : memref<320000xi32, #tpu.memory_space<hbm>> -> memref<80xi32, #tpu.memory_space<hbm>>
      %dma_start3A_497 = tpu.memref_slice %arg7[%add3A_495] : memref<320000xi32, #tpu.memory_space<hbm>> -> memref<80xi32, #tpu.memory_space<hbm>>
      tpu.enqueue_dma source(%dma_start3A_497 : memref<80xi32, #tpu.memory_space<hbm>>) target(%arg17 : memref<80xi32, #tpu.memory_space<vmem>>) target_semaphore(%arg24 : memref<!tpu.dma_semaphore, #tpu.memory_space<semaphore_mem>>)
      %dma_wait3A_498 = tpu.memref_slice %arg7[%add3A_492] : memref<320000xi32, #tpu.memory_space<hbm>> -> memref<80xi32, #tpu.memory_space<hbm>>
      %dma_wait3A_499 = tpu.memref_slice %arg7[%add3A_492] : memref<320000xi32, #tpu.memory_space<hbm>> -> memref<80xi32, #tpu.memory_space<hbm>>
      tpu.wait_dma2 semaphore(%arg24 : memref<!tpu.dma_semaphore, #tpu.memory_space<semaphore_mem>>) src(%dma_wait3A_499 : memref<80xi32, #tpu.memory_space<hbm>>) dst(%arg15 : memref<80xi32, #tpu.memory_space<vmem>>)
      %dma_start3A_500 = arith.constant 0 : i32
      %dma_start3A_501 = arith.constant 0 : i32
      %dma_start3A_502 = tpu.memref_slice %arg13[%dma_start3A_500, %dma_start3A_501] : memref<10240x128xf32, #tpu.memory_space<vmem_shared>> -> memref<10240x128xf32, #tpu.memory_space<vmem_shared>>
      tpu.enqueue_indirect_dma source(%arg18 : memref<80x128xf32, #tpu.memory_space<vmem>>) target(%dma_start3A_502 : memref<10240x128xf32, #tpu.memory_space<vmem_shared>>) offsets(%arg15 : memref<80xi32, #tpu.memory_space<vmem>>) semaphore(%arg20 : memref<!tpu.dma_semaphore, #tpu.memory_space<semaphore_mem>>) {add = true}
      %dma_wait3A_503 = tpu.memref_slice %arg7[%add3A_495] : memref<320000xi32, #tpu.memory_space<hbm>> -> memref<80xi32, #tpu.memory_space<hbm>>
      %dma_wait3A_504 = tpu.memref_slice %arg7[%add3A_495] : memref<320000xi32, #tpu.memory_space<hbm>> -> memref<80xi32, #tpu.memory_space<hbm>>
      tpu.wait_dma2 semaphore(%arg24 : memref<!tpu.dma_semaphore, #tpu.memory_space<semaphore_mem>>) src(%dma_wait3A_504 : memref<80xi32, #tpu.memory_space<hbm>>) dst(%arg17 : memref<80xi32, #tpu.memory_space<vmem>>)
      %dma_start3A_505 = arith.constant 0 : i32
      %dma_start3A_506 = arith.constant 0 : i32
      %dma_start3A_507 = tpu.memref_slice %arg13[%dma_start3A_505, %dma_start3A_506] : memref<10240x128xf32, #tpu.memory_space<vmem_shared>> -> memref<10240x128xf32, #tpu.memory_space<vmem_shared>>
      tpu.enqueue_indirect_dma source(%arg18 : memref<80x128xf32, #tpu.memory_space<vmem>>) target(%dma_start3A_507 : memref<10240x128xf32, #tpu.memory_space<vmem_shared>>) offsets(%arg17 : memref<80xi32, #tpu.memory_space<vmem>>) semaphore(%arg21 : memref<!tpu.dma_semaphore, #tpu.memory_space<semaphore_mem>>) {add = true}
      %dma_wait3A_508 = arith.constant 0 : i32
      %dma_wait3A_509 = arith.constant 0 : i32
      %dma_wait3A_510 = tpu.memref_slice %arg13[%dma_wait3A_508, %dma_wait3A_509] : memref<10240x128xf32, #tpu.memory_space<vmem_shared>> -> memref<10240x128xf32, #tpu.memory_space<vmem_shared>>
      tpu.wait_indirect_dma semaphore(%arg20 : memref<!tpu.dma_semaphore, #tpu.memory_space<semaphore_mem>>) src(%arg18 : memref<80x128xf32, #tpu.memory_space<vmem>>) dst(%dma_wait3A_510 : memref<10240x128xf32, #tpu.memory_space<vmem_shared>>)
      %dma_wait3A_511 = arith.constant 0 : i32
      %dma_wait3A_512 = arith.constant 0 : i32
      %dma_wait3A_513 = tpu.memref_slice %arg13[%dma_wait3A_511, %dma_wait3A_512] : memref<10240x128xf32, #tpu.memory_space<vmem_shared>> -> memref<10240x128xf32, #tpu.memory_space<vmem_shared>>
      tpu.wait_indirect_dma semaphore(%arg21 : memref<!tpu.dma_semaphore, #tpu.memory_space<semaphore_mem>>) src(%arg18 : memref<80x128xf32, #tpu.memory_space<vmem>>) dst(%dma_wait3A_513 : memref<10240x128xf32, #tpu.memory_space<vmem_shared>>)
    }
    %scan3A_384 = arith.constant 62 : i32
    %add3A_385 = arith.constant 9920 : i32
    %add3A_386 = arith.addi %add3A, %add3A_385 : i32
    "tpu.region"() ({
      %run_scoped3A = tpu.sem_alloc : memref<!tpu.dma_semaphore, #tpu.memory_space<semaphore_mem>>
      %dma_start3A_485 = tpu.memref_slice %arg7[%add3A_386] : memref<320000xi32, #tpu.memory_space<hbm>> -> memref<80xi32, #tpu.memory_space<hbm>>
      %dma_start3A_486 = tpu.memref_slice %arg7[%add3A_386] : memref<320000xi32, #tpu.memory_space<hbm>> -> memref<80xi32, #tpu.memory_space<hbm>>
      tpu.enqueue_dma source(%dma_start3A_486 : memref<80xi32, #tpu.memory_space<hbm>>) target(%arg15 : memref<80xi32, #tpu.memory_space<vmem>>) target_semaphore(%run_scoped3A : memref<!tpu.dma_semaphore, #tpu.memory_space<semaphore_mem>>)
      %dma_wait3A_487 = tpu.memref_slice %arg7[%add3A_386] : memref<320000xi32, #tpu.memory_space<hbm>> -> memref<80xi32, #tpu.memory_space<hbm>>
      %dma_wait3A_488 = tpu.memref_slice %arg7[%add3A_386] : memref<320000xi32, #tpu.memory_space<hbm>> -> memref<80xi32, #tpu.memory_space<hbm>>
      tpu.wait_dma2 semaphore(%run_scoped3A : memref<!tpu.dma_semaphore, #tpu.memory_space<semaphore_mem>>) src(%dma_wait3A_488 : memref<80xi32, #tpu.memory_space<hbm>>) dst(%arg15 : memref<80xi32, #tpu.memory_space<vmem>>)
      tpu.yield
    }) : () -> ()
    "tpu.region"() ({
      %run_scoped3A = tpu.sem_alloc : memref<!tpu.dma_semaphore, #tpu.memory_space<semaphore_mem>>
      %dma_start3A_485 = arith.constant 0 : i32
      %dma_start3A_486 = arith.constant 0 : i32
      %dma_start3A_487 = tpu.memref_slice %arg13[%dma_start3A_485, %dma_start3A_486] : memref<10240x128xf32, #tpu.memory_space<vmem_shared>> -> memref<10240x128xf32, #tpu.memory_space<vmem_shared>>
      tpu.enqueue_indirect_dma source(%arg18 : memref<80x128xf32, #tpu.memory_space<vmem>>) target(%dma_start3A_487 : memref<10240x128xf32, #tpu.memory_space<vmem_shared>>) offsets(%arg15 : memref<80xi32, #tpu.memory_space<vmem>>) semaphore(%run_scoped3A : memref<!tpu.dma_semaphore, #tpu.memory_space<semaphore_mem>>) {add = true}
      %dma_wait3A_488 = arith.constant 0 : i32
      %dma_wait3A_489 = arith.constant 0 : i32
      %dma_wait3A_490 = tpu.memref_slice %arg13[%dma_wait3A_488, %dma_wait3A_489] : memref<10240x128xf32, #tpu.memory_space<vmem_shared>> -> memref<10240x128xf32, #tpu.memory_space<vmem_shared>>
      tpu.wait_indirect_dma semaphore(%run_scoped3A : memref<!tpu.dma_semaphore, #tpu.memory_space<semaphore_mem>>) src(%arg18 : memref<80x128xf32, #tpu.memory_space<vmem>>) dst(%dma_wait3A_490 : memref<10240x128xf32, #tpu.memory_space<vmem_shared>>)
      tpu.yield
    }) : () -> ()
    %barrier3A_387 = arith.constant 0 : index
    tpu.barrier barrier_id(%barrier3A_387)
    %add3A_388 = arith.constant 0 : i32
    %add3A_389 = arith.addi %mul3A_0, %add3A_388 : i32
    "tpu.region"() ({
      %run_scoped3A = tpu.sem_alloc : memref<!tpu.dma_semaphore, #tpu.memory_space<semaphore_mem>>
      %dma_start3A_485 = arith.constant 0 : i32
      %dma_start3A_486 = tpu.memref_slice %arg13[%add3A_389, %dma_start3A_485] : memref<10240x128xf32, #tpu.memory_space<vmem_shared>> -> memref<80x128xf32, #tpu.memory_space<vmem_shared>>
      %dma_start3A_487 = arith.constant 0 : i32
      %dma_start3A_488 = tpu.memref_slice %arg13[%add3A_389, %dma_start3A_487] : memref<10240x128xf32, #tpu.memory_space<vmem_shared>> -> memref<80x128xf32, #tpu.memory_space<vmem_shared>>
      tpu.enqueue_dma source(%dma_start3A_488 : memref<80x128xf32, #tpu.memory_space<vmem_shared>>) target(%arg18 : memref<80x128xf32, #tpu.memory_space<vmem>>) target_semaphore(%run_scoped3A : memref<!tpu.dma_semaphore, #tpu.memory_space<semaphore_mem>>)
      %dma_wait3A_489 = arith.constant 0 : i32
      %dma_wait3A_490 = tpu.memref_slice %arg13[%add3A_389, %dma_wait3A_489] : memref<10240x128xf32, #tpu.memory_space<vmem_shared>> -> memref<80x128xf32, #tpu.memory_space<vmem_shared>>
      %dma_wait3A_491 = arith.constant 0 : i32
      %dma_wait3A_492 = tpu.memref_slice %arg13[%add3A_389, %dma_wait3A_491] : memref<10240x128xf32, #tpu.memory_space<vmem_shared>> -> memref<80x128xf32, #tpu.memory_space<vmem_shared>>
      tpu.wait_dma2 semaphore(%run_scoped3A : memref<!tpu.dma_semaphore, #tpu.memory_space<semaphore_mem>>) src(%dma_wait3A_492 : memref<80x128xf32, #tpu.memory_space<vmem_shared>>) dst(%arg18 : memref<80x128xf32, #tpu.memory_space<vmem>>)
      tpu.yield
    }) : () -> ()
    %add3A_390 = arith.constant 0 : i32
    %add3A_391 = arith.addi %add3A_7, %add3A_390 : i32
    %dma_start3A_392 = arith.constant 0 : i32
    %dma_start3A_393 = tpu.memref_slice %arg12[%add3A_391, %dma_start3A_392] : memref<20480x128xf32, #tpu.memory_space<hbm>> -> memref<80x128xf32, #tpu.memory_space<hbm>>
    %dma_start3A_394 = arith.constant 0 : i32
    %dma_start3A_395 = tpu.memref_slice %arg12[%add3A_391, %dma_start3A_394] : memref<20480x128xf32, #tpu.memory_space<hbm>> -> memref<80x128xf32, #tpu.memory_space<hbm>>
    tpu.enqueue_dma source(%arg18 : memref<80x128xf32, #tpu.memory_space<vmem>>) target(%dma_start3A_395 : memref<80x128xf32, #tpu.memory_space<hbm>>) target_semaphore(%arg23 : memref<!tpu.dma_semaphore, #tpu.memory_space<semaphore_mem>>)
    %add3A_396 = arith.constant 80 : i32
    %add3A_397 = arith.addi %mul3A_0, %add3A_396 : i32
    "tpu.region"() ({
      %run_scoped3A = tpu.sem_alloc : memref<!tpu.dma_semaphore, #tpu.memory_space<semaphore_mem>>
      %dma_start3A_485 = arith.constant 0 : i32
      %dma_start3A_486 = tpu.memref_slice %arg13[%add3A_397, %dma_start3A_485] : memref<10240x128xf32, #tpu.memory_space<vmem_shared>> -> memref<80x128xf32, #tpu.memory_space<vmem_shared>>
      %dma_start3A_487 = arith.constant 0 : i32
      %dma_start3A_488 = tpu.memref_slice %arg13[%add3A_397, %dma_start3A_487] : memref<10240x128xf32, #tpu.memory_space<vmem_shared>> -> memref<80x128xf32, #tpu.memory_space<vmem_shared>>
      tpu.enqueue_dma source(%dma_start3A_488 : memref<80x128xf32, #tpu.memory_space<vmem_shared>>) target(%arg19 : memref<80x128xf32, #tpu.memory_space<vmem>>) target_semaphore(%run_scoped3A : memref<!tpu.dma_semaphore, #tpu.memory_space<semaphore_mem>>)
      %dma_wait3A_489 = arith.constant 0 : i32
      %dma_wait3A_490 = tpu.memref_slice %arg13[%add3A_397, %dma_wait3A_489] : memref<10240x128xf32, #tpu.memory_space<vmem_shared>> -> memref<80x128xf32, #tpu.memory_space<vmem_shared>>
      %dma_wait3A_491 = arith.constant 0 : i32
      %dma_wait3A_492 = tpu.memref_slice %arg13[%add3A_397, %dma_wait3A_491] : memref<10240x128xf32, #tpu.memory_space<vmem_shared>> -> memref<80x128xf32, #tpu.memory_space<vmem_shared>>
      tpu.wait_dma2 semaphore(%run_scoped3A : memref<!tpu.dma_semaphore, #tpu.memory_space<semaphore_mem>>) src(%dma_wait3A_492 : memref<80x128xf32, #tpu.memory_space<vmem_shared>>) dst(%arg19 : memref<80x128xf32, #tpu.memory_space<vmem>>)
      tpu.yield
    }) : () -> ()
    %add3A_398 = arith.constant 80 : i32
    %add3A_399 = arith.addi %add3A_7, %add3A_398 : i32
    %dma_start3A_400 = arith.constant 0 : i32
    %dma_start3A_401 = tpu.memref_slice %arg12[%add3A_399, %dma_start3A_400] : memref<20480x128xf32, #tpu.memory_space<hbm>> -> memref<80x128xf32, #tpu.memory_space<hbm>>
    %dma_start3A_402 = arith.constant 0 : i32
    %dma_start3A_403 = tpu.memref_slice %arg12[%add3A_399, %dma_start3A_402] : memref<20480x128xf32, #tpu.memory_space<hbm>> -> memref<80x128xf32, #tpu.memory_space<hbm>>
    tpu.enqueue_dma source(%arg19 : memref<80x128xf32, #tpu.memory_space<vmem>>) target(%dma_start3A_403 : memref<80x128xf32, #tpu.memory_space<hbm>>) target_semaphore(%arg23 : memref<!tpu.dma_semaphore, #tpu.memory_space<semaphore_mem>>)
    %dma_wait3A_404 = arith.constant 0 : i32
    %dma_wait3A_405 = tpu.memref_slice %arg12[%add3A_391, %dma_wait3A_404] : memref<20480x128xf32, #tpu.memory_space<hbm>> -> memref<80x128xf32, #tpu.memory_space<hbm>>
    %dma_wait3A_406 = arith.constant 0 : i32
    %dma_wait3A_407 = tpu.memref_slice %arg12[%add3A_391, %dma_wait3A_406] : memref<20480x128xf32, #tpu.memory_space<hbm>> -> memref<80x128xf32, #tpu.memory_space<hbm>>
    tpu.wait_dma2 semaphore(%arg23 : memref<!tpu.dma_semaphore, #tpu.memory_space<semaphore_mem>>) src(%arg18 : memref<80x128xf32, #tpu.memory_space<vmem>>) dst(%dma_wait3A_407 : memref<80x128xf32, #tpu.memory_space<hbm>>)
    %add3A_408 = arith.constant 160 : i32
    %add3A_409 = arith.addi %mul3A_0, %add3A_408 : i32
    "tpu.region"() ({
      %run_scoped3A = tpu.sem_alloc : memref<!tpu.dma_semaphore, #tpu.memory_space<semaphore_mem>>
      %dma_start3A_485 = arith.constant 0 : i32
      %dma_start3A_486 = tpu.memref_slice %arg13[%add3A_409, %dma_start3A_485] : memref<10240x128xf32, #tpu.memory_space<vmem_shared>> -> memref<80x128xf32, #tpu.memory_space<vmem_shared>>
      %dma_start3A_487 = arith.constant 0 : i32
      %dma_start3A_488 = tpu.memref_slice %arg13[%add3A_409, %dma_start3A_487] : memref<10240x128xf32, #tpu.memory_space<vmem_shared>> -> memref<80x128xf32, #tpu.memory_space<vmem_shared>>
      tpu.enqueue_dma source(%dma_start3A_488 : memref<80x128xf32, #tpu.memory_space<vmem_shared>>) target(%arg18 : memref<80x128xf32, #tpu.memory_space<vmem>>) target_semaphore(%run_scoped3A : memref<!tpu.dma_semaphore, #tpu.memory_space<semaphore_mem>>)
      %dma_wait3A_489 = arith.constant 0 : i32
      %dma_wait3A_490 = tpu.memref_slice %arg13[%add3A_409, %dma_wait3A_489] : memref<10240x128xf32, #tpu.memory_space<vmem_shared>> -> memref<80x128xf32, #tpu.memory_space<vmem_shared>>
      %dma_wait3A_491 = arith.constant 0 : i32
      %dma_wait3A_492 = tpu.memref_slice %arg13[%add3A_409, %dma_wait3A_491] : memref<10240x128xf32, #tpu.memory_space<vmem_shared>> -> memref<80x128xf32, #tpu.memory_space<vmem_shared>>
      tpu.wait_dma2 semaphore(%run_scoped3A : memref<!tpu.dma_semaphore, #tpu.memory_space<semaphore_mem>>) src(%dma_wait3A_492 : memref<80x128xf32, #tpu.memory_space<vmem_shared>>) dst(%arg18 : memref<80x128xf32, #tpu.memory_space<vmem>>)
      tpu.yield
    }) : () -> ()
    %add3A_410 = arith.constant 160 : i32
    %add3A_411 = arith.addi %add3A_7, %add3A_410 : i32
    %dma_start3A_412 = arith.constant 0 : i32
    %dma_start3A_413 = tpu.memref_slice %arg12[%add3A_411, %dma_start3A_412] : memref<20480x128xf32, #tpu.memory_space<hbm>> -> memref<80x128xf32, #tpu.memory_space<hbm>>
    %dma_start3A_414 = arith.constant 0 : i32
    %dma_start3A_415 = tpu.memref_slice %arg12[%add3A_411, %dma_start3A_414] : memref<20480x128xf32, #tpu.memory_space<hbm>> -> memref<80x128xf32, #tpu.memory_space<hbm>>
    tpu.enqueue_dma source(%arg18 : memref<80x128xf32, #tpu.memory_space<vmem>>) target(%dma_start3A_415 : memref<80x128xf32, #tpu.memory_space<hbm>>) target_semaphore(%arg23 : memref<!tpu.dma_semaphore, #tpu.memory_space<semaphore_mem>>)
    %dma_wait3A_416 = arith.constant 0 : i32
    %dma_wait3A_417 = tpu.memref_slice %arg12[%add3A_399, %dma_wait3A_416] : memref<20480x128xf32, #tpu.memory_space<hbm>> -> memref<80x128xf32, #tpu.memory_space<hbm>>
    %dma_wait3A_418 = arith.constant 0 : i32
    %dma_wait3A_419 = tpu.memref_slice %arg12[%add3A_399, %dma_wait3A_418] : memref<20480x128xf32, #tpu.memory_space<hbm>> -> memref<80x128xf32, #tpu.memory_space<hbm>>
    tpu.wait_dma2 semaphore(%arg23 : memref<!tpu.dma_semaphore, #tpu.memory_space<semaphore_mem>>) src(%arg19 : memref<80x128xf32, #tpu.memory_space<vmem>>) dst(%dma_wait3A_419 : memref<80x128xf32, #tpu.memory_space<hbm>>)
    %add3A_420 = arith.constant 240 : i32
    %add3A_421 = arith.addi %mul3A_0, %add3A_420 : i32
    "tpu.region"() ({
      %run_scoped3A = tpu.sem_alloc : memref<!tpu.dma_semaphore, #tpu.memory_space<semaphore_mem>>
      %dma_start3A_485 = arith.constant 0 : i32
      %dma_start3A_486 = tpu.memref_slice %arg13[%add3A_421, %dma_start3A_485] : memref<10240x128xf32, #tpu.memory_space<vmem_shared>> -> memref<80x128xf32, #tpu.memory_space<vmem_shared>>
      %dma_start3A_487 = arith.constant 0 : i32
      %dma_start3A_488 = tpu.memref_slice %arg13[%add3A_421, %dma_start3A_487] : memref<10240x128xf32, #tpu.memory_space<vmem_shared>> -> memref<80x128xf32, #tpu.memory_space<vmem_shared>>
      tpu.enqueue_dma source(%dma_start3A_488 : memref<80x128xf32, #tpu.memory_space<vmem_shared>>) target(%arg19 : memref<80x128xf32, #tpu.memory_space<vmem>>) target_semaphore(%run_scoped3A : memref<!tpu.dma_semaphore, #tpu.memory_space<semaphore_mem>>)
      %dma_wait3A_489 = arith.constant 0 : i32
      %dma_wait3A_490 = tpu.memref_slice %arg13[%add3A_421, %dma_wait3A_489] : memref<10240x128xf32, #tpu.memory_space<vmem_shared>> -> memref<80x128xf32, #tpu.memory_space<vmem_shared>>
      %dma_wait3A_491 = arith.constant 0 : i32
      %dma_wait3A_492 = tpu.memref_slice %arg13[%add3A_421, %dma_wait3A_491] : memref<10240x128xf32, #tpu.memory_space<vmem_shared>> -> memref<80x128xf32, #tpu.memory_space<vmem_shared>>
      tpu.wait_dma2 semaphore(%run_scoped3A : memref<!tpu.dma_semaphore, #tpu.memory_space<semaphore_mem>>) src(%dma_wait3A_492 : memref<80x128xf32, #tpu.memory_space<vmem_shared>>) dst(%arg19 : memref<80x128xf32, #tpu.memory_space<vmem>>)
      tpu.yield
    }) : () -> ()
    %add3A_422 = arith.constant 240 : i32
    %add3A_423 = arith.addi %add3A_7, %add3A_422 : i32
    %dma_start3A_424 = arith.constant 0 : i32
    %dma_start3A_425 = tpu.memref_slice %arg12[%add3A_423, %dma_start3A_424] : memref<20480x128xf32, #tpu.memory_space<hbm>> -> memref<80x128xf32, #tpu.memory_space<hbm>>
    %dma_start3A_426 = arith.constant 0 : i32
    %dma_start3A_427 = tpu.memref_slice %arg12[%add3A_423, %dma_start3A_426] : memref<20480x128xf32, #tpu.memory_space<hbm>> -> memref<80x128xf32, #tpu.memory_space<hbm>>
    tpu.enqueue_dma source(%arg19 : memref<80x128xf32, #tpu.memory_space<vmem>>) target(%dma_start3A_427 : memref<80x128xf32, #tpu.memory_space<hbm>>) target_semaphore(%arg23 : memref<!tpu.dma_semaphore, #tpu.memory_space<semaphore_mem>>)
    %dma_wait3A_428 = arith.constant 0 : i32
    %dma_wait3A_429 = tpu.memref_slice %arg12[%add3A_411, %dma_wait3A_428] : memref<20480x128xf32, #tpu.memory_space<hbm>> -> memref<80x128xf32, #tpu.memory_space<hbm>>
    %dma_wait3A_430 = arith.constant 0 : i32
    %dma_wait3A_431 = tpu.memref_slice %arg12[%add3A_411, %dma_wait3A_430] : memref<20480x128xf32, #tpu.memory_space<hbm>> -> memref<80x128xf32, #tpu.memory_space<hbm>>
    tpu.wait_dma2 semaphore(%arg23 : memref<!tpu.dma_semaphore, #tpu.memory_space<semaphore_mem>>) src(%arg18 : memref<80x128xf32, #tpu.memory_space<vmem>>) dst(%dma_wait3A_431 : memref<80x128xf32, #tpu.memory_space<hbm>>)
    %add3A_432 = arith.constant 320 : i32
    %add3A_433 = arith.addi %mul3A_0, %add3A_432 : i32
    "tpu.region"() ({
      %run_scoped3A = tpu.sem_alloc : memref<!tpu.dma_semaphore, #tpu.memory_space<semaphore_mem>>
      %dma_start3A_485 = arith.constant 0 : i32
      %dma_start3A_486 = tpu.memref_slice %arg13[%add3A_433, %dma_start3A_485] : memref<10240x128xf32, #tpu.memory_space<vmem_shared>> -> memref<80x128xf32, #tpu.memory_space<vmem_shared>>
      %dma_start3A_487 = arith.constant 0 : i32
      %dma_start3A_488 = tpu.memref_slice %arg13[%add3A_433, %dma_start3A_487] : memref<10240x128xf32, #tpu.memory_space<vmem_shared>> -> memref<80x128xf32, #tpu.memory_space<vmem_shared>>
      tpu.enqueue_dma source(%dma_start3A_488 : memref<80x128xf32, #tpu.memory_space<vmem_shared>>) target(%arg18 : memref<80x128xf32, #tpu.memory_space<vmem>>) target_semaphore(%run_scoped3A : memref<!tpu.dma_semaphore, #tpu.memory_space<semaphore_mem>>)
      %dma_wait3A_489 = arith.constant 0 : i32
      %dma_wait3A_490 = tpu.memref_slice %arg13[%add3A_433, %dma_wait3A_489] : memref<10240x128xf32, #tpu.memory_space<vmem_shared>> -> memref<80x128xf32, #tpu.memory_space<vmem_shared>>
      %dma_wait3A_491 = arith.constant 0 : i32
      %dma_wait3A_492 = tpu.memref_slice %arg13[%add3A_433, %dma_wait3A_491] : memref<10240x128xf32, #tpu.memory_space<vmem_shared>> -> memref<80x128xf32, #tpu.memory_space<vmem_shared>>
      tpu.wait_dma2 semaphore(%run_scoped3A : memref<!tpu.dma_semaphore, #tpu.memory_space<semaphore_mem>>) src(%dma_wait3A_492 : memref<80x128xf32, #tpu.memory_space<vmem_shared>>) dst(%arg18 : memref<80x128xf32, #tpu.memory_space<vmem>>)
      tpu.yield
    }) : () -> ()
    %add3A_434 = arith.constant 320 : i32
    %add3A_435 = arith.addi %add3A_7, %add3A_434 : i32
    %dma_start3A_436 = arith.constant 0 : i32
    %dma_start3A_437 = tpu.memref_slice %arg12[%add3A_435, %dma_start3A_436] : memref<20480x128xf32, #tpu.memory_space<hbm>> -> memref<80x128xf32, #tpu.memory_space<hbm>>
    %dma_start3A_438 = arith.constant 0 : i32
    %dma_start3A_439 = tpu.memref_slice %arg12[%add3A_435, %dma_start3A_438] : memref<20480x128xf32, #tpu.memory_space<hbm>> -> memref<80x128xf32, #tpu.memory_space<hbm>>
    tpu.enqueue_dma source(%arg18 : memref<80x128xf32, #tpu.memory_space<vmem>>) target(%dma_start3A_439 : memref<80x128xf32, #tpu.memory_space<hbm>>) target_semaphore(%arg23 : memref<!tpu.dma_semaphore, #tpu.memory_space<semaphore_mem>>)
    %dma_wait3A_440 = arith.constant 0 : i32
    %dma_wait3A_441 = tpu.memref_slice %arg12[%add3A_423, %dma_wait3A_440] : memref<20480x128xf32, #tpu.memory_space<hbm>> -> memref<80x128xf32, #tpu.memory_space<hbm>>
    %dma_wait3A_442 = arith.constant 0 : i32
    %dma_wait3A_443 = tpu.memref_slice %arg12[%add3A_423, %dma_wait3A_442] : memref<20480x128xf32, #tpu.memory_space<hbm>> -> memref<80x128xf32, #tpu.memory_space<hbm>>
    tpu.wait_dma2 semaphore(%arg23 : memref<!tpu.dma_semaphore, #tpu.memory_space<semaphore_mem>>) src(%arg19 : memref<80x128xf32, #tpu.memory_space<vmem>>) dst(%dma_wait3A_443 : memref<80x128xf32, #tpu.memory_space<hbm>>)
    %add3A_444 = arith.constant 400 : i32
    %add3A_445 = arith.addi %mul3A_0, %add3A_444 : i32
    "tpu.region"() ({
      %run_scoped3A = tpu.sem_alloc : memref<!tpu.dma_semaphore, #tpu.memory_space<semaphore_mem>>
      %dma_start3A_485 = arith.constant 0 : i32
      %dma_start3A_486 = tpu.memref_slice %arg13[%add3A_445, %dma_start3A_485] : memref<10240x128xf32, #tpu.memory_space<vmem_shared>> -> memref<80x128xf32, #tpu.memory_space<vmem_shared>>
      %dma_start3A_487 = arith.constant 0 : i32
      %dma_start3A_488 = tpu.memref_slice %arg13[%add3A_445, %dma_start3A_487] : memref<10240x128xf32, #tpu.memory_space<vmem_shared>> -> memref<80x128xf32, #tpu.memory_space<vmem_shared>>
      tpu.enqueue_dma source(%dma_start3A_488 : memref<80x128xf32, #tpu.memory_space<vmem_shared>>) target(%arg19 : memref<80x128xf32, #tpu.memory_space<vmem>>) target_semaphore(%run_scoped3A : memref<!tpu.dma_semaphore, #tpu.memory_space<semaphore_mem>>)
      %dma_wait3A_489 = arith.constant 0 : i32
      %dma_wait3A_490 = tpu.memref_slice %arg13[%add3A_445, %dma_wait3A_489] : memref<10240x128xf32, #tpu.memory_space<vmem_shared>> -> memref<80x128xf32, #tpu.memory_space<vmem_shared>>
      %dma_wait3A_491 = arith.constant 0 : i32
      %dma_wait3A_492 = tpu.memref_slice %arg13[%add3A_445, %dma_wait3A_491] : memref<10240x128xf32, #tpu.memory_space<vmem_shared>> -> memref<80x128xf32, #tpu.memory_space<vmem_shared>>
      tpu.wait_dma2 semaphore(%run_scoped3A : memref<!tpu.dma_semaphore, #tpu.memory_space<semaphore_mem>>) src(%dma_wait3A_492 : memref<80x128xf32, #tpu.memory_space<vmem_shared>>) dst(%arg19 : memref<80x128xf32, #tpu.memory_space<vmem>>)
      tpu.yield
    }) : () -> ()
    %add3A_446 = arith.constant 400 : i32
    %add3A_447 = arith.addi %add3A_7, %add3A_446 : i32
    %dma_start3A_448 = arith.constant 0 : i32
    %dma_start3A_449 = tpu.memref_slice %arg12[%add3A_447, %dma_start3A_448] : memref<20480x128xf32, #tpu.memory_space<hbm>> -> memref<80x128xf32, #tpu.memory_space<hbm>>
    %dma_start3A_450 = arith.constant 0 : i32
    %dma_start3A_451 = tpu.memref_slice %arg12[%add3A_447, %dma_start3A_450] : memref<20480x128xf32, #tpu.memory_space<hbm>> -> memref<80x128xf32, #tpu.memory_space<hbm>>
    tpu.enqueue_dma source(%arg19 : memref<80x128xf32, #tpu.memory_space<vmem>>) target(%dma_start3A_451 : memref<80x128xf32, #tpu.memory_space<hbm>>) target_semaphore(%arg23 : memref<!tpu.dma_semaphore, #tpu.memory_space<semaphore_mem>>)
    %dma_wait3A_452 = arith.constant 0 : i32
    %dma_wait3A_453 = tpu.memref_slice %arg12[%add3A_435, %dma_wait3A_452] : memref<20480x128xf32, #tpu.memory_space<hbm>> -> memref<80x128xf32, #tpu.memory_space<hbm>>
    %dma_wait3A_454 = arith.constant 0 : i32
    %dma_wait3A_455 = tpu.memref_slice %arg12[%add3A_435, %dma_wait3A_454] : memref<20480x128xf32, #tpu.memory_space<hbm>> -> memref<80x128xf32, #tpu.memory_space<hbm>>
    tpu.wait_dma2 semaphore(%arg23 : memref<!tpu.dma_semaphore, #tpu.memory_space<semaphore_mem>>) src(%arg18 : memref<80x128xf32, #tpu.memory_space<vmem>>) dst(%dma_wait3A_455 : memref<80x128xf32, #tpu.memory_space<hbm>>)
    %add3A_456 = arith.constant 480 : i32
    %add3A_457 = arith.addi %mul3A_0, %add3A_456 : i32
    "tpu.region"() ({
      %run_scoped3A = tpu.sem_alloc : memref<!tpu.dma_semaphore, #tpu.memory_space<semaphore_mem>>
      %dma_start3A_485 = arith.constant 0 : i32
      %dma_start3A_486 = tpu.memref_slice %arg13[%add3A_457, %dma_start3A_485] : memref<10240x128xf32, #tpu.memory_space<vmem_shared>> -> memref<80x128xf32, #tpu.memory_space<vmem_shared>>
      %dma_start3A_487 = arith.constant 0 : i32
      %dma_start3A_488 = tpu.memref_slice %arg13[%add3A_457, %dma_start3A_487] : memref<10240x128xf32, #tpu.memory_space<vmem_shared>> -> memref<80x128xf32, #tpu.memory_space<vmem_shared>>
      tpu.enqueue_dma source(%dma_start3A_488 : memref<80x128xf32, #tpu.memory_space<vmem_shared>>) target(%arg18 : memref<80x128xf32, #tpu.memory_space<vmem>>) target_semaphore(%run_scoped3A : memref<!tpu.dma_semaphore, #tpu.memory_space<semaphore_mem>>)
      %dma_wait3A_489 = arith.constant 0 : i32
      %dma_wait3A_490 = tpu.memref_slice %arg13[%add3A_457, %dma_wait3A_489] : memref<10240x128xf32, #tpu.memory_space<vmem_shared>> -> memref<80x128xf32, #tpu.memory_space<vmem_shared>>
      %dma_wait3A_491 = arith.constant 0 : i32
      %dma_wait3A_492 = tpu.memref_slice %arg13[%add3A_457, %dma_wait3A_491] : memref<10240x128xf32, #tpu.memory_space<vmem_shared>> -> memref<80x128xf32, #tpu.memory_space<vmem_shared>>
      tpu.wait_dma2 semaphore(%run_scoped3A : memref<!tpu.dma_semaphore, #tpu.memory_space<semaphore_mem>>) src(%dma_wait3A_492 : memref<80x128xf32, #tpu.memory_space<vmem_shared>>) dst(%arg18 : memref<80x128xf32, #tpu.memory_space<vmem>>)
      tpu.yield
    }) : () -> ()
    %add3A_458 = arith.constant 480 : i32
    %add3A_459 = arith.addi %add3A_7, %add3A_458 : i32
    %dma_start3A_460 = arith.constant 0 : i32
    %dma_start3A_461 = tpu.memref_slice %arg12[%add3A_459, %dma_start3A_460] : memref<20480x128xf32, #tpu.memory_space<hbm>> -> memref<80x128xf32, #tpu.memory_space<hbm>>
    %dma_start3A_462 = arith.constant 0 : i32
    %dma_start3A_463 = tpu.memref_slice %arg12[%add3A_459, %dma_start3A_462] : memref<20480x128xf32, #tpu.memory_space<hbm>> -> memref<80x128xf32, #tpu.memory_space<hbm>>
    tpu.enqueue_dma source(%arg18 : memref<80x128xf32, #tpu.memory_space<vmem>>) target(%dma_start3A_463 : memref<80x128xf32, #tpu.memory_space<hbm>>) target_semaphore(%arg23 : memref<!tpu.dma_semaphore, #tpu.memory_space<semaphore_mem>>)
    %dma_wait3A_464 = arith.constant 0 : i32
    %dma_wait3A_465 = tpu.memref_slice %arg12[%add3A_447, %dma_wait3A_464] : memref<20480x128xf32, #tpu.memory_space<hbm>> -> memref<80x128xf32, #tpu.memory_space<hbm>>
    %dma_wait3A_466 = arith.constant 0 : i32
    %dma_wait3A_467 = tpu.memref_slice %arg12[%add3A_447, %dma_wait3A_466] : memref<20480x128xf32, #tpu.memory_space<hbm>> -> memref<80x128xf32, #tpu.memory_space<hbm>>
    tpu.wait_dma2 semaphore(%arg23 : memref<!tpu.dma_semaphore, #tpu.memory_space<semaphore_mem>>) src(%arg19 : memref<80x128xf32, #tpu.memory_space<vmem>>) dst(%dma_wait3A_467 : memref<80x128xf32, #tpu.memory_space<hbm>>)
    %add3A_468 = arith.constant 560 : i32
    %add3A_469 = arith.addi %mul3A_0, %add3A_468 : i32
    "tpu.region"() ({
      %run_scoped3A = tpu.sem_alloc : memref<!tpu.dma_semaphore, #tpu.memory_space<semaphore_mem>>
      %dma_start3A_485 = arith.constant 0 : i32
      %dma_start3A_486 = tpu.memref_slice %arg13[%add3A_469, %dma_start3A_485] : memref<10240x128xf32, #tpu.memory_space<vmem_shared>> -> memref<80x128xf32, #tpu.memory_space<vmem_shared>>
      %dma_start3A_487 = arith.constant 0 : i32
      %dma_start3A_488 = tpu.memref_slice %arg13[%add3A_469, %dma_start3A_487] : memref<10240x128xf32, #tpu.memory_space<vmem_shared>> -> memref<80x128xf32, #tpu.memory_space<vmem_shared>>
      tpu.enqueue_dma source(%dma_start3A_488 : memref<80x128xf32, #tpu.memory_space<vmem_shared>>) target(%arg19 : memref<80x128xf32, #tpu.memory_space<vmem>>) target_semaphore(%run_scoped3A : memref<!tpu.dma_semaphore, #tpu.memory_space<semaphore_mem>>)
      %dma_wait3A_489 = arith.constant 0 : i32
      %dma_wait3A_490 = tpu.memref_slice %arg13[%add3A_469, %dma_wait3A_489] : memref<10240x128xf32, #tpu.memory_space<vmem_shared>> -> memref<80x128xf32, #tpu.memory_space<vmem_shared>>
      %dma_wait3A_491 = arith.constant 0 : i32
      %dma_wait3A_492 = tpu.memref_slice %arg13[%add3A_469, %dma_wait3A_491] : memref<10240x128xf32, #tpu.memory_space<vmem_shared>> -> memref<80x128xf32, #tpu.memory_space<vmem_shared>>
      tpu.wait_dma2 semaphore(%run_scoped3A : memref<!tpu.dma_semaphore, #tpu.memory_space<semaphore_mem>>) src(%dma_wait3A_492 : memref<80x128xf32, #tpu.memory_space<vmem_shared>>) dst(%arg19 : memref<80x128xf32, #tpu.memory_space<vmem>>)
      tpu.yield
    }) : () -> ()
    %add3A_470 = arith.constant 560 : i32
    %add3A_471 = arith.addi %add3A_7, %add3A_470 : i32
    %dma_start3A_472 = arith.constant 0 : i32
    %dma_start3A_473 = tpu.memref_slice %arg12[%add3A_471, %dma_start3A_472] : memref<20480x128xf32, #tpu.memory_space<hbm>> -> memref<80x128xf32, #tpu.memory_space<hbm>>
    %dma_start3A_474 = arith.constant 0 : i32
    %dma_start3A_475 = tpu.memref_slice %arg12[%add3A_471, %dma_start3A_474] : memref<20480x128xf32, #tpu.memory_space<hbm>> -> memref<80x128xf32, #tpu.memory_space<hbm>>
    tpu.enqueue_dma source(%arg19 : memref<80x128xf32, #tpu.memory_space<vmem>>) target(%dma_start3A_475 : memref<80x128xf32, #tpu.memory_space<hbm>>) target_semaphore(%arg23 : memref<!tpu.dma_semaphore, #tpu.memory_space<semaphore_mem>>)
    %dma_wait3A_476 = arith.constant 0 : i32
    %dma_wait3A_477 = tpu.memref_slice %arg12[%add3A_459, %dma_wait3A_476] : memref<20480x128xf32, #tpu.memory_space<hbm>> -> memref<80x128xf32, #tpu.memory_space<hbm>>
    %dma_wait3A_478 = arith.constant 0 : i32
    %dma_wait3A_479 = tpu.memref_slice %arg12[%add3A_459, %dma_wait3A_478] : memref<20480x128xf32, #tpu.memory_space<hbm>> -> memref<80x128xf32, #tpu.memory_space<hbm>>
    tpu.wait_dma2 semaphore(%arg23 : memref<!tpu.dma_semaphore, #tpu.memory_space<semaphore_mem>>) src(%arg18 : memref<80x128xf32, #tpu.memory_space<vmem>>) dst(%dma_wait3A_479 : memref<80x128xf32, #tpu.memory_space<hbm>>)
    %dma_wait3A_480 = arith.constant 0 : i32
    %dma_wait3A_481 = tpu.memref_slice %arg12[%add3A_471, %dma_wait3A_480] : memref<20480x128xf32, #tpu.memory_space<hbm>> -> memref<80x128xf32, #tpu.memory_space<hbm>>
    %dma_wait3A_482 = arith.constant 0 : i32
    %dma_wait3A_483 = tpu.memref_slice %arg12[%add3A_471, %dma_wait3A_482] : memref<20480x128xf32, #tpu.memory_space<hbm>> -> memref<80x128xf32, #tpu.memory_space<hbm>>
    tpu.wait_dma2 semaphore(%arg23 : memref<!tpu.dma_semaphore, #tpu.memory_space<semaphore_mem>>) src(%arg19 : memref<80x128xf32, #tpu.memory_space<vmem>>) dst(%dma_wait3A_483 : memref<80x128xf32, #tpu.memory_space<hbm>>)
    %barrier3A_484 = arith.constant 0 : index
    tpu.barrier barrier_id(%barrier3A_484)
    return
  }
}

module attributes {stable_mosaic.version = 14 : i64} {
  func.func @body(%arg0: i32, %arg1: memref<400x128xf32, #tpu.memory_space<vmem>>, %arg2: memref<400x128xf32, #tpu.memory_space<vmem>>, %arg3: memref<400x128xf32, #tpu.memory_space<vmem>>, %arg4: memref<400x128xf32, #tpu.memory_space<vmem>>, %arg5: memref<400x1xf32, #tpu.memory_space<vmem>>, %arg6: memref<400x1xf32, #tpu.memory_space<vmem>>, %arg7: memref<400x256xf32, #tpu.memory_space<vmem>>, %arg8: memref<128x256xf32, #tpu.memory_space<vmem>>, %arg9: memref<128x256xf32, #tpu.memory_space<vmem>>, %arg10: memref<128x256xf32, #tpu.memory_space<vmem>>, %arg11: memref<128x256xf32, #tpu.memory_space<vmem>>, %arg12: memref<256x256xf32, #tpu.memory_space<vmem>>, %arg13: memref<1x256xf32, #tpu.memory_space<vmem>>, %arg14: memref<1x256xf32, #tpu.memory_space<vmem>>, %arg15: memref<1x256xf32, #tpu.memory_space<vmem>>, %arg16: memref<400x256xf32, #tpu.memory_space<vmem>>) attributes {dimension_semantics = [#tpu.dimension_semantics<arbitrary>], iteration_bounds = array<i64: 25>, scalar_prefetch = 0 : i64, scratch_operands = 0 : i64, tpu.core_type = #tpu.core_type<tc>, window_params = [{transform_indices = @transform_0, window_bounds = array<i64: 400, 128>}, {transform_indices = @transform_1, window_bounds = array<i64: 400, 128>}, {transform_indices = @transform_2, window_bounds = array<i64: 400, 128>}, {transform_indices = @transform_3, window_bounds = array<i64: 400, 128>}, {transform_indices = @transform_4, window_bounds = array<i64: 400, 1>}, {transform_indices = @transform_5, window_bounds = array<i64: 400, 1>}, {transform_indices = @transform_6, window_bounds = array<i64: 400, 256>}, {pipeline_mode = #tpu.pipeline_mode<synchronous>, transform_indices = @transform_7, window_bounds = array<i64: 128, 256>}, {pipeline_mode = #tpu.pipeline_mode<synchronous>, transform_indices = @transform_8, window_bounds = array<i64: 128, 256>}, {pipeline_mode = #tpu.pipeline_mode<synchronous>, transform_indices = @transform_9, window_bounds = array<i64: 128, 256>}, {pipeline_mode = #tpu.pipeline_mode<synchronous>, transform_indices = @transform_10, window_bounds = array<i64: 128, 256>}, {pipeline_mode = #tpu.pipeline_mode<synchronous>, transform_indices = @transform_11, window_bounds = array<i64: 256, 256>}, {pipeline_mode = #tpu.pipeline_mode<synchronous>, transform_indices = @transform_12, window_bounds = array<i64: 1, 256>}, {pipeline_mode = #tpu.pipeline_mode<synchronous>, transform_indices = @transform_13, window_bounds = array<i64: 1, 256>}, {pipeline_mode = #tpu.pipeline_mode<synchronous>, transform_indices = @transform_14, window_bounds = array<i64: 1, 256>}, {transform_indices = @transform_15, window_bounds = array<i64: 400, 256>}]} {
    %get3A = arith.constant 0 : index
    %get3A_0 = arith.constant 0 : index
    %get3A_1 = vector.load %arg5[%get3A, %get3A_0] : memref<400x1xf32, #tpu.memory_space<vmem>>, vector<400x1xf32>
    %max3A = arith.constant 1.000000e+00 : f32
    %max3A_2 = vector.broadcast %max3A : f32 to vector<400x1xf32>
    %max3A_3 = arith.maximumf %get3A_1, %max3A_2 : vector<400x1xf32>
    %div3A = arith.constant 1.000000e+00 : f32
    %div3A_4 = vector.broadcast %div3A : f32 to vector<400x1xf32>
    %div3A_5 = arith.divf %div3A_4, %max3A_3 : vector<400x1xf32>
    %get3A_6 = arith.constant 0 : index
    %get3A_7 = arith.constant 0 : index
    %get3A_8 = vector.load %arg6[%get3A_6, %get3A_7] : memref<400x1xf32, #tpu.memory_space<vmem>>, vector<400x1xf32>
    %max3A_9 = arith.constant 1.000000e+00 : f32
    %max3A_10 = vector.broadcast %max3A_9 : f32 to vector<400x1xf32>
    %max3A_11 = arith.maximumf %get3A_8, %max3A_10 : vector<400x1xf32>
    %div3A_12 = arith.constant 1.000000e+00 : f32
    %div3A_13 = vector.broadcast %div3A_12 : f32 to vector<400x1xf32>
    %div3A_14 = arith.divf %div3A_13, %max3A_11 : vector<400x1xf32>
    %get3A_15 = arith.constant 0 : index
    %get3A_16 = arith.constant 0 : index
    %get3A_17 = vector.load %arg1[%get3A_15, %get3A_16] : memref<400x128xf32, #tpu.memory_space<vmem>>, vector<400x128xf32>
    %mul3A = vector.broadcast %div3A_5 : vector<400x1xf32> to vector<400x128xf32>
    %mul3A_18 = arith.mulf %get3A_17, %mul3A : vector<400x128xf32>
    %get3A_19 = arith.constant 0 : index
    %get3A_20 = arith.constant 0 : index
    %get3A_21 = vector.load %arg8[%get3A_19, %get3A_20] : memref<128x256xf32, #tpu.memory_space<vmem>>, vector<128x256xf32>
    %dot_general3A = arith.constant dense<0.000000e+00> : vector<400x256xf32>
    %dot_general3A_22 = tpu.matmul %mul3A_18, %get3A_21, %dot_general3A {dimension_numbers = #tpu.dot_dimension_numbers<[1], [0], [0], [1], [0, 0, 1, 1], [], []>, transpose_lhs_hint = false} : vector<400x128xf32>, vector<128x256xf32>, vector<400x256xf32> -> vector<400x256xf32>
    %get3A_23 = arith.constant 0 : index
    %get3A_24 = arith.constant 0 : index
    %get3A_25 = vector.load %arg2[%get3A_23, %get3A_24] : memref<400x128xf32, #tpu.memory_space<vmem>>, vector<400x128xf32>
    %mul3A_26 = vector.broadcast %div3A_5 : vector<400x1xf32> to vector<400x128xf32>
    %mul3A_27 = arith.mulf %get3A_25, %mul3A_26 : vector<400x128xf32>
    %get3A_28 = arith.constant 0 : index
    %get3A_29 = arith.constant 0 : index
    %get3A_30 = vector.load %arg9[%get3A_28, %get3A_29] : memref<128x256xf32, #tpu.memory_space<vmem>>, vector<128x256xf32>
    %dot_general3A_31 = arith.constant dense<0.000000e+00> : vector<400x256xf32>
    %dot_general3A_32 = tpu.matmul %mul3A_27, %get3A_30, %dot_general3A_31 {dimension_numbers = #tpu.dot_dimension_numbers<[1], [0], [0], [1], [0, 0, 1, 1], [], []>, transpose_lhs_hint = false} : vector<400x128xf32>, vector<128x256xf32>, vector<400x256xf32> -> vector<400x256xf32>
    %add3A = arith.addf %dot_general3A_22, %dot_general3A_32 : vector<400x256xf32>
    %get3A_33 = arith.constant 0 : index
    %get3A_34 = arith.constant 0 : index
    %get3A_35 = vector.load %arg3[%get3A_33, %get3A_34] : memref<400x128xf32, #tpu.memory_space<vmem>>, vector<400x128xf32>
    %mul3A_36 = vector.broadcast %div3A_14 : vector<400x1xf32> to vector<400x128xf32>
    %mul3A_37 = arith.mulf %get3A_35, %mul3A_36 : vector<400x128xf32>
    %get3A_38 = arith.constant 0 : index
    %get3A_39 = arith.constant 0 : index
    %get3A_40 = vector.load %arg10[%get3A_38, %get3A_39] : memref<128x256xf32, #tpu.memory_space<vmem>>, vector<128x256xf32>
    %dot_general3A_41 = arith.constant dense<0.000000e+00> : vector<400x256xf32>
    %dot_general3A_42 = tpu.matmul %mul3A_37, %get3A_40, %dot_general3A_41 {dimension_numbers = #tpu.dot_dimension_numbers<[1], [0], [0], [1], [0, 0, 1, 1], [], []>, transpose_lhs_hint = false} : vector<400x128xf32>, vector<128x256xf32>, vector<400x256xf32> -> vector<400x256xf32>
    %get3A_43 = arith.constant 0 : index
    %get3A_44 = arith.constant 0 : index
    %get3A_45 = vector.load %arg4[%get3A_43, %get3A_44] : memref<400x128xf32, #tpu.memory_space<vmem>>, vector<400x128xf32>
    %mul3A_46 = vector.broadcast %div3A_14 : vector<400x1xf32> to vector<400x128xf32>
    %mul3A_47 = arith.mulf %get3A_45, %mul3A_46 : vector<400x128xf32>
    %get3A_48 = arith.constant 0 : index
    %get3A_49 = arith.constant 0 : index
    %get3A_50 = vector.load %arg11[%get3A_48, %get3A_49] : memref<128x256xf32, #tpu.memory_space<vmem>>, vector<128x256xf32>
    %dot_general3A_51 = arith.constant dense<0.000000e+00> : vector<400x256xf32>
    %dot_general3A_52 = tpu.matmul %mul3A_47, %get3A_50, %dot_general3A_51 {dimension_numbers = #tpu.dot_dimension_numbers<[1], [0], [0], [1], [0, 0, 1, 1], [], []>, transpose_lhs_hint = false} : vector<400x128xf32>, vector<128x256xf32>, vector<400x256xf32> -> vector<400x256xf32>
    %add3A_53 = arith.addf %dot_general3A_42, %dot_general3A_52 : vector<400x256xf32>
    %get3A_54 = arith.constant 0 : index
    %get3A_55 = arith.constant 0 : index
    %get3A_56 = vector.load %arg7[%get3A_54, %get3A_55] : memref<400x256xf32, #tpu.memory_space<vmem>>, vector<400x256xf32>
    %get3A_57 = arith.constant 0 : index
    %get3A_58 = arith.constant 0 : index
    %get3A_59 = vector.load %arg12[%get3A_57, %get3A_58] : memref<256x256xf32, #tpu.memory_space<vmem>>, vector<256x256xf32>
    %dot_general3A_60 = arith.constant dense<0.000000e+00> : vector<400x256xf32>
    %dot_general3A_61 = tpu.matmul %get3A_56, %get3A_59, %dot_general3A_60 {dimension_numbers = #tpu.dot_dimension_numbers<[1], [0], [0], [1], [0, 0, 1, 1], [], []>, transpose_lhs_hint = false} : vector<400x256xf32>, vector<256x256xf32>, vector<400x256xf32> -> vector<400x256xf32>
    %get3A_62 = arith.constant 0 : index
    %get3A_63 = arith.constant 0 : index
    %get3A_64 = vector.load %arg13[%get3A_62, %get3A_63] : memref<1x256xf32, #tpu.memory_space<vmem>>, vector<1x256xf32>
    %mul3A_65 = arith.constant 5.000000e-01 : f32
    %mul3A_66 = vector.broadcast %mul3A_65 : f32 to vector<1x256xf32>
    %mul3A_67 = arith.mulf %mul3A_66, %get3A_64 : vector<1x256xf32>
    %get3A_68 = arith.constant 0 : index
    %get3A_69 = arith.constant 0 : index
    %get3A_70 = vector.load %arg14[%get3A_68, %get3A_69] : memref<1x256xf32, #tpu.memory_space<vmem>>, vector<1x256xf32>
    %mul3A_71 = arith.constant 5.000000e-01 : f32
    %mul3A_72 = vector.broadcast %mul3A_71 : f32 to vector<1x256xf32>
    %mul3A_73 = arith.mulf %mul3A_72, %get3A_70 : vector<1x256xf32>
    %add3A_74 = arith.addf %mul3A_67, %mul3A_73 : vector<1x256xf32>
    %get3A_75 = arith.constant 0 : index
    %get3A_76 = arith.constant 0 : index
    %get3A_77 = vector.load %arg15[%get3A_75, %get3A_76] : memref<1x256xf32, #tpu.memory_space<vmem>>, vector<1x256xf32>
    %add3A_78 = arith.addf %add3A_74, %get3A_77 : vector<1x256xf32>
    %mul3A_79 = arith.constant 5.000000e-01 : f32
    %mul3A_80 = vector.broadcast %mul3A_79 : f32 to vector<400x256xf32>
    %mul3A_81 = arith.mulf %mul3A_80, %add3A : vector<400x256xf32>
    %mul3A_82 = arith.constant 5.000000e-01 : f32
    %mul3A_83 = vector.broadcast %mul3A_82 : f32 to vector<400x256xf32>
    %mul3A_84 = arith.mulf %mul3A_83, %add3A_53 : vector<400x256xf32>
    %add3A_85 = arith.addf %mul3A_81, %mul3A_84 : vector<400x256xf32>
    %add3A_86 = arith.addf %add3A_85, %dot_general3A_61 : vector<400x256xf32>
    %add3A_87 = vector.broadcast %add3A_78 : vector<1x256xf32> to vector<400x256xf32>
    %add3A_88 = arith.addf %add3A_86, %add3A_87 : vector<400x256xf32>
    %swap3A = arith.constant 0 : index
    %swap3A_89 = arith.constant 0 : index
    %swap3A_90 = vector.load %arg16[%swap3A, %swap3A_89] : memref<400x256xf32, #tpu.memory_space<vmem>>, vector<400x256xf32>
    tpu.vector_store %arg16[%swap3A, %swap3A_89], %add3A_88 {strides = array<i32>} : memref<400x256xf32, #tpu.memory_space<vmem>>, vector<400x256xf32>,
    return
  }
  func.func @transform_0(%arg0: i32) -> (i32, i32) {
    %c0_i32 = arith.constant 0 : i32
    %c0_i32_0 = arith.constant 0 : i32
    return %arg0, %c0_i32 : i32, i32
  }
  func.func @transform_1(%arg0: i32) -> (i32, i32) {
    %c0_i32 = arith.constant 0 : i32
    %c0_i32_0 = arith.constant 0 : i32
    return %arg0, %c0_i32 : i32, i32
  }
  func.func @transform_2(%arg0: i32) -> (i32, i32) {
    %c0_i32 = arith.constant 0 : i32
    %c0_i32_0 = arith.constant 0 : i32
    return %arg0, %c0_i32 : i32, i32
  }
  func.func @transform_3(%arg0: i32) -> (i32, i32) {
    %c0_i32 = arith.constant 0 : i32
    %c0_i32_0 = arith.constant 0 : i32
    return %arg0, %c0_i32 : i32, i32
  }
  func.func @transform_4(%arg0: i32) -> (i32, i32) {
    %c0_i32 = arith.constant 0 : i32
    %c0_i32_0 = arith.constant 0 : i32
    return %arg0, %c0_i32 : i32, i32
  }
  func.func @transform_5(%arg0: i32) -> (i32, i32) {
    %c0_i32 = arith.constant 0 : i32
    %c0_i32_0 = arith.constant 0 : i32
    return %arg0, %c0_i32 : i32, i32
  }
  func.func @transform_6(%arg0: i32) -> (i32, i32) {
    %c0_i32 = arith.constant 0 : i32
    %c0_i32_0 = arith.constant 0 : i32
    return %arg0, %c0_i32 : i32, i32
  }
  func.func @transform_7(%arg0: i32) -> (i32, i32) {
    %c0_i32 = arith.constant 0 : i32
    %c0_i32_0 = arith.constant 0 : i32
    %c0_i32_1 = arith.constant 0 : i32
    return %c0_i32, %c0_i32_0 : i32, i32
  }
  func.func @transform_8(%arg0: i32) -> (i32, i32) {
    %c0_i32 = arith.constant 0 : i32
    %c0_i32_0 = arith.constant 0 : i32
    %c0_i32_1 = arith.constant 0 : i32
    return %c0_i32, %c0_i32_0 : i32, i32
  }
  func.func @transform_9(%arg0: i32) -> (i32, i32) {
    %c0_i32 = arith.constant 0 : i32
    %c0_i32_0 = arith.constant 0 : i32
    %c0_i32_1 = arith.constant 0 : i32
    return %c0_i32, %c0_i32_0 : i32, i32
  }
  func.func @transform_10(%arg0: i32) -> (i32, i32) {
    %c0_i32 = arith.constant 0 : i32
    %c0_i32_0 = arith.constant 0 : i32
    %c0_i32_1 = arith.constant 0 : i32
    return %c0_i32, %c0_i32_0 : i32, i32
  }
  func.func @transform_11(%arg0: i32) -> (i32, i32) {
    %c0_i32 = arith.constant 0 : i32
    %c0_i32_0 = arith.constant 0 : i32
    %c0_i32_1 = arith.constant 0 : i32
    return %c0_i32, %c0_i32_0 : i32, i32
  }
  func.func @transform_12(%arg0: i32) -> (i32, i32) {
    %c0_i32 = arith.constant 0 : i32
    %c0_i32_0 = arith.constant 0 : i32
    %c0_i32_1 = arith.constant 0 : i32
    return %c0_i32, %c0_i32_0 : i32, i32
  }
  func.func @transform_13(%arg0: i32) -> (i32, i32) {
    %c0_i32 = arith.constant 0 : i32
    %c0_i32_0 = arith.constant 0 : i32
    %c0_i32_1 = arith.constant 0 : i32
    return %c0_i32, %c0_i32_0 : i32, i32
  }
  func.func @transform_14(%arg0: i32) -> (i32, i32) {
    %c0_i32 = arith.constant 0 : i32
    %c0_i32_0 = arith.constant 0 : i32
    %c0_i32_1 = arith.constant 0 : i32
    return %c0_i32, %c0_i32_0 : i32, i32
  }
  func.func @transform_15(%arg0: i32) -> (i32, i32) {
    %c0_i32 = arith.constant 0 : i32
    %c0_i32_0 = arith.constant 0 : i32
    return %arg0, %c0_i32 : i32, i32
  }
}

</mosaic_0001>

<sc_bundles>
// kernel: kernel.4.cloned.1.call-start
scs
__scs_entry_jumppad:
0x0: {  	(pc) =	sbr.rel $0x88, $3  }
0x1: {  	(tag) =	ssettag $0x0;
	lr =	simm.s32 $0x1  }
0x2: {  	[smem:$0x3F99] =	sst lr;
	_ =	strace $0xD0000000  }
0x3: {  	_ = 	snop  }
0x4: {  	_ = 	snop  }
0x5: {  	_ = 	snop  }
0x6: {  	_ = 	snop  }
0x7: {  	_ = 	snop  }
__scs_overlays_trampoline_lowered:
0x8: {  	[smem:$0x3FA8] =	sst s0  }
0x9: {  	[smem:$0x3FA9] =	sst s1  }
0xa: {  	[smem:$0x3FAA] =	sst s2  }
0xb: {  	[smem:$0x3FAB] =	sst s3  }
0xc: {  	[smem:$0x3FAC] =	sst s4  }
0xd: {  	[smem:$0x3FAD] =	sst s5  }
0xe: {  	[smem:$0x3FAE] =	sst s6  }
0xf: {  	[smem:$0x3FAF] =	sst s7  }
0x10: {  	[smem:$0x3FB0] =	sst s8  }
0x11: {  	[smem:$0x3FB1] =	sst s9;
	s0 =	simm.s32 @!p0 $0x0  }
0x12: {  	s1 =	sld [smem:$0x3F97];
	s0 =	simm.s32 @p0 $0x1  }
0x13: {  	[smem:$0x3FB2] =	sst s0;
	s0 =	simm.s32 @!p1 $0x0  }
0x14: {  	s2 =	sld [smem:$0x3F96];
	s0 =	simm.s32 @p1 $0x1  }
0x15: {  	[smem:$0x3FB3] =	sst s0;
	s0 =	simm.s32 @!p2 $0x0  }
0x16: {  	s3 =	sld [smem:$0x3FDB];
	s0 =	simm.s32 @p2 $0x1  }
0x17: {  	s4 =	simm.s32 $0x1BF5;
	[smem:$0x3FB5] =	sst s0  }
0x18: {  	s0 =	sld [smem:$0x3F98];
	_ =	swait.ge [sflag:s4], $0x0  }
0x19: {  	s7 =	sld [smem:$0x3F99]  }
0x1a: {  	s8 =	sadd.s32 $0xFFFFE003, lr  }
0x1b: {  	s9 =	sadd.s32 $0xFFFFFEF7, lr;
	s5 =	simm.s32 $0xFFFFFFFF;
	p2 =	slt.u32 s8, $0xFFFFF086  }
0x1c: {  	p1 =	slt.u32 s9, $0xF7A;
	s5 =	simm.s32 @!p2 $0x0  }
0x1d: {  	s5 =	simm.s32 @p1 $0x1;
	p0 =	seq.s32 s7, s2  }
0x1e: {  	s7 =	smul.u32 @!p0 $0xF7A, s2;
	p2 =	seq.s32 @!p0 s5, $0x0  }
0x1f: {  	s9 =	smul.u32 $0xF7A, s1;
	s8 =	simm.s32 @!p0 $0x1BF5;
	p2 =	por !p2, p0  }
0x20: {  	[sflag:s8] =	ssyncset.s32 @!p0 $0xFFFFF086;
	s6 =	sadd.s32 @!p0 s3, s7;
	s7 =	simm.s32 @!p0 $0x108  }
0x21: {  	s3 =	sadd.s32 s3, s9;
	s6 =	sadd.s32 @!p0 $0x88, s6;
	s7 =	simm.s32 @p2 $0x1082  }
0x22: {  	[simem:s7], [sflag:s8] =	dma.local @!p0 [hbm:s6], $0xF7A  }
0x23: {  	s9 =	sor.u32 $0xD0000000, s2;
	s6 =	simm.s32 $0x108;
	_ =	swait.ge @!p0 [sflag:s8], $0x0  }
0x24: {  	s3 =	sadd.s32 $0x88, s3;
	s6 =	simm.s32 @!p1 $0x1082;
	[sflag:s4] =	ssyncset.s32 $0xFFFFF086  }
0x25: {  	[simem:s6], [sflag:s4] =	dma.local [hbm:s3], $0xF7A  }
0x26: {  	[smem:$0x3F99] =	sst s1;
	(tag) =	ssettag s2;
	_ =	strace s9  }
0x27: {  	s1 =	sld [smem:$0x3FA9]  }
0x28: {  	s2 =	sld [smem:$0x3FAA]  }
0x29: {  	s4 =	sld [smem:$0x3FAC]  }
0x2a: {  	p0 =	seq.s32 s5, $0x0;
	s5 =	sld [smem:$0x3FAD]  }
0x2b: {  	s6 =	sld [smem:$0x3FAE]  }
0x2c: {  	s7 =	sld [smem:$0x3FAF]  }
0x2d: {  	s3 =	simm.s32 $0x108;
	s8 =	sld [smem:$0x3FB0]  }
0x2e: {  	s3 =	simm.s32 @!p0 $0x1082;
	s9 =	sld [smem:$0x3FB1]  }
0x2f: {  	lr =	sadd.s32 s0, s3;
	s0 =	sld [smem:$0x3FA8]  }
0x30: {  	s3 =	sld [smem:$0x3FAB]  }
0x31: {  	[smem:$0x3FB4] =	sst s10  }
0x32: {  	s10 =	sld [smem:$0x3FB2];
	_ =	sdelay $0x3  }
0x33: {  	p0 =	seq.s32 s10, $0x1;
	s10 =	sld [smem:$0x3FB4];
	_ =	sdelay $0x3  }
0x34: {  	[smem:$0x3FB4] =	sst s10  }
0x35: {  	s10 =	sld [smem:$0x3FB3];
	_ =	sdelay $0x3  }
0x36: {  	p1 =	seq.s32 s10, $0x1;
	s10 =	sld [smem:$0x3FB4];
	_ =	sdelay $0x3  }
0x37: {  	[smem:$0x3FB4] =	sst s10  }
0x38: {  	s10 =	sld [smem:$0x3FB5]  }
0x39: {  	_ = 	snop;
	(pc) =	sbr.ind lr, $3  }
0x3a: {  	_ = 	snop  }
0x3b: {  	_ = 	snop  }
0x3c: {  	p2 =	seq.s32 s10, $0x1;
	s10 =	sld [smem:$0x3FB4]  }
0x3d: {  	_ =	shalt  }
0x3e: {  	_ =	shalt  }
0x3f: {  	_ =	shalt  }
0x40: {  	_ =	shalt  }
0x41: {  	_ =	shalt  }
0x42: {  	_ =	shalt  }
0x43: {  	_ =	shalt  }
0x44: {  	_ =	shalt  }
0x45: {  	_ =	shalt  }
0x46: {  	_ =	shalt  }
0x47: {  	_ =	shalt  }
0x48: {  	_ =	shalt  }
0x49: {  	_ =	shalt  }
0x4a: {  	_ =	shalt  }
0x4b: {  	_ =	shalt  }
0x4c: {  	_ =	shalt  }
0x4d: {  	_ =	shalt  }
0x4e: {  	_ =	shalt  }
0x4f: {  	_ =	shalt  }
0x50: {  	_ =	shalt  }
0x51: {  	_ =	shalt  }
0x52: {  	_ =	shalt  }
0x53: {  	_ =	shalt  }
0x54: {  	_ =	shalt  }
0x55: {  	_ =	shalt  }
0x56: {  	_ =	shalt  }
0x57: {  	_ =	shalt  }
0x58: {  	_ =	shalt  }
0x59: {  	_ =	shalt  }
0x5a: {  	_ =	shalt  }
0x5b: {  	_ =	shalt  }
0x5c: {  	_ =	shalt  }
0x5d: {  	_ =	shalt  }
0x5e: {  	_ =	shalt  }
0x5f: {  	_ =	shalt  }
0x60: {  	_ =	shalt  }
0x61: {  	_ =	shalt  }
0x62: {  	_ =	shalt  }
0x63: {  	_ =	shalt  }
0x64: {  	_ =	shalt  }
0x65: {  	_ =	shalt  }
0x66: {  	_ =	shalt  }
0x67: {  	_ =	shalt  }
0x68: {  	_ =	shalt  }
0x69: {  	_ =	shalt  }
0x6a: {  	_ =	shalt  }
0x6b: {  	_ =	shalt  }
0x6c: {  	_ =	shalt  }
0x6d: {  	_ =	shalt  }
0x6e: {  	_ =	shalt  }
0x6f: {  	_ =	shalt  }
0x70: {  	_ =	shalt  }
0x71: {  	_ =	shalt  }
0x72: {  	_ =	shalt  }
0x73: {  	_ =	shalt  }
0x74: {  	_ =	shalt  }
0x75: {  	_ =	shalt  }
0x76: {  	_ =	shalt  }
0x77: {  	_ =	shalt  }
0x78: {  	_ =	shalt  }
0x79: {  	_ =	shalt  }
0x7a: {  	_ =	shalt  }
0x7b: {  	_ =	shalt  }
0x7c: {  	_ =	shalt  }
0x7d: {  	_ =	shalt  }
0x7e: {  	_ =	shalt  }
0x7f: {  	_ =	shalt  }
0x80: {  	_ =	shalt  }
0x81: {  	_ =	shalt  }
0x82: {  	_ =	shalt  }
0x83: {  	_ =	shalt  }
0x84: {  	_ =	shalt  }
0x85: {  	_ =	shalt  }
0x86: {  	_ =	shalt  }
0x87: {  	_ =	shalt  }
.Lfunc_end0:
.L_simem_size_0:
called_computation_lowered:
.L_overlay_start_0:
0x88: {  	s2 =	sld [smem:$0x3FD9]  }
0x89: {  	s3 =	sld [smem:$0x3FFE];
	_ =	sdelay $0x1  }
0x8a: {  	s1 =	srdreg.scid  }
0x8b: {  	s0 =	sand.u32 $0x1, s1  }
0x8c: {  	s17 =	sshll.u32 s0, $0xA;
	s2 =	sadd.s32 s3, s2  }
0x8d: {  	s2 =	sadd.s32 s2, s17  }
0x8e: {  	[smem:$0x3FC0] =	sst s2  }
0x8f: {  	_ = 	snop  }
0x90: {  	s2 =	sld [smem:$0x3FD0];
	(tm) =	ssettm $0x1  }
0x91: {  	s18 =	sld [smem:$0x3FFB];
	_ =	sdelay $0x3  }
0x92: {  	_ =	strace s18  }
0x93: {  	s3 =	sld [smem:$0x3FFC];
	_ =	sdelay $0x3  }
0x94: {  	_ =	strace s3  }
0x95: {  	s3 =	sld [smem:$0x3FFD];
	_ =	sdelay $0x3  }
0x96: {  	_ =	strace s3  }
0x97: {  	_ =	strace $0x8FFFFFFF  }
0x98: {  	s19 =	sld [smem:$0x3FDB];
	_ =	sdelay $0x1  }
0x99: {  	s4 =	simm.s32 $_scs_section_size  }
0x9a: {  	s5 =	simm.s32 $_size__tile_overlayer_lowered;
	s6 =	simm.s32 $_tile_overlayer_lowered  }
0x9b: {  	s22 =	simm.s32 $0x1BFF;
	s21 =	sshll.u32 s6, $0x1;
	s3 =	sadd.s32 s4, s19  }
0x9c: {  	s7 =	simm.s32 $0x0;
	s20 =	sshll.u32 s5, $0x1;
	s5 =	sadd.s32 s21, s3  }
0x9d: {  	[timem:s7], [sflag:s22] =	dma.local [hbm:s5], s20  }
0x9e: {  	_ =	swait.ge [sflag:s22], s20  }
0x9f: {  	s4 =	ssub.s32 $0x0, s20;
	[sflag:s22] =	ssyncset.done $0x0  }
0xa0: {  	[sflag:s22] =	ssyncadd.s32 s4;
	_ =	sdelay $0x1  }
0xa1: {  	s23 =	simm.s32 $0x1B8B  }
0xa2: {  	_ =	swait.ge [sflag:s23], $0x1  }
0xa3: {  	[sflag:s23] =	ssyncset.done $0x0  }
0xa4: {  	s25 =	simm.s32 $0x1B8E;
	s24 =	sld [smem:$0x3FFE];
	[sflag:s23] =	ssyncadd.s32 $0xFFFFFFFF  }
0xa5: {  	s26 =	simm.s32 $execute0_lowered;
	[smem:$0x3FD2] =	sst s25  }
0xa6: {  	s5 =	sshll.u32 s26, $0x1;
	_ =	strace $0x80000046;
	[dreg:$0x1] =	wrdreg $0xFFFFFFFF  }
0xa7: {  	s28 =	simm.s32 $_size_execute0_lowered;
	s3 =	sadd.s32 s3, s5;
	[dreg:$0x0] =	wrdreg $0x0  }
0xa8: {  	s5 =	sshll.u32 s28, $0x1;
	[dreg:$0x2] =	wrdreg s3  }
0xa9: {  	[dreg:$0x3] =	wrdreg s5  }
0xaa: {  	[dreg:$0x4] =	wrdreg $0xC0  }
0xab: {  	_ =	task [dreg:s7], $0x5FFFF  }
0xac: {  	[dreg:$0x1] =	wrdreg $0xFFFFFFFF  }
0xad: {  	[dreg:$0x0] =	wrdreg $0x60  }
0xae: {  	[dreg:$0x2] =	wrdreg s2  }
0xaf: {  	[dreg:$0x3] =	wrdreg s24  }
0xb0: {  	[dreg:$0x4] =	wrdreg $0x0  }
0xb1: {  	[dreg:$0x5] =	wrdreg $0x9  }
0xb2: {  	_ =	task.clear_ibuf [dreg:s7], $0x6FFFF;
	_ =	strace $0x90000046  }
0xb3: {  	s29 =	simm.s32 $0x9;
	_ =	strace $0x80000048  }
0xb4: {  	_ =	swait.ge [sflag:s29], $0x1  }
0xb5: {  	[sflag:s29] =	ssyncadd.s32 $0xFFFFFFFF  }
0xb6: {  	_ =	strace $0x90000048  }
0xb7: {  	_ =	sfence  }
0xb8: {  	s30 =	sld [smem:$0x0];
	_ =	sdelay $0x2  }
0xb9: {  	s31 =	sshll.u32 s1, $0xD;
	s1 =	sshrl.u32 s1, $0x2  }
0xba: {  	s3 =	sand.u32 $0x4000, s31;
	s1 =	sadd.s32 s1, s30  }
0xbb: {  	s0 =	sor.u32 s3, s0;
	s1 =	sshll.u32 s1, $0x11  }
0xbc: {  	s0 =	sor.u32 s1, s0  }
0xbd: {  	s0 =	sadd.s32 $0x8F2B, s0  }
0xbe: {  	[sflag:s0] =	ssyncadd.remote.s32 $0x1  }
0xbf: {  	_ =	sfence.sel $0xFFFF  }
0xc0: {  	[dreg:$0x0] =	wrdreg $0xFFFFFFFF;
	(pc) =	sbr.abs _section_cstart, $3  }
0xc1: {  	[dreg:$0x1] =	wrdreg $0xFFFFFFFF  }
0xc2: {  	_ =	task.clear_ibuf [dreg:s7], $0x2FFFF;
	_ =	strace $0x9FFFFFFF  }
0xc3: {  	(tm) =	ssettm $0x7FFFFFFF  }
tec
execute0_lowered:
.L_overlay_start_1:
0x0: {  	(tag) =	ssettag $0x1  }
0x1: {  	s0 =	srdreg.scid;
	s14 =	stileid.u32  }
0x2: {  	s1 =	sand.u32 $0x1, s0;
	s2 =	smul.u32 $0x280, s14  }
0x3: {  	s29 =	simm.s32 $0x0;
	s0 =	rddreg [dreg:$0x1];
	s3 =	smul.u32 $0x2800, s1  }
0x4: {  	s6 =	smul.u32 $0x2710, s14;
	[smem:$0x7FF] =	sst s29;
	s4 =	sadd.s32 $0xCAE00, s0  }
0x5: {  	s5 =	ssub.s32 $0x2, s1;
	s8 =	smul.u32 $0x27100, s1;
	s2 =	sadd.s32 s2, s3  }
0x6: {  	s7 =	sshrl.u32 s5, $0x1;
	s3 =	sadd.s32 $0x7AE00, s0;
	s2 =	sshll.u32 s2, $0x4  }
0x7: {  	s1 =	ssub.s32 s5, s7;
	s5 =	sadd.s32 s6, s8;
	s15 =	sadd.s32 s4, s2  }
0x8: {  	s7 =	sor.u32 $0x500, s2;
	s20 =	sadd.s32 s3, s2;
	[dreg:$0x4] =	wrdreg s15  }
0x9: {  	s8 =	sadd.s32 $0xA00, s2;
	s16 =	sadd.s32 s4, s7;
	[dreg:$0xc] =	wrdreg s20  }
0xa: {  	s9 =	sadd.s32 $0xF00, s2;
	s11 =	sadd.s32 s4, s8;
	[dreg:$0x5] =	wrdreg s16  }
0xb: {  	s10 =	sadd.s32 $0x1400, s2;
	s17 =	sadd.s32 s4, s9;
	[dreg:$0x6] =	wrdreg s11  }
0xc: {  	s12 =	sadd.s32 $0x1E00, s2;
	s18 =	sadd.s32 s4, s10;
	[dreg:$0x7] =	wrdreg s17  }
0xd: {  	s19 =	sadd.s32 s4, s12;
	[dreg:$0x8] =	wrdreg s18  }
0xe: {  	s21 =	sadd.s32 s3, s7;
	[dreg:$0xa] =	wrdreg s19  }
0xf: {  	s22 =	sadd.s32 s3, s8;
	[dreg:$0xd] =	wrdreg s21  }
0x10: {  	s31 =	simm.s32 $0x5;
	s23 =	sadd.s32 s3, s9;
	[dreg:$0xe] =	wrdreg s22  }
0x11: {  	s6 =	sshrl.u32 s6, $0x3;
	s24 =	sadd.s32 s3, s10;
	[dreg:$0xf] =	wrdreg s23  }
0x12: {  	s26 =	sadd.s32 s3, s12;
	s11 =	sadd.s32 $0x1900, s2;
	[dreg:$0x10] =	wrdreg s24  }
0x13: {  	s13 =	sadd.s32 $0x2300, s2;
	[dreg:$0x12] =	wrdreg s26;
	s15 =	sadd.s32 s4, s11  }
0x14: {  	s6 =	sadd.s32 $0x4D8, s6;
	s4 =	sadd.s32 s4, s13;
	[dreg:$0x9] =	wrdreg s15  }
0x15: {  	s22 =	sadd.s32 $0x2800, s0;
	s25 =	sadd.s32 s3, s11;
	[dreg:$0xb] =	wrdreg s4  }
0x16: {  	s23 =	smul.u32 $0x4E2, s14;
	s3 =	sadd.s32 s3, s13;
	[dreg:$0x11] =	wrdreg s25  }
0x17: {  	s24 =	sadd.s32 $0x7800, s0;
	[dreg:$0x13] =	wrdreg s3;
	s25 =	sadd.s32 s22, s6  }
0x18: {  	s26 =	sshrl.u32 s5, $0x3;
	s6 =	sadd.s32 s24, s6;
	[dreg:$0x1c] =	wrdreg s25  }
0x19: {  	s15 =	sadd.s32 $0x2AE00, s0;
	s28 =	sadd.s32 s23, s22;
	[dreg:$0x1d] =	wrdreg s6  }
0x1a: {  	s2 =	sadd.s32 s15, s2;
	s16 =	sadd.s32 s15, s7;
	s7 =	rddreg [dreg:$0x2]  }
0x1b: {  	s30 =	sadd.s32 s23, s24;
	s24 =	smax.u32 s1, $0x1;
	[dreg:$0x14] =	wrdreg s2  }
0x1c: {  	s1 =	simm.s32 $0x14200;
	s17 =	sadd.s32 s15, s8;
	[dreg:$0x15] =	wrdreg s16  }
0x1d: {  	s18 =	sadd.s32 s15, s9;
	s19 =	sadd.s32 s15, s10;
	[dreg:$0x16] =	wrdreg s17  }
0x1e: {  	s20 =	sadd.s32 s15, s11;
	s21 =	sadd.s32 s15, s12;
	[dreg:$0x17] =	wrdreg s18  }
0x1f: {  	s3 =	sadd.s32 s15, s13;
	s8 =	sadd.s32 $0x50, s5;
	[dreg:$0x18] =	wrdreg s19  }
0x20: {  	s10 =	sadd.s32 $0x16600, s0;
	s11 =	sadd.s32 $0x4D8, s26;
	[dreg:$0x19] =	wrdreg s20  }
0x21: {  	s12 =	sadd.s32 $0x20400, s0;
	s13 =	sadd.s32 $0xC800, s0;
	[dreg:$0x1a] =	wrdreg s21  }
0x22: {  	[dreg:$0x1b] =	wrdreg s3;
	s15 =	sadd.s32 s10, s11;
	s16 =	sadd.s32 s12, s11  }
0x23: {  	s4 =	sadd.s32 s13, s11;
	s17 =	sshrl.u32 s8, $0x3;
	[dreg:$0x1e] =	wrdreg s15  }
0x24: {  	s2 =	sadd.s32 s26, s10;
	s5 =	sadd.s32 s26, s12;
	[dreg:$0x1f] =	wrdreg s16  }
0x25: {  	s18 =	smul.u32 $0x50000, s14;
	s19 =	sadd.s32 $0x2A800, s0;
	[smem:$0x7F0] =	sst s4  }
0x26: {  	s0 =	sadd.s32 $0x2A200, s0;
	s21 =	sshll.u32 s14, $0x6;
	s4 =	rddreg [dreg:$0x0]  }
0x27: {  	s23 =	sor.u32 $0x1C03, s21;
	_ =	strace $0x80000047;
	[smem:$0x7F1] =	sst s0  }
0x28: {  	s9 =	sadd.s32 s26, s13;
	s11 =	simm.s32 $0x16A00;
	[smem:$0x7F2] =	sst s23  }
0x29: {  	s14 =	simm.s32 $0x1;
	s3 =	sadd.s32 s17, s10;
	[smem:$0x7F3] =	sst s24  }
0x2a: {  	s20 =	sshrl.u32 s18, $0x2;
	s18 =	simm.s32 $0x0;
	[smem:$0x7FA] =	sst s19  }
0x2b: {  	s6 =	sadd.s32 s17, s12;
	s22 =	sadd.s32 s20, s7;
	[smem:$0x7F7] =	sst s18  }
0x2c: {  	s8 =	sadd.s32 s17, s13;
	s25 =	sadd.s32 $0x2800, s22;
	[smem:$0x7F6] =	sst s22  }
0x2d: {  	s15 =	simm.s32 $0x2;
	s26 =	sadd.s32 $0x5000, s22;
	[smem:$0x7F4] =	sst s25  }
0x2e: {  	s16 =	simm.s32 $0x4;
	s13 =	sadd.s32 $0x7800, s22;
	[smem:$0x7F5] =	sst s26  }
0x2f: {  	s23 =	simm.s32 $0x14000;
	s12 =	sadd.s32 $0xA000, s22;
	[smem:$0x7F8] =	sst s13  }
0x30: {  	s24 =	simm.s32 $0x14080;
	s21 =	sadd.s32 $0xC800, s22;
	[smem:$0x7F9] =	sst s12  }
0x31: {  	s0 =	simm.s32 $0x50;
	s20 =	sadd.s32 $0xF000, s22;
	[smem:$0x7FB] =	sst s21  }
0x32: {  	s10 =	sadd.s32 $0x11800, s22;
	s22 =	simm.s32 $0x3;
	[smem:$0x7FC] =	sst s20  }
0x33: {  	s25 =	simm.s32 $0x14100;
	s26 =	simm.s32 $0x14180;
	[smem:$0x7FD] =	sst s10  }
.LBB2_1:
0x34: {  	s18 =	sld [smem:$0x7F6];
	_ =	sdelay $0x2  }
0x35: {  	s17 =	smov.u32 s20;
	s20 =	sshrl.u32 s18, $0x3;
	s18 =	sld [smem:$0x7F2]  }
0x36: {  	_ = 	snop  }
0x37: {  	[smem:$0x7E8] =	sst s20  }
0x38: {  	[spmem:s20], [sflag:s18] =	dma.local [hbm:s19], $0x500  }
0x39: {  	s20 =	sld [smem:$0x7F4];
	_ =	sdelay $0x2  }
0x3a: {  	s20 =	sshrl.u32 s20, $0x3  }
0x3b: {  	[smem:$0x7E9] =	sst s20  }
0x3c: {  	[spmem:s20], [sflag:s18] =	dma.local [hbm:s19], $0x500  }
0x3d: {  	s20 =	sld [smem:$0x7F5];
	_ =	sdelay $0x2  }
0x3e: {  	s20 =	sshrl.u32 s20, $0x3  }
0x3f: {  	s13 =	sshrl.u32 s13, $0x3;
	[smem:$0x7EA] =	sst s20  }
0x40: {  	[spmem:s20], [sflag:s18] =	dma.local [hbm:s19], $0x500  }
0x41: {  	s12 =	sshrl.u32 s12, $0x3;
	[smem:$0x7EB] =	sst s13  }
0x42: {  	[spmem:s13], [sflag:s18] =	dma.local [hbm:s19], $0x500  }
0x43: {  	s20 =	sshrl.u32 s21, $0x3;
	[smem:$0x7EC] =	sst s12  }
0x44: {  	[spmem:s12], [sflag:s18] =	dma.local [hbm:s19], $0x500  }
0x45: {  	s21 =	sshrl.u32 s17, $0x3;
	[smem:$0x7ED] =	sst s20  }
0x46: {  	[spmem:s20], [sflag:s18] =	dma.local [hbm:s19], $0x500  }
0x47: {  	s10 =	sshrl.u32 s10, $0x3;
	[smem:$0x7EE] =	sst s21  }
0x48: {  	[spmem:s21], [sflag:s18] =	dma.local [hbm:s19], $0x500  }
0x49: {  	[smem:$0x7EF] =	sst s10  }
0x4a: {  	[spmem:s10], [sflag:s18] =	dma.local [hbm:s19], $0x500  }
0x4b: {  	_ =	swait.ge [sflag:s22], $0x500  }
0x4c: {  	[sflag:s22] =	ssyncset.done $0x0  }
0x4d: {  	[sflag:s22] =	ssyncadd.s32 $0xFFFFFB00  }
0x4e: {  	_ =	swait.ge [sflag:s22], $0x500  }
0x4f: {  	[sflag:s22] =	ssyncset.done $0x0  }
0x50: {  	[sflag:s22] =	ssyncadd.s32 $0xFFFFFB00  }
0x51: {  	_ =	swait.ge [sflag:s22], $0x500  }
0x52: {  	[sflag:s22] =	ssyncset.done $0x0  }
0x53: {  	[sflag:s22] =	ssyncadd.s32 $0xFFFFFB00  }
0x54: {  	_ =	swait.ge [sflag:s22], $0x500  }
0x55: {  	[sflag:s22] =	ssyncset.done $0x0  }
0x56: {  	[sflag:s22] =	ssyncadd.s32 $0xFFFFFB00  }
0x57: {  	_ =	swait.ge [sflag:s22], $0x500  }
0x58: {  	[sflag:s22] =	ssyncset.done $0x0  }
0x59: {  	[sflag:s22] =	ssyncadd.s32 $0xFFFFFB00  }
0x5a: {  	_ =	swait.ge [sflag:s22], $0x500  }
0x5b: {  	[sflag:s22] =	ssyncset.done $0x0  }
0x5c: {  	[sflag:s22] =	ssyncadd.s32 $0xFFFFFB00  }
0x5d: {  	_ =	swait.ge [sflag:s22], $0x500  }
0x5e: {  	[sflag:s22] =	ssyncset.done $0x0  }
0x5f: {  	[sflag:s22] =	ssyncadd.s32 $0xFFFFFB00  }
0x60: {  	_ =	swait.ge [sflag:s22], $0x500  }
0x61: {  	[sflag:s22] =	ssyncset.done $0x0  }
0x62: {  	[sflag:s22] =	ssyncadd.s32 $0xFFFFFB00  }
0x63: {  	s13 =	sadd.s32 $0x0, s2;
	[bflag:$0x0] =	sbarrier.arrive $0xFFFF  }
0x64: {  	[tilespmem:s23], [sflag:$0x5] =	stream.linear.gather [hbm4b:s13+s29], $0x50, $0x38;
	[tilespmem:$0x19200] =	vst v63  }
0x65: {  	s18 =	sadd.s32 $0x0, s28  }
0x66: {  	[tilespmem:s24], [sflag:$0x5] =	stream.linear.gather [hbm4b:s18+s29], $0x50, $0x38;
	[tilespmem:$0x19200] =	vst v63  }
0x67: {  	s21 =	sadd.s32 $0x0, s3  }
0x68: {  	[tilespmem:s25], [sflag:$0x5] =	stream.linear.gather [hbm4b:s21+s29], $0x50, $0x38;
	[tilespmem:$0x19200] =	vst v63  }
0x69: {  	s19 =	sadd.s32 $0xA, s18  }
0x6a: {  	[tilespmem:s26], [sflag:$0x5] =	stream.linear.gather [hbm4b:s19+s29], $0x50, $0x38;
	[tilespmem:$0x19200] =	vst v63  }
0x6b: {  	_ =	swait.ge [sflag:s31], $0x50  }
0x6c: {  	[sflag:s31] =	ssyncset.done $0x0  }
0x6d: {  	[sflag:s31] =	ssyncadd.s32 $0xFFFFFFB0  }
0x6e: {  	_ =	swait.ge [sflag:s31], $0x50  }
0x6f: {  	[sflag:s31] =	ssyncset.done $0x0  }
0x70: {  	[sflag:s31] =	ssyncadd.s32 $0xFFFFFFB0  }
0x71: {  	[tilespmem:s1], [sflag:$0x1] =	stream.indirect.gather [hbm4b:s4+s0], $0x80, s23, s0, $0xb8;
	[tilespmem:$0x19200] =	vst v63  }
0x72: {  	_ =	swait.ge [sflag:s31], $0x50  }
0x73: {  	[sflag:s31] =	ssyncset.done $0x0  }
0x74: {  	[sflag:s31] =	ssyncadd.s32 $0xFFFFFFB0  }
0x75: {  	_ =	swait.ge [sflag:s31], $0x50  }
0x76: {  	[sflag:s31] =	ssyncset.done $0x0  }
0x77: {  	[sflag:s31] =	ssyncadd.s32 $0xFFFFFFB0  }
0x78: {  	[tilespmem:s11], [sflag:$0x2] =	stream.indirect.gather [hbm4b:s4+s0], $0x80, s25, s0, $0xb8;
	[tilespmem:$0x19200] =	vst v63  }
0x79: {  	_ =	swait.ge [sflag:s14], $0x2800  }
0x7a: {  	[sflag:s14] =	ssyncset.done $0x0  }
0x7b: {  	[sflag:s14] =	ssyncadd.s32 $0xFFFFD800  }
0x7c: {  	[spmem:s7] =	stream.indirect.scatter.add.f32 [tilespmem:s1], [sflag:$0x3], $0x80, s24, s0, $0xb8;
	[tilespmem:$0x19200] =	vst v63  }
0x7d: {  	_ =	swait.ge [sflag:s15], $0x2800  }
0x7e: {  	[sflag:s15] =	ssyncset.done $0x0  }
0x7f: {  	[sflag:s15] =	ssyncadd.s32 $0xFFFFD800  }
0x80: {  	[spmem:s7] =	stream.indirect.scatter.add.f32 [tilespmem:s11], [sflag:$0x4], $0x80, s26, s0, $0xb8;
	[tilespmem:$0x19200] =	vst v63  }
0x81: {  	_ =	swait.ge [sflag:s22], $0x2800  }
0x82: {  	[sflag:s22] =	ssyncset.done $0x0  }
0x83: {  	[sflag:s22] =	ssyncadd.s32 $0xFFFFD800  }
0x84: {  	s20 =	simm.s32 $0x28;
	_ =	swait.ge [sflag:s16], $0x2800  }
0x85: {  	s13 =	smov.u32 s17;
	s19 =	simm.s32 $0x14;
	[sflag:s16] =	ssyncset.done $0x0  }
.LBB2_2:
0x86: {  	s12 =	sadd.s32 s19, s2  }
0x87: {  	[sflag:s16] =	ssyncadd.s32 $0xFFFFD800;
	s18 =	smov.u32 s20;
	s21 =	sadd.s32 $0x14, s20  }
0x88: {  	[tilespmem:s23], [sflag:$0x5] =	stream.linear.gather [hbm4b:s12+s29], $0x50, $0x38;
	[tilespmem:$0x19200] =	vst v63  }
0x89: {  	p0 =	sne.s32 s20, $0x4C4;
	s12 =	sadd.s32 s19, s28  }
0x8a: {  	[tilespmem:s24], [sflag:$0x5] =	stream.linear.gather [hbm4b:s12+s29], $0x50, $0x38;
	[tilespmem:$0x19200] =	vst v63  }
0x8b: {  	s20 =	sadd.s32 s19, s3;
	s19 =	smov.u32 s18  }
0x8c: {  	[tilespmem:s25], [sflag:$0x5] =	stream.linear.gather [hbm4b:s20+s29], $0x50, $0x38;
	[tilespmem:$0x19200] =	vst v63  }
0x8d: {  	s12 =	sadd.s32 $0xA, s12  }
0x8e: {  	[tilespmem:s26], [sflag:$0x5] =	stream.linear.gather [hbm4b:s12+s29], $0x50, $0x38;
	[tilespmem:$0x19200] =	vst v63  }
0x8f: {  	_ =	swait.ge [sflag:s31], $0x50  }
0x90: {  	[sflag:s31] =	ssyncset.done $0x0  }
0x91: {  	[sflag:s31] =	ssyncadd.s32 $0xFFFFFFB0  }
0x92: {  	_ =	swait.ge [sflag:s31], $0x50  }
0x93: {  	[sflag:s31] =	ssyncset.done $0x0  }
0x94: {  	[sflag:s31] =	ssyncadd.s32 $0xFFFFFFB0  }
0x95: {  	[tilespmem:s1], [sflag:$0x1] =	stream.indirect.gather [hbm4b:s4+s0], $0x80, s23, s0, $0xb8;
	[tilespmem:$0x19200] =	vst v63  }
0x96: {  	_ =	swait.ge [sflag:s31], $0x50  }
0x97: {  	[sflag:s31] =	ssyncset.done $0x0  }
0x98: {  	[sflag:s31] =	ssyncadd.s32 $0xFFFFFFB0  }
0x99: {  	_ =	swait.ge [sflag:s31], $0x50  }
0x9a: {  	[sflag:s31] =	ssyncset.done $0x0  }
0x9b: {  	[sflag:s31] =	ssyncadd.s32 $0xFFFFFFB0  }
0x9c: {  	[tilespmem:s11], [sflag:$0x2] =	stream.indirect.gather [hbm4b:s4+s0], $0x80, s25, s0, $0xb8;
	[tilespmem:$0x19200] =	vst v63  }
0x9d: {  	_ =	swait.ge [sflag:s14], $0x2800  }
0x9e: {  	[sflag:s14] =	ssyncset.done $0x0  }
0x9f: {  	[sflag:s14] =	ssyncadd.s32 $0xFFFFD800  }
0xa0: {  	[spmem:s7] =	stream.indirect.scatter.add.f32 [tilespmem:s1], [sflag:$0x3], $0x80, s24, s0, $0xb8;
	[tilespmem:$0x19200] =	vst v63  }
0xa1: {  	_ =	swait.ge [sflag:s15], $0x2800  }
0xa2: {  	[sflag:s15] =	ssyncset.done $0x0  }
0xa3: {  	[sflag:s15] =	ssyncadd.s32 $0xFFFFD800  }
0xa4: {  	[spmem:s7] =	stream.indirect.scatter.add.f32 [tilespmem:s11], [sflag:$0x4], $0x80, s26, s0, $0xb8;
	[tilespmem:$0x19200] =	vst v63  }
.Ltmp0:
0xa5: {  	_ =	swait.ge [sflag:s22], $0x2800;
	(pc) =	sbr.rel @p0 .LBB2_2-.Ltmp0, $4  }
0xa6: {  	[sflag:s22] =	ssyncset.done $0x0  }
0xa7: {  	[sflag:s22] =	ssyncadd.s32 $0xFFFFD800  }
0xa8: {  	_ =	swait.ge [sflag:s16], $0x2800  }
0xa9: {  	s20 =	smov.u32 s21;
	[sflag:s16] =	ssyncset.done $0x0  }
0xaa: {  	s12 =	sadd.s32 s19, s2;
	[sflag:s16] =	ssyncadd.s32 $0xFFFFD800  }
0xab: {  	[tilespmem:s23], [sflag:$0x5] =	stream.linear.gather [hbm4b:s12+s29], $0x50, $0x38;
	[tilespmem:$0x19200] =	vst v63  }
0xac: {  	s17 =	sadd.s32 s19, s28  }
0xad: {  	[tilespmem:s24], [sflag:$0x5] =	stream.linear.gather [hbm4b:s17+s29], $0x50, $0x38;
	[tilespmem:$0x19200] =	vst v63  }
0xae: {  	s18 =	sadd.s32 s19, s3  }
0xaf: {  	[tilespmem:s25], [sflag:$0x5] =	stream.linear.gather [hbm4b:s18+s29], $0x50, $0x38;
	[tilespmem:$0x19200] =	vst v63  }
0xb0: {  	s12 =	sadd.s32 $0xA, s17  }
0xb1: {  	[tilespmem:s26], [sflag:$0x5] =	stream.linear.gather [hbm4b:s12+s29], $0x50, $0x38;
	[tilespmem:$0x19200] =	vst v63  }
0xb2: {  	_ =	swait.ge [sflag:s31], $0x50  }
0xb3: {  	[sflag:s31] =	ssyncset.done $0x0  }
0xb4: {  	[sflag:s31] =	ssyncadd.s32 $0xFFFFFFB0  }
0xb5: {  	_ =	swait.ge [sflag:s31], $0x50  }
0xb6: {  	[sflag:s31] =	ssyncset.done $0x0  }
0xb7: {  	[sflag:s31] =	ssyncadd.s32 $0xFFFFFFB0  }
0xb8: {  	[tilespmem:s1], [sflag:$0x1] =	stream.indirect.gather [hbm4b:s4+s0], $0x80, s23, s0, $0xb8;
	[tilespmem:$0x19200] =	vst v63  }
0xb9: {  	_ =	swait.ge [sflag:s31], $0x50  }
0xba: {  	[sflag:s31] =	ssyncset.done $0x0  }
0xbb: {  	[sflag:s31] =	ssyncadd.s32 $0xFFFFFFB0  }
0xbc: {  	_ =	swait.ge [sflag:s31], $0x50  }
0xbd: {  	[sflag:s31] =	ssyncset.done $0x0  }
0xbe: {  	[sflag:s31] =	ssyncadd.s32 $0xFFFFFFB0  }
0xbf: {  	[tilespmem:s11], [sflag:$0x2] =	stream.indirect.gather [hbm4b:s4+s0], $0x80, s25, s0, $0xb8;
	[tilespmem:$0x19200] =	vst v63  }
0xc0: {  	_ =	swait.ge [sflag:s14], $0x2800  }
0xc1: {  	[sflag:s14] =	ssyncset.done $0x0  }
0xc2: {  	[sflag:s14] =	ssyncadd.s32 $0xFFFFD800  }
0xc3: {  	[spmem:s7] =	stream.indirect.scatter.add.f32 [tilespmem:s1], [sflag:$0x3], $0x80, s24, s0, $0xb8;
	[tilespmem:$0x19200] =	vst v63  }
0xc4: {  	_ =	swait.ge [sflag:s15], $0x2800  }
0xc5: {  	[sflag:s15] =	ssyncset.done $0x0  }
0xc6: {  	[sflag:s15] =	ssyncadd.s32 $0xFFFFD800  }
0xc7: {  	[spmem:s7] =	stream.indirect.scatter.add.f32 [tilespmem:s11], [sflag:$0x4], $0x80, s26, s0, $0xb8;
	[tilespmem:$0x19200] =	vst v63  }
0xc8: {  	_ =	swait.ge [sflag:s22], $0x2800  }
0xc9: {  	[sflag:s22] =	ssyncset.done $0x0  }
0xca: {  	[sflag:s22] =	ssyncadd.s32 $0xFFFFD800  }
0xcb: {  	_ =	swait.ge [sflag:s16], $0x2800  }
0xcc: {  	s19 =	simm.s32 $0x0;
	[sflag:s16] =	ssyncset.done $0x0  }
0xcd: {  	s17 =	simm.s32 $0x6;
	s20 =	rddreg [dreg:$0x1e];
	[sflag:s16] =	ssyncadd.s32 $0xFFFFD800  }
0xce: {  	[tilespmem:s23], [sflag:$0x6] =	stream.linear.gather [hbm4b:s20+s19], $0x50, $0x38;
	[tilespmem:$0x19200] =	vst v63  }
0xcf: {  	_ =	swait.ge [sflag:s17], $0x50  }
0xd0: {  	[sflag:s17] =	ssyncset.done $0x0  }
0xd1: {  	s21 =	rddreg [dreg:$0x1c];
	[sflag:s17] =	ssyncadd.s32 $0xFFFFFFB0  }
0xd2: {  	[tilespmem:s24], [sflag:$0x6] =	stream.linear.gather [hbm4b:s21+s19], $0x50, $0x38;
	[tilespmem:$0x19200] =	vst v63  }
0xd3: {  	_ =	swait.ge [sflag:s17], $0x50  }
0xd4: {  	[sflag:s17] =	ssyncset.done $0x0  }
0xd5: {  	[sflag:s17] =	ssyncadd.s32 $0xFFFFFFB0  }
0xd6: {  	[tilespmem:s1], [sflag:$0x1] =	stream.indirect.gather [hbm4b:s4+s0], $0x80, s23, s0, $0xb8;
	[tilespmem:$0x19200] =	vst v63  }
0xd7: {  	_ =	swait.ge [sflag:s14], $0x2800  }
0xd8: {  	[sflag:s14] =	ssyncset.done $0x0  }
0xd9: {  	[sflag:s14] =	ssyncadd.s32 $0xFFFFD800  }
0xda: {  	[spmem:s7] =	stream.indirect.scatter.add.f32 [tilespmem:s1], [sflag:$0x6], $0x80, s24, s0, $0xb8;
	[tilespmem:$0x19200] =	vst v63  }
0xdb: {  	_ =	swait.ge [sflag:s17], $0x2800  }
0xdc: {  	[sflag:s17] =	ssyncset.done $0x0  }
0xdd: {  	[sflag:s17] =	ssyncadd.s32 $0xFFFFD800  }
0xde: {  	[bflag:$0x0] =	sbarrier.arrive $0xFFFF  }
0xdf: {  	s10 =	sld [smem:$0x7F6];
	_ =	sdelay $0x2  }
0xe0: {  	[tilespmem:s1], [sflag:$0x6] =	stream.linear.gather [spmem:s10], $0x2800, $0x38;
	[tilespmem:$0x19200] =	vst v63  }
0xe1: {  	_ =	swait.ge [sflag:s17], $0x2800  }
0xe2: {  	[sflag:s17] =	ssyncset.done $0x0;
	s18 =	rddreg [dreg:$0x4]  }
0xe3: {  	s20 =	sld [smem:$0x7F4];
	[sflag:s17] =	ssyncadd.s32 $0xFFFFD800  }
0xe4: {  	[hbm4b:s18+s19] =	stream.linear.scatter [tilespmem:s1], [sflag:$0x4], $0x2800, $0x38;
	[tilespmem:$0x19200] =	vst v63  }
0xe5: {  	_ = 	snop  }
0xe6: {  	[tilespmem:s11], [sflag:$0x6] =	stream.linear.gather [spmem:s20], $0x2800, $0x38;
	[tilespmem:$0x19200] =	vst v63  }
0xe7: {  	_ =	swait.ge [sflag:s17], $0x2800  }
0xe8: {  	[sflag:s17] =	ssyncset.done $0x0  }
0xe9: {  	s21 =	rddreg [dreg:$0x5];
	[sflag:s17] =	ssyncadd.s32 $0xFFFFD800  }
0xea: {  	[hbm4b:s21+s19] =	stream.linear.scatter [tilespmem:s11], [sflag:$0x4], $0x2800, $0x38;
	[tilespmem:$0x19200] =	vst v63  }
0xeb: {  	_ =	swait.ge [sflag:s16], $0x2800  }
0xec: {  	s10 =	sld [smem:$0x7F5]  }
0xed: {  	[sflag:s16] =	ssyncset.done $0x0  }
0xee: {  	[sflag:s16] =	ssyncadd.s32 $0xFFFFD800  }
0xef: {  	[tilespmem:s1], [sflag:$0x6] =	stream.linear.gather [spmem:s10], $0x2800, $0x38;
	[tilespmem:$0x19200] =	vst v63  }
0xf0: {  	_ =	swait.ge [sflag:s17], $0x2800  }
0xf1: {  	[sflag:s17] =	ssyncset.done $0x0  }
0xf2: {  	s18 =	rddreg [dreg:$0x6];
	[sflag:s17] =	ssyncadd.s32 $0xFFFFD800  }
0xf3: {  	[hbm4b:s18+s19] =	stream.linear.scatter [tilespmem:s1], [sflag:$0x4], $0x2800, $0x38;
	[tilespmem:$0x19200] =	vst v63  }
0xf4: {  	_ =	swait.ge [sflag:s16], $0x2800  }
0xf5: {  	s20 =	sld [smem:$0x7F8]  }
0xf6: {  	[sflag:s16] =	ssyncset.done $0x0  }
0xf7: {  	[sflag:s16] =	ssyncadd.s32 $0xFFFFD800  }
0xf8: {  	[tilespmem:s11], [sflag:$0x6] =	stream.linear.gather [spmem:s20], $0x2800, $0x38;
	[tilespmem:$0x19200] =	vst v63  }
0xf9: {  	_ =	swait.ge [sflag:s17], $0x2800  }
0xfa: {  	[sflag:s17] =	ssyncset.done $0x0  }
0xfb: {  	s21 =	rddreg [dreg:$0x7];
	[sflag:s17] =	ssyncadd.s32 $0xFFFFD800  }
0xfc: {  	[hbm4b:s21+s19] =	stream.linear.scatter [tilespmem:s11], [sflag:$0x4], $0x2800, $0x38;
	[tilespmem:$0x19200] =	vst v63  }
0xfd: {  	_ =	swait.ge [sflag:s16], $0x2800  }
0xfe: {  	s10 =	sld [smem:$0x7F9]  }
0xff: {  	[sflag:s16] =	ssyncset.done $0x0  }
0x100: {  	[sflag:s16] =	ssyncadd.s32 $0xFFFFD800  }
0x101: {  	[tilespmem:s1], [sflag:$0x6] =	stream.linear.gather [spmem:s10], $0x2800, $0x38;
	[tilespmem:$0x19200] =	vst v63  }
0x102: {  	_ =	swait.ge [sflag:s17], $0x2800  }
0x103: {  	[sflag:s17] =	ssyncset.done $0x0  }
0x104: {  	s18 =	rddreg [dreg:$0x8];
	[sflag:s17] =	ssyncadd.s32 $0xFFFFD800  }
0x105: {  	[hbm4b:s18+s19] =	stream.linear.scatter [tilespmem:s1], [sflag:$0x4], $0x2800, $0x38;
	[tilespmem:$0x19200] =	vst v63  }
0x106: {  	_ =	swait.ge [sflag:s16], $0x2800  }
0x107: {  	s20 =	sld [smem:$0x7FB]  }
0x108: {  	[sflag:s16] =	ssyncset.done $0x0  }
0x109: {  	[sflag:s16] =	ssyncadd.s32 $0xFFFFD800  }
0x10a: {  	[tilespmem:s11], [sflag:$0x6] =	stream.linear.gather [spmem:s20], $0x2800, $0x38;
	[tilespmem:$0x19200] =	vst v63  }
0x10b: {  	_ =	swait.ge [sflag:s17], $0x2800  }
0x10c: {  	[sflag:s17] =	ssyncset.done $0x0  }
0x10d: {  	s21 =	rddreg [dreg:$0x9];
	[sflag:s17] =	ssyncadd.s32 $0xFFFFD800  }
0x10e: {  	[hbm4b:s21+s19] =	stream.linear.scatter [tilespmem:s11], [sflag:$0x4], $0x2800, $0x38;
	[tilespmem:$0x19200] =	vst v63  }
0x10f: {  	_ =	swait.ge [sflag:s16], $0x2800  }
0x110: {  	[sflag:s16] =	ssyncset.done $0x0  }
0x111: {  	[sflag:s16] =	ssyncadd.s32 $0xFFFFD800  }
0x112: {  	[tilespmem:s1], [sflag:$0x6] =	stream.linear.gather [spmem:s13], $0x2800, $0x38;
	[tilespmem:$0x19200] =	vst v63  }
0x113: {  	_ =	swait.ge [sflag:s17], $0x2800  }
0x114: {  	[sflag:s17] =	ssyncset.done $0x0  }
0x115: {  	s10 =	rddreg [dreg:$0xa];
	[sflag:s17] =	ssyncadd.s32 $0xFFFFD800  }
0x116: {  	[hbm4b:s10+s19] =	stream.linear.scatter [tilespmem:s1], [sflag:$0x4], $0x2800, $0x38;
	[tilespmem:$0x19200] =	vst v63  }
0x117: {  	_ =	swait.ge [sflag:s16], $0x2800  }
0x118: {  	s10 =	sld [smem:$0x7FD]  }
0x119: {  	[sflag:s16] =	ssyncset.done $0x0  }
0x11a: {  	[sflag:s16] =	ssyncadd.s32 $0xFFFFD800  }
0x11b: {  	[tilespmem:s11], [sflag:$0x6] =	stream.linear.gather [spmem:s10], $0x2800, $0x38;
	[tilespmem:$0x19200] =	vst v63  }
0x11c: {  	_ =	swait.ge [sflag:s17], $0x2800  }
0x11d: {  	[sflag:s17] =	ssyncset.done $0x0  }
0x11e: {  	s18 =	rddreg [dreg:$0xb];
	[sflag:s17] =	ssyncadd.s32 $0xFFFFD800  }
0x11f: {  	[hbm4b:s18+s19] =	stream.linear.scatter [tilespmem:s11], [sflag:$0x4], $0x2800, $0x38;
	[tilespmem:$0x19200] =	vst v63  }
0x120: {  	_ =	swait.ge [sflag:s16], $0x2800  }
0x121: {  	[sflag:s16] =	ssyncset.done $0x0  }
0x122: {  	[sflag:s16] =	ssyncadd.s32 $0xFFFFD800  }
0x123: {  	_ =	swait.ge [sflag:s16], $0x2800  }
0x124: {  	[sflag:s16] =	ssyncset.done $0x0  }
0x125: {  	[sflag:s16] =	ssyncadd.s32 $0xFFFFD800  }
0x126: {  	[bflag:$0x0] =	sbarrier.arrive $0xFFFF  }
0x127: {  	s19 =	sld [smem:$0x7F2]  }
0x128: {  	s20 =	sld [smem:$0x7FA]  }
0x129: {  	s21 =	sld [smem:$0x7E8];
	_ =	sdelay $0x2  }
0x12a: {  	[spmem:s21], [sflag:s19] =	dma.local [hbm:s20], $0x500  }
0x12b: {  	s18 =	sld [smem:$0x7E9];
	_ =	sdelay $0x2  }
0x12c: {  	[spmem:s18], [sflag:s19] =	dma.local [hbm:s20], $0x500  }
0x12d: {  	s18 =	sld [smem:$0x7EA];
	_ =	sdelay $0x2  }
0x12e: {  	[spmem:s18], [sflag:s19] =	dma.local [hbm:s20], $0x500  }
0x12f: {  	s18 =	sld [smem:$0x7EB];
	_ =	sdelay $0x2  }
0x130: {  	[spmem:s18], [sflag:s19] =	dma.local [hbm:s20], $0x500  }
0x131: {  	s18 =	sld [smem:$0x7EC];
	_ =	sdelay $0x2  }
0x132: {  	[spmem:s18], [sflag:s19] =	dma.local [hbm:s20], $0x500  }
0x133: {  	s18 =	sld [smem:$0x7ED];
	_ =	sdelay $0x2  }
0x134: {  	[spmem:s18], [sflag:s19] =	dma.local [hbm:s20], $0x500  }
0x135: {  	s18 =	sld [smem:$0x7EE];
	_ =	sdelay $0x2  }
0x136: {  	[spmem:s18], [sflag:s19] =	dma.local [hbm:s20], $0x500  }
0x137: {  	s18 =	sld [smem:$0x7EF];
	_ =	sdelay $0x2  }
0x138: {  	[spmem:s18], [sflag:s19] =	dma.local [hbm:s20], $0x500  }
0x139: {  	_ =	swait.ge [sflag:s22], $0x500  }
0x13a: {  	[sflag:s22] =	ssyncset.done $0x0  }
0x13b: {  	[sflag:s22] =	ssyncadd.s32 $0xFFFFFB00  }
0x13c: {  	_ =	swait.ge [sflag:s22], $0x500  }
0x13d: {  	[sflag:s22] =	ssyncset.done $0x0  }
0x13e: {  	[sflag:s22] =	ssyncadd.s32 $0xFFFFFB00  }
0x13f: {  	_ =	swait.ge [sflag:s22], $0x500  }
0x140: {  	[sflag:s22] =	ssyncset.done $0x0  }
0x141: {  	[sflag:s22] =	ssyncadd.s32 $0xFFFFFB00  }
0x142: {  	_ =	swait.ge [sflag:s22], $0x500  }
0x143: {  	[sflag:s22] =	ssyncset.done $0x0  }
0x144: {  	[sflag:s22] =	ssyncadd.s32 $0xFFFFFB00  }
0x145: {  	_ =	swait.ge [sflag:s22], $0x500  }
0x146: {  	[sflag:s22] =	ssyncset.done $0x0  }
0x147: {  	[sflag:s22] =	ssyncadd.s32 $0xFFFFFB00  }
0x148: {  	_ =	swait.ge [sflag:s22], $0x500  }
0x149: {  	[sflag:s22] =	ssyncset.done $0x0  }
0x14a: {  	[sflag:s22] =	ssyncadd.s32 $0xFFFFFB00  }
0x14b: {  	_ =	swait.ge [sflag:s22], $0x500  }
0x14c: {  	[sflag:s22] =	ssyncset.done $0x0  }
0x14d: {  	[sflag:s22] =	ssyncadd.s32 $0xFFFFFB00  }
0x14e: {  	_ =	swait.ge [sflag:s22], $0x500  }
0x14f: {  	[sflag:s22] =	ssyncset.done $0x0  }
0x150: {  	[sflag:s22] =	ssyncadd.s32 $0xFFFFFB00  }
0x151: {  	s19 =	sadd.s32 $0x0, s5;
	[bflag:$0x0] =	sbarrier.arrive $0xFFFF  }
0x152: {  	[tilespmem:s23], [sflag:$0x5] =	stream.linear.gather [hbm4b:s19+s29], $0x50, $0x38;
	[tilespmem:$0x19200] =	vst v63  }
0x153: {  	s20 =	sadd.s32 $0x0, s30  }
0x154: {  	[tilespmem:s24], [sflag:$0x5] =	stream.linear.gather [hbm4b:s20+s29], $0x50, $0x38;
	[tilespmem:$0x19200] =	vst v63  }
0x155: {  	s21 =	sadd.s32 $0x0, s6  }
0x156: {  	[tilespmem:s25], [sflag:$0x5] =	stream.linear.gather [hbm4b:s21+s29], $0x50, $0x38;
	[tilespmem:$0x19200] =	vst v63  }
0x157: {  	s12 =	sadd.s32 $0xA, s20  }
0x158: {  	[tilespmem:s26], [sflag:$0x5] =	stream.linear.gather [hbm4b:s12+s29], $0x50, $0x38;
	[tilespmem:$0x19200] =	vst v63  }
0x159: {  	_ =	swait.ge [sflag:s31], $0x50  }
0x15a: {  	[sflag:s31] =	ssyncset.done $0x0  }
0x15b: {  	[sflag:s31] =	ssyncadd.s32 $0xFFFFFFB0  }
0x15c: {  	_ =	swait.ge [sflag:s31], $0x50  }
0x15d: {  	[sflag:s31] =	ssyncset.done $0x0  }
0x15e: {  	[sflag:s31] =	ssyncadd.s32 $0xFFFFFFB0  }
0x15f: {  	[tilespmem:s1], [sflag:$0x1] =	stream.indirect.gather [hbm4b:s4+s0], $0x80, s23, s0, $0xb8;
	[tilespmem:$0x19200] =	vst v63  }
0x160: {  	_ =	swait.ge [sflag:s31], $0x50  }
0x161: {  	[sflag:s31] =	ssyncset.done $0x0  }
0x162: {  	[sflag:s31] =	ssyncadd.s32 $0xFFFFFFB0  }
0x163: {  	_ =	swait.ge [sflag:s31], $0x50  }
0x164: {  	[sflag:s31] =	ssyncset.done $0x0  }
0x165: {  	[sflag:s31] =	ssyncadd.s32 $0xFFFFFFB0  }
0x166: {  	[tilespmem:s11], [sflag:$0x2] =	stream.indirect.gather [hbm4b:s4+s0], $0x80, s25, s0, $0xb8;
	[tilespmem:$0x19200] =	vst v63  }
0x167: {  	_ =	swait.ge [sflag:s14], $0x2800  }
0x168: {  	[sflag:s14] =	ssyncset.done $0x0  }
0x169: {  	[sflag:s14] =	ssyncadd.s32 $0xFFFFD800  }
0x16a: {  	[spmem:s7] =	stream.indirect.scatter.add.f32 [tilespmem:s1], [sflag:$0x3], $0x80, s24, s0, $0xb8;
	[tilespmem:$0x19200] =	vst v63  }
0x16b: {  	_ =	swait.ge [sflag:s15], $0x2800  }
0x16c: {  	[sflag:s15] =	ssyncset.done $0x0  }
0x16d: {  	[sflag:s15] =	ssyncadd.s32 $0xFFFFD800  }
0x16e: {  	[spmem:s7] =	stream.indirect.scatter.add.f32 [tilespmem:s11], [sflag:$0x4], $0x80, s26, s0, $0xb8;
	[tilespmem:$0x19200] =	vst v63  }
0x16f: {  	_ =	swait.ge [sflag:s22], $0x2800  }
0x170: {  	[sflag:s22] =	ssyncset.done $0x0  }
0x171: {  	[sflag:s22] =	ssyncadd.s32 $0xFFFFD800  }
0x172: {  	_ =	swait.ge [sflag:s16], $0x2800  }
0x173: {  	s19 =	simm.s32 $0x14;
	s21 =	simm.s32 $0x28;
	[sflag:s16] =	ssyncset.done $0x0  }
.LBB2_4:
0x174: {  	s12 =	sadd.s32 s19, s5  }
0x175: {  	[sflag:s16] =	ssyncadd.s32 $0xFFFFD800;
	s18 =	smov.u32 s21;
	s20 =	sadd.s32 $0x14, s21  }
0x176: {  	[tilespmem:s23], [sflag:$0x5] =	stream.linear.gather [hbm4b:s12+s29], $0x50, $0x38;
	[tilespmem:$0x19200] =	vst v63  }
0x177: {  	p0 =	sne.s32 s21, $0x4C4;
	s12 =	sadd.s32 s19, s30  }
0x178: {  	[tilespmem:s24], [sflag:$0x5] =	stream.linear.gather [hbm4b:s12+s29], $0x50, $0x38;
	[tilespmem:$0x19200] =	vst v63  }
0x179: {  	s21 =	sadd.s32 s19, s6;
	s19 =	smov.u32 s18  }
0x17a: {  	[tilespmem:s25], [sflag:$0x5] =	stream.linear.gather [hbm4b:s21+s29], $0x50, $0x38;
	[tilespmem:$0x19200] =	vst v63  }
0x17b: {  	s12 =	sadd.s32 $0xA, s12  }
0x17c: {  	[tilespmem:s26], [sflag:$0x5] =	stream.linear.gather [hbm4b:s12+s29], $0x50, $0x38;
	[tilespmem:$0x19200] =	vst v63  }
0x17d: {  	_ =	swait.ge [sflag:s31], $0x50  }
0x17e: {  	[sflag:s31] =	ssyncset.done $0x0  }
0x17f: {  	[sflag:s31] =	ssyncadd.s32 $0xFFFFFFB0  }
0x180: {  	_ =	swait.ge [sflag:s31], $0x50  }
0x181: {  	[sflag:s31] =	ssyncset.done $0x0  }
0x182: {  	[sflag:s31] =	ssyncadd.s32 $0xFFFFFFB0  }
0x183: {  	[tilespmem:s1], [sflag:$0x1] =	stream.indirect.gather [hbm4b:s4+s0], $0x80, s23, s0, $0xb8;
	[tilespmem:$0x19200] =	vst v63  }
0x184: {  	_ =	swait.ge [sflag:s31], $0x50  }
0x185: {  	[sflag:s31] =	ssyncset.done $0x0  }
0x186: {  	[sflag:s31] =	ssyncadd.s32 $0xFFFFFFB0  }
0x187: {  	_ =	swait.ge [sflag:s31], $0x50  }
0x188: {  	[sflag:s31] =	ssyncset.done $0x0  }
0x189: {  	[sflag:s31] =	ssyncadd.s32 $0xFFFFFFB0  }
0x18a: {  	[tilespmem:s11], [sflag:$0x2] =	stream.indirect.gather [hbm4b:s4+s0], $0x80, s25, s0, $0xb8;
	[tilespmem:$0x19200] =	vst v63  }
0x18b: {  	_ =	swait.ge [sflag:s14], $0x2800  }
0x18c: {  	[sflag:s14] =	ssyncset.done $0x0  }
0x18d: {  	[sflag:s14] =	ssyncadd.s32 $0xFFFFD800  }
0x18e: {  	[spmem:s7] =	stream.indirect.scatter.add.f32 [tilespmem:s1], [sflag:$0x3], $0x80, s24, s0, $0xb8;
	[tilespmem:$0x19200] =	vst v63  }
0x18f: {  	_ =	swait.ge [sflag:s15], $0x2800  }
0x190: {  	[sflag:s15] =	ssyncset.done $0x0  }
0x191: {  	[sflag:s15] =	ssyncadd.s32 $0xFFFFD800  }
0x192: {  	[spmem:s7] =	stream.indirect.scatter.add.f32 [tilespmem:s11], [sflag:$0x4], $0x80, s26, s0, $0xb8;
	[tilespmem:$0x19200] =	vst v63  }
.Ltmp1:
0x193: {  	_ =	swait.ge [sflag:s22], $0x2800;
	(pc) =	sbr.rel @p0 .LBB2_4-.Ltmp1, $4  }
0x194: {  	[sflag:s22] =	ssyncset.done $0x0  }
0x195: {  	[sflag:s22] =	ssyncadd.s32 $0xFFFFD800  }
0x196: {  	_ =	swait.ge [sflag:s16], $0x2800  }
0x197: {  	s21 =	smov.u32 s20;
	[sflag:s16] =	ssyncset.done $0x0  }
0x198: {  	s12 =	sadd.s32 s19, s5;
	[sflag:s16] =	ssyncadd.s32 $0xFFFFD800  }
0x199: {  	[tilespmem:s23], [sflag:$0x5] =	stream.linear.gather [hbm4b:s12+s29], $0x50, $0x38;
	[tilespmem:$0x19200] =	vst v63  }
0x19a: {  	s10 =	sadd.s32 s19, s30  }
0x19b: {  	[tilespmem:s24], [sflag:$0x5] =	stream.linear.gather [hbm4b:s10+s29], $0x50, $0x38;
	[tilespmem:$0x19200] =	vst v63  }
0x19c: {  	s18 =	sadd.s32 s19, s6  }
0x19d: {  	[tilespmem:s25], [sflag:$0x5] =	stream.linear.gather [hbm4b:s18+s29], $0x50, $0x38;
	[tilespmem:$0x19200] =	vst v63  }
0x19e: {  	s12 =	sadd.s32 $0xA, s10  }
0x19f: {  	[tilespmem:s26], [sflag:$0x5] =	stream.linear.gather [hbm4b:s12+s29], $0x50, $0x38;
	[tilespmem:$0x19200] =	vst v63  }
0x1a0: {  	_ =	swait.ge [sflag:s31], $0x50  }
0x1a1: {  	[sflag:s31] =	ssyncset.done $0x0  }
0x1a2: {  	[sflag:s31] =	ssyncadd.s32 $0xFFFFFFB0  }
0x1a3: {  	_ =	swait.ge [sflag:s31], $0x50  }
0x1a4: {  	[sflag:s31] =	ssyncset.done $0x0  }
0x1a5: {  	[sflag:s31] =	ssyncadd.s32 $0xFFFFFFB0  }
0x1a6: {  	[tilespmem:s1], [sflag:$0x1] =	stream.indirect.gather [hbm4b:s4+s0], $0x80, s23, s0, $0xb8;
	[tilespmem:$0x19200] =	vst v63  }
0x1a7: {  	_ =	swait.ge [sflag:s31], $0x50  }
0x1a8: {  	[sflag:s31] =	ssyncset.done $0x0  }
0x1a9: {  	[sflag:s31] =	ssyncadd.s32 $0xFFFFFFB0  }
0x1aa: {  	_ =	swait.ge [sflag:s31], $0x50  }
0x1ab: {  	[sflag:s31] =	ssyncset.done $0x0  }
0x1ac: {  	[sflag:s31] =	ssyncadd.s32 $0xFFFFFFB0  }
0x1ad: {  	[tilespmem:s11], [sflag:$0x2] =	stream.indirect.gather [hbm4b:s4+s0], $0x80, s25, s0, $0xb8;
	[tilespmem:$0x19200] =	vst v63  }
0x1ae: {  	_ =	swait.ge [sflag:s14], $0x2800  }
0x1af: {  	[sflag:s14] =	ssyncset.done $0x0  }
0x1b0: {  	[sflag:s14] =	ssyncadd.s32 $0xFFFFD800  }
0x1b1: {  	[spmem:s7] =	stream.indirect.scatter.add.f32 [tilespmem:s1], [sflag:$0x3], $0x80, s24, s0, $0xb8;
	[tilespmem:$0x19200] =	vst v63  }
0x1b2: {  	_ =	swait.ge [sflag:s15], $0x2800  }
0x1b3: {  	[sflag:s15] =	ssyncset.done $0x0  }
0x1b4: {  	[sflag:s15] =	ssyncadd.s32 $0xFFFFD800  }
0x1b5: {  	[spmem:s7] =	stream.indirect.scatter.add.f32 [tilespmem:s11], [sflag:$0x4], $0x80, s26, s0, $0xb8;
	[tilespmem:$0x19200] =	vst v63  }
0x1b6: {  	_ =	swait.ge [sflag:s22], $0x2800  }
0x1b7: {  	[sflag:s22] =	ssyncset.done $0x0  }
0x1b8: {  	[sflag:s22] =	ssyncadd.s32 $0xFFFFD800  }
0x1b9: {  	_ =	swait.ge [sflag:s16], $0x2800  }
0x1ba: {  	[sflag:s16] =	ssyncset.done $0x0  }
0x1bb: {  	s19 =	simm.s32 $0x0;
	s20 =	rddreg [dreg:$0x1f];
	[sflag:s16] =	ssyncadd.s32 $0xFFFFD800  }
0x1bc: {  	[tilespmem:s23], [sflag:$0x6] =	stream.linear.gather [hbm4b:s20+s19], $0x50, $0x38;
	[tilespmem:$0x19200] =	vst v63  }
0x1bd: {  	_ =	swait.ge [sflag:s17], $0x50  }
0x1be: {  	[sflag:s17] =	ssyncset.done $0x0  }
0x1bf: {  	s21 =	rddreg [dreg:$0x1d];
	[sflag:s17] =	ssyncadd.s32 $0xFFFFFFB0  }
0x1c0: {  	[tilespmem:s24], [sflag:$0x6] =	stream.linear.gather [hbm4b:s21+s19], $0x50, $0x38;
	[tilespmem:$0x19200] =	vst v63  }
0x1c1: {  	_ =	swait.ge [sflag:s17], $0x50  }
0x1c2: {  	[sflag:s17] =	ssyncset.done $0x0  }
0x1c3: {  	[sflag:s17] =	ssyncadd.s32 $0xFFFFFFB0  }
0x1c4: {  	[tilespmem:s1], [sflag:$0x1] =	stream.indirect.gather [hbm4b:s4+s0], $0x80, s23, s0, $0xb8;
	[tilespmem:$0x19200] =	vst v63  }
0x1c5: {  	_ =	swait.ge [sflag:s14], $0x2800  }
0x1c6: {  	[sflag:s14] =	ssyncset.done $0x0  }
0x1c7: {  	[sflag:s14] =	ssyncadd.s32 $0xFFFFD800  }
0x1c8: {  	[spmem:s7] =	stream.indirect.scatter.add.f32 [tilespmem:s1], [sflag:$0x6], $0x80, s24, s0, $0xb8;
	[tilespmem:$0x19200] =	vst v63  }
0x1c9: {  	_ =	swait.ge [sflag:s17], $0x2800  }
0x1ca: {  	[sflag:s17] =	ssyncset.done $0x0  }
0x1cb: {  	[sflag:s17] =	ssyncadd.s32 $0xFFFFD800  }
0x1cc: {  	[bflag:$0x0] =	sbarrier.arrive $0xFFFF  }
0x1cd: {  	s10 =	sld [smem:$0x7F6];
	_ =	sdelay $0x2  }
0x1ce: {  	[tilespmem:s1], [sflag:$0x6] =	stream.linear.gather [spmem:s10], $0x2800, $0x38;
	[tilespmem:$0x19200] =	vst v63  }
0x1cf: {  	_ =	swait.ge [sflag:s17], $0x2800  }
0x1d0: {  	[sflag:s17] =	ssyncset.done $0x0;
	s18 =	rddreg [dreg:$0xc]  }
0x1d1: {  	s20 =	sld [smem:$0x7F4];
	[sflag:s17] =	ssyncadd.s32 $0xFFFFD800  }
0x1d2: {  	[hbm4b:s18+s19] =	stream.linear.scatter [tilespmem:s1], [sflag:$0x4], $0x2800, $0x38;
	[tilespmem:$0x19200] =	vst v63  }
0x1d3: {  	_ = 	snop  }
0x1d4: {  	[tilespmem:s11], [sflag:$0x6] =	stream.linear.gather [spmem:s20], $0x2800, $0x38;
	[tilespmem:$0x19200] =	vst v63  }
0x1d5: {  	_ =	swait.ge [sflag:s17], $0x2800  }
0x1d6: {  	[sflag:s17] =	ssyncset.done $0x0  }
0x1d7: {  	s21 =	rddreg [dreg:$0xd];
	[sflag:s17] =	ssyncadd.s32 $0xFFFFD800  }
0x1d8: {  	[hbm4b:s21+s19] =	stream.linear.scatter [tilespmem:s11], [sflag:$0x4], $0x2800, $0x38;
	[tilespmem:$0x19200] =	vst v63  }
0x1d9: {  	_ =	swait.ge [sflag:s16], $0x2800  }
0x1da: {  	s10 =	sld [smem:$0x7F5]  }
0x1db: {  	[sflag:s16] =	ssyncset.done $0x0  }
0x1dc: {  	[sflag:s16] =	ssyncadd.s32 $0xFFFFD800  }
0x1dd: {  	[tilespmem:s1], [sflag:$0x6] =	stream.linear.gather [spmem:s10], $0x2800, $0x38;
	[tilespmem:$0x19200] =	vst v63  }
0x1de: {  	_ =	swait.ge [sflag:s17], $0x2800  }
0x1df: {  	[sflag:s17] =	ssyncset.done $0x0  }
0x1e0: {  	s18 =	rddreg [dreg:$0xe];
	[sflag:s17] =	ssyncadd.s32 $0xFFFFD800  }
0x1e1: {  	[hbm4b:s18+s19] =	stream.linear.scatter [tilespmem:s1], [sflag:$0x4], $0x2800, $0x38;
	[tilespmem:$0x19200] =	vst v63  }
0x1e2: {  	_ =	swait.ge [sflag:s16], $0x2800  }
0x1e3: {  	s20 =	sld [smem:$0x7F8]  }
0x1e4: {  	[sflag:s16] =	ssyncset.done $0x0  }
0x1e5: {  	[sflag:s16] =	ssyncadd.s32 $0xFFFFD800  }
0x1e6: {  	[tilespmem:s11], [sflag:$0x6] =	stream.linear.gather [spmem:s20], $0x2800, $0x38;
	[tilespmem:$0x19200] =	vst v63  }
0x1e7: {  	_ =	swait.ge [sflag:s17], $0x2800  }
0x1e8: {  	[sflag:s17] =	ssyncset.done $0x0  }
0x1e9: {  	s21 =	rddreg [dreg:$0xf];
	[sflag:s17] =	ssyncadd.s32 $0xFFFFD800  }
0x1ea: {  	[hbm4b:s21+s19] =	stream.linear.scatter [tilespmem:s11], [sflag:$0x4], $0x2800, $0x38;
	[tilespmem:$0x19200] =	vst v63  }
0x1eb: {  	_ =	swait.ge [sflag:s16], $0x2800  }
0x1ec: {  	s10 =	sld [smem:$0x7F9]  }
0x1ed: {  	[sflag:s16] =	ssyncset.done $0x0  }
0x1ee: {  	[sflag:s16] =	ssyncadd.s32 $0xFFFFD800  }
0x1ef: {  	[tilespmem:s1], [sflag:$0x6] =	stream.linear.gather [spmem:s10], $0x2800, $0x38;
	[tilespmem:$0x19200] =	vst v63  }
0x1f0: {  	_ =	swait.ge [sflag:s17], $0x2800  }
0x1f1: {  	[sflag:s17] =	ssyncset.done $0x0  }
0x1f2: {  	s18 =	rddreg [dreg:$0x10];
	[sflag:s17] =	ssyncadd.s32 $0xFFFFD800  }
0x1f3: {  	[hbm4b:s18+s19] =	stream.linear.scatter [tilespmem:s1], [sflag:$0x4], $0x2800, $0x38;
	[tilespmem:$0x19200] =	vst v63  }
0x1f4: {  	_ =	swait.ge [sflag:s16], $0x2800  }
0x1f5: {  	s20 =	sld [smem:$0x7FB]  }
0x1f6: {  	[sflag:s16] =	ssyncset.done $0x0  }
0x1f7: {  	[sflag:s16] =	ssyncadd.s32 $0xFFFFD800  }
0x1f8: {  	[tilespmem:s11], [sflag:$0x6] =	stream.linear.gather [spmem:s20], $0x2800, $0x38;
	[tilespmem:$0x19200] =	vst v63  }
0x1f9: {  	_ =	swait.ge [sflag:s17], $0x2800  }
0x1fa: {  	[sflag:s17] =	ssyncset.done $0x0  }
0x1fb: {  	s21 =	rddreg [dreg:$0x11];
	[sflag:s17] =	ssyncadd.s32 $0xFFFFD800  }
0x1fc: {  	[hbm4b:s21+s19] =	stream.linear.scatter [tilespmem:s11], [sflag:$0x4], $0x2800, $0x38;
	[tilespmem:$0x19200] =	vst v63  }
0x1fd: {  	_ =	swait.ge [sflag:s16], $0x2800  }
0x1fe: {  	[sflag:s16] =	ssyncset.done $0x0  }
0x1ff: {  	[sflag:s16] =	ssyncadd.s32 $0xFFFFD800  }
0x200: {  	[tilespmem:s1], [sflag:$0x6] =	stream.linear.gather [spmem:s13], $0x2800, $0x38;
	[tilespmem:$0x19200] =	vst v63  }
0x201: {  	_ =	swait.ge [sflag:s17], $0x2800  }
0x202: {  	[sflag:s17] =	ssyncset.done $0x0  }
0x203: {  	s10 =	rddreg [dreg:$0x12];
	[sflag:s17] =	ssyncadd.s32 $0xFFFFD800  }
0x204: {  	[hbm4b:s10+s19] =	stream.linear.scatter [tilespmem:s1], [sflag:$0x4], $0x2800, $0x38;
	[tilespmem:$0x19200] =	vst v63  }
0x205: {  	_ =	swait.ge [sflag:s16], $0x2800  }
0x206: {  	s10 =	sld [smem:$0x7FD]  }
0x207: {  	[sflag:s16] =	ssyncset.done $0x0  }
0x208: {  	[sflag:s16] =	ssyncadd.s32 $0xFFFFD800  }
0x209: {  	[tilespmem:s11], [sflag:$0x6] =	stream.linear.gather [spmem:s10], $0x2800, $0x38;
	[tilespmem:$0x19200] =	vst v63  }
0x20a: {  	_ =	swait.ge [sflag:s17], $0x2800  }
0x20b: {  	[sflag:s17] =	ssyncset.done $0x0  }
0x20c: {  	s13 =	rddreg [dreg:$0x13];
	[sflag:s17] =	ssyncadd.s32 $0xFFFFD800  }
0x20d: {  	[hbm4b:s13+s19] =	stream.linear.scatter [tilespmem:s11], [sflag:$0x4], $0x2800, $0x38;
	[tilespmem:$0x19200] =	vst v63  }
0x20e: {  	_ =	swait.ge [sflag:s16], $0x2800  }
0x20f: {  	[sflag:s16] =	ssyncset.done $0x0  }
0x210: {  	[sflag:s16] =	ssyncadd.s32 $0xFFFFD800  }
0x211: {  	_ =	swait.ge [sflag:s16], $0x2800  }
0x212: {  	[sflag:s16] =	ssyncset.done $0x0  }
0x213: {  	[sflag:s16] =	ssyncadd.s32 $0xFFFFD800  }
0x214: {  	[bflag:$0x0] =	sbarrier.arrive $0xFFFF  }
0x215: {  	s18 =	sld [smem:$0x7F2]  }
0x216: {  	s20 =	sld [smem:$0x7FA]  }
0x217: {  	s21 =	sld [smem:$0x7E8];
	_ =	sdelay $0x2  }
0x218: {  	[spmem:s21], [sflag:s18] =	dma.local [hbm:s20], $0x500  }
0x219: {  	s13 =	sld [smem:$0x7E9];
	_ =	sdelay $0x2  }
0x21a: {  	[spmem:s13], [sflag:s18] =	dma.local [hbm:s20], $0x500  }
0x21b: {  	s13 =	sld [smem:$0x7EA];
	_ =	sdelay $0x2  }
0x21c: {  	[spmem:s13], [sflag:s18] =	dma.local [hbm:s20], $0x500  }
0x21d: {  	s13 =	sld [smem:$0x7EB];
	_ =	sdelay $0x2  }
0x21e: {  	[spmem:s13], [sflag:s18] =	dma.local [hbm:s20], $0x500  }
0x21f: {  	s13 =	sld [smem:$0x7EC];
	_ =	sdelay $0x2  }
0x220: {  	[spmem:s13], [sflag:s18] =	dma.local [hbm:s20], $0x500  }
0x221: {  	s13 =	sld [smem:$0x7ED];
	_ =	sdelay $0x2  }
0x222: {  	[spmem:s13], [sflag:s18] =	dma.local [hbm:s20], $0x500  }
0x223: {  	s13 =	sld [smem:$0x7EE];
	_ =	sdelay $0x2  }
0x224: {  	[spmem:s13], [sflag:s18] =	dma.local [hbm:s20], $0x500  }
0x225: {  	s13 =	sld [smem:$0x7EF];
	_ =	sdelay $0x2  }
0x226: {  	[spmem:s13], [sflag:s18] =	dma.local [hbm:s20], $0x500  }
0x227: {  	_ =	swait.ge [sflag:s22], $0x500  }
0x228: {  	[sflag:s22] =	ssyncset.done $0x0  }
0x229: {  	[sflag:s22] =	ssyncadd.s32 $0xFFFFFB00  }
0x22a: {  	_ =	swait.ge [sflag:s22], $0x500  }
0x22b: {  	[sflag:s22] =	ssyncset.done $0x0  }
0x22c: {  	[sflag:s22] =	ssyncadd.s32 $0xFFFFFB00  }
0x22d: {  	_ =	swait.ge [sflag:s22], $0x500  }
0x22e: {  	[sflag:s22] =	ssyncset.done $0x0  }
0x22f: {  	[sflag:s22] =	ssyncadd.s32 $0xFFFFFB00  }
0x230: {  	_ =	swait.ge [sflag:s22], $0x500  }
0x231: {  	[sflag:s22] =	ssyncset.done $0x0  }
0x232: {  	[sflag:s22] =	ssyncadd.s32 $0xFFFFFB00  }
0x233: {  	_ =	swait.ge [sflag:s22], $0x500  }
0x234: {  	[sflag:s22] =	ssyncset.done $0x0  }
0x235: {  	[sflag:s22] =	ssyncadd.s32 $0xFFFFFB00  }
0x236: {  	_ =	swait.ge [sflag:s22], $0x500  }
0x237: {  	[sflag:s22] =	ssyncset.done $0x0  }
0x238: {  	[sflag:s22] =	ssyncadd.s32 $0xFFFFFB00  }
0x239: {  	_ =	swait.ge [sflag:s22], $0x500  }
0x23a: {  	[sflag:s22] =	ssyncset.done $0x0  }
0x23b: {  	[sflag:s22] =	ssyncadd.s32 $0xFFFFFB00  }
0x23c: {  	_ =	swait.ge [sflag:s22], $0x500  }
0x23d: {  	s18 =	sld [smem:$0x7F1]  }
0x23e: {  	[sflag:s22] =	ssyncset.done $0x0  }
0x23f: {  	[sflag:s22] =	ssyncadd.s32 $0xFFFFFB00  }
0x240: {  	[tilespmem:s1], [sflag:$0x6] =	stream.linear.gather [hbm4b:s18+s19], $0x2800, $0x38;
	[tilespmem:$0x19200] =	vst v63  }
0x241: {  	_ =	swait.ge [sflag:s17], $0x2800  }
0x242: {  	[sflag:s17] =	ssyncset.done $0x0  }
0x243: {  	[sflag:s17] =	ssyncadd.s32 $0xFFFFD800  }
0x244: {  	s20 =	sadd.s32 $0x0, s9;
	[bflag:$0x0] =	sbarrier.arrive $0xFFFF  }
0x245: {  	[tilespmem:s24], [sflag:$0x5] =	stream.linear.gather [hbm4b:s20+s29], $0x50, $0x38;
	[tilespmem:$0x19200] =	vst v63  }
0x246: {  	s21 =	sadd.s32 $0x0, s8  }
0x247: {  	[tilespmem:s26], [sflag:$0x5] =	stream.linear.gather [hbm4b:s21+s29], $0x50, $0x38;
	[tilespmem:$0x19200] =	vst v63  }
0x248: {  	_ =	swait.ge [sflag:s31], $0x50  }
0x249: {  	[sflag:s31] =	ssyncset.done $0x0  }
0x24a: {  	[sflag:s31] =	ssyncadd.s32 $0xFFFFFFB0  }
0x24b: {  	[spmem:s7] =	stream.indirect.scatter.add.f32 [tilespmem:s1], [sflag:$0x1], $0x80, s24, s0, $0xb8;
	[tilespmem:$0x19200] =	vst v63  }
0x24c: {  	_ =	swait.ge [sflag:s31], $0x50  }
0x24d: {  	[sflag:s31] =	ssyncset.done $0x0  }
0x24e: {  	[sflag:s31] =	ssyncadd.s32 $0xFFFFFFB0  }
0x24f: {  	[spmem:s7] =	stream.indirect.scatter.add.f32 [tilespmem:s1], [sflag:$0x2], $0x80, s26, s0, $0xb8;
	[tilespmem:$0x19200] =	vst v63  }
0x250: {  	_ =	swait.ge [sflag:s14], $0x2800  }
0x251: {  	[sflag:s14] =	ssyncset.done $0x0  }
0x252: {  	[sflag:s14] =	ssyncadd.s32 $0xFFFFD800  }
0x253: {  	_ =	swait.ge [sflag:s15], $0x2800  }
0x254: {  	s12 =	simm.s32 $0x14;
	s19 =	simm.s32 $0x28;
	[sflag:s15] =	ssyncset.done $0x0  }
.LBB2_6:
0x255: {  	s18 =	sadd.s32 s12, s9  }
0x256: {  	[sflag:s15] =	ssyncadd.s32 $0xFFFFD800;
	s20 =	smov.u32 s19;
	s21 =	sadd.s32 $0x14, s19  }
0x257: {  	[tilespmem:s24], [sflag:$0x5] =	stream.linear.gather [hbm4b:s18+s29], $0x50, $0x38;
	[tilespmem:$0x19200] =	vst v63  }
0x258: {  	p0 =	sne.s32 s19, $0x4C4;
	s18 =	sadd.s32 s12, s8;
	s12 =	smov.u32 s20  }
0x259: {  	[tilespmem:s26], [sflag:$0x5] =	stream.linear.gather [hbm4b:s18+s29], $0x50, $0x38;
	[tilespmem:$0x19200] =	vst v63  }
0x25a: {  	_ =	swait.ge [sflag:s31], $0x50  }
0x25b: {  	[sflag:s31] =	ssyncset.done $0x0  }
0x25c: {  	[sflag:s31] =	ssyncadd.s32 $0xFFFFFFB0  }
0x25d: {  	[spmem:s7] =	stream.indirect.scatter.add.f32 [tilespmem:s1], [sflag:$0x1], $0x80, s24, s0, $0xb8;
	[tilespmem:$0x19200] =	vst v63  }
0x25e: {  	_ =	swait.ge [sflag:s31], $0x50  }
0x25f: {  	[sflag:s31] =	ssyncset.done $0x0  }
0x260: {  	[sflag:s31] =	ssyncadd.s32 $0xFFFFFFB0  }
0x261: {  	[spmem:s7] =	stream.indirect.scatter.add.f32 [tilespmem:s1], [sflag:$0x2], $0x80, s26, s0, $0xb8;
	[tilespmem:$0x19200] =	vst v63  }
.Ltmp2:
0x262: {  	_ =	swait.ge [sflag:s14], $0x2800;
	(pc) =	sbr.rel @p0 .LBB2_6-.Ltmp2, $4  }
0x263: {  	[sflag:s14] =	ssyncset.done $0x0  }
0x264: {  	[sflag:s14] =	ssyncadd.s32 $0xFFFFD800  }
0x265: {  	_ =	swait.ge [sflag:s15], $0x2800  }
0x266: {  	s19 =	smov.u32 s21;
	[sflag:s15] =	ssyncset.done $0x0  }
0x267: {  	s18 =	sadd.s32 s12, s9;
	[sflag:s15] =	ssyncadd.s32 $0xFFFFD800  }
0x268: {  	[tilespmem:s24], [sflag:$0x5] =	stream.linear.gather [hbm4b:s18+s29], $0x50, $0x38;
	[tilespmem:$0x19200] =	vst v63  }
0x269: {  	s21 =	sadd.s32 s12, s8  }
0x26a: {  	[tilespmem:s26], [sflag:$0x5] =	stream.linear.gather [hbm4b:s21+s29], $0x50, $0x38;
	[tilespmem:$0x19200] =	vst v63  }
0x26b: {  	_ =	swait.ge [sflag:s31], $0x50  }
0x26c: {  	[sflag:s31] =	ssyncset.done $0x0  }
0x26d: {  	[sflag:s31] =	ssyncadd.s32 $0xFFFFFFB0  }
0x26e: {  	[spmem:s7] =	stream.indirect.scatter.add.f32 [tilespmem:s1], [sflag:$0x1], $0x80, s24, s0, $0xb8;
	[tilespmem:$0x19200] =	vst v63  }
0x26f: {  	_ =	swait.ge [sflag:s31], $0x50  }
0x270: {  	[sflag:s31] =	ssyncset.done $0x0  }
0x271: {  	[sflag:s31] =	ssyncadd.s32 $0xFFFFFFB0  }
0x272: {  	[spmem:s7] =	stream.indirect.scatter.add.f32 [tilespmem:s1], [sflag:$0x2], $0x80, s26, s0, $0xb8;
	[tilespmem:$0x19200] =	vst v63  }
0x273: {  	_ =	swait.ge [sflag:s14], $0x2800  }
0x274: {  	[sflag:s14] =	ssyncset.done $0x0  }
0x275: {  	[sflag:s14] =	ssyncadd.s32 $0xFFFFD800  }
0x276: {  	_ =	swait.ge [sflag:s15], $0x2800  }
0x277: {  	s10 =	sld [smem:$0x7F0]  }
0x278: {  	[sflag:s15] =	ssyncset.done $0x0  }
0x279: {  	[sflag:s15] =	ssyncadd.s32 $0xFFFFD800  }
0x27a: {  	[tilespmem:s24], [sflag:$0x6] =	stream.linear.gather [hbm4b:s10+s29], $0x50, $0x38;
	[tilespmem:$0x19200] =	vst v63  }
0x27b: {  	_ =	swait.ge [sflag:s17], $0x50  }
0x27c: {  	[sflag:s17] =	ssyncset.done $0x0  }
0x27d: {  	[sflag:s17] =	ssyncadd.s32 $0xFFFFFFB0  }
0x27e: {  	[spmem:s7] =	stream.indirect.scatter.add.f32 [tilespmem:s1], [sflag:$0x6], $0x80, s24, s0, $0xb8;
	[tilespmem:$0x19200] =	vst v63  }
0x27f: {  	_ =	swait.ge [sflag:s17], $0x2800  }
0x280: {  	[sflag:s17] =	ssyncset.done $0x0  }
0x281: {  	[sflag:s17] =	ssyncadd.s32 $0xFFFFD800  }
0x282: {  	[bflag:$0x0] =	sbarrier.arrive $0xFFFF  }
0x283: {  	s10 =	sld [smem:$0x7F6];
	_ =	sdelay $0x2  }
0x284: {  	[tilespmem:s1], [sflag:$0x6] =	stream.linear.gather [spmem:s10], $0x2800, $0x38;
	[tilespmem:$0x19200] =	vst v63  }
0x285: {  	_ =	swait.ge [sflag:s17], $0x2800  }
0x286: {  	[sflag:s17] =	ssyncset.done $0x0;
	s13 =	rddreg [dreg:$0x14]  }
0x287: {  	s18 =	sld [smem:$0x7F4];
	[sflag:s17] =	ssyncadd.s32 $0xFFFFD800  }
0x288: {  	[hbm4b:s13+s29] =	stream.linear.scatter [tilespmem:s1], [sflag:$0x4], $0x2800, $0x38;
	[tilespmem:$0x19200] =	vst v63  }
0x289: {  	_ = 	snop  }
0x28a: {  	[tilespmem:s11], [sflag:$0x6] =	stream.linear.gather [spmem:s18], $0x2800, $0x38;
	[tilespmem:$0x19200] =	vst v63  }
0x28b: {  	_ =	swait.ge [sflag:s17], $0x2800  }
0x28c: {  	[sflag:s17] =	ssyncset.done $0x0  }
0x28d: {  	s19 =	rddreg [dreg:$0x15];
	[sflag:s17] =	ssyncadd.s32 $0xFFFFD800  }
0x28e: {  	[hbm4b:s19+s29] =	stream.linear.scatter [tilespmem:s11], [sflag:$0x4], $0x2800, $0x38;
	[tilespmem:$0x19200] =	vst v63  }
0x28f: {  	_ =	swait.ge [sflag:s16], $0x2800  }
0x290: {  	s20 =	sld [smem:$0x7F5]  }
0x291: {  	[sflag:s16] =	ssyncset.done $0x0  }
0x292: {  	[sflag:s16] =	ssyncadd.s32 $0xFFFFD800  }
0x293: {  	[tilespmem:s1], [sflag:$0x6] =	stream.linear.gather [spmem:s20], $0x2800, $0x38;
	[tilespmem:$0x19200] =	vst v63  }
0x294: {  	_ =	swait.ge [sflag:s17], $0x2800  }
0x295: {  	[sflag:s17] =	ssyncset.done $0x0  }
0x296: {  	s21 =	rddreg [dreg:$0x16];
	[sflag:s17] =	ssyncadd.s32 $0xFFFFD800  }
0x297: {  	[hbm4b:s21+s29] =	stream.linear.scatter [tilespmem:s1], [sflag:$0x4], $0x2800, $0x38;
	[tilespmem:$0x19200] =	vst v63  }
0x298: {  	_ =	swait.ge [sflag:s16], $0x2800  }
0x299: {  	s13 =	sld [smem:$0x7F8]  }
0x29a: {  	[sflag:s16] =	ssyncset.done $0x0  }
0x29b: {  	[sflag:s16] =	ssyncadd.s32 $0xFFFFD800  }
0x29c: {  	[tilespmem:s11], [sflag:$0x6] =	stream.linear.gather [spmem:s13], $0x2800, $0x38;
	[tilespmem:$0x19200] =	vst v63  }
0x29d: {  	_ =	swait.ge [sflag:s17], $0x2800  }
0x29e: {  	[sflag:s17] =	ssyncset.done $0x0  }
0x29f: {  	s10 =	rddreg [dreg:$0x17];
	[sflag:s17] =	ssyncadd.s32 $0xFFFFD800  }
0x2a0: {  	[hbm4b:s10+s29] =	stream.linear.scatter [tilespmem:s11], [sflag:$0x4], $0x2800, $0x38;
	[tilespmem:$0x19200] =	vst v63  }
0x2a1: {  	_ =	swait.ge [sflag:s16], $0x2800  }
0x2a2: {  	s19 =	sld [smem:$0x7F9]  }
0x2a3: {  	[sflag:s16] =	ssyncset.done $0x0  }
0x2a4: {  	[sflag:s16] =	ssyncadd.s32 $0xFFFFD800  }
0x2a5: {  	[tilespmem:s1], [sflag:$0x6] =	stream.linear.gather [spmem:s19], $0x2800, $0x38;
	[tilespmem:$0x19200] =	vst v63  }
0x2a6: {  	_ =	swait.ge [sflag:s17], $0x2800  }
0x2a7: {  	[sflag:s17] =	ssyncset.done $0x0  }
0x2a8: {  	s18 =	rddreg [dreg:$0x18];
	[sflag:s17] =	ssyncadd.s32 $0xFFFFD800  }
0x2a9: {  	[hbm4b:s18+s29] =	stream.linear.scatter [tilespmem:s1], [sflag:$0x4], $0x2800, $0x38;
	[tilespmem:$0x19200] =	vst v63  }
0x2aa: {  	_ =	swait.ge [sflag:s16], $0x2800  }
0x2ab: {  	s21 =	sld [smem:$0x7FB]  }
0x2ac: {  	[sflag:s16] =	ssyncset.done $0x0  }
0x2ad: {  	[sflag:s16] =	ssyncadd.s32 $0xFFFFD800  }
0x2ae: {  	[tilespmem:s11], [sflag:$0x6] =	stream.linear.gather [spmem:s21], $0x2800, $0x38;
	[tilespmem:$0x19200] =	vst v63  }
0x2af: {  	_ =	swait.ge [sflag:s17], $0x2800  }
0x2b0: {  	[sflag:s17] =	ssyncset.done $0x0  }
0x2b1: {  	s20 =	rddreg [dreg:$0x19];
	[sflag:s17] =	ssyncadd.s32 $0xFFFFD800  }
0x2b2: {  	[hbm4b:s20+s29] =	stream.linear.scatter [tilespmem:s11], [sflag:$0x4], $0x2800, $0x38;
	[tilespmem:$0x19200] =	vst v63  }
0x2b3: {  	_ =	swait.ge [sflag:s16], $0x2800  }
0x2b4: {  	s20 =	sld [smem:$0x7FC]  }
0x2b5: {  	[sflag:s16] =	ssyncset.done $0x0  }
0x2b6: {  	[sflag:s16] =	ssyncadd.s32 $0xFFFFD800  }
0x2b7: {  	[tilespmem:s1], [sflag:$0x6] =	stream.linear.gather [spmem:s20], $0x2800, $0x38;
	[tilespmem:$0x19200] =	vst v63  }
0x2b8: {  	_ =	swait.ge [sflag:s17], $0x2800  }
0x2b9: {  	[sflag:s17] =	ssyncset.done $0x0  }
0x2ba: {  	s10 =	rddreg [dreg:$0x1a];
	[sflag:s17] =	ssyncadd.s32 $0xFFFFD800  }
0x2bb: {  	[hbm4b:s10+s29] =	stream.linear.scatter [tilespmem:s1], [sflag:$0x4], $0x2800, $0x38;
	[tilespmem:$0x19200] =	vst v63  }
0x2bc: {  	_ =	swait.ge [sflag:s16], $0x2800  }
0x2bd: {  	s10 =	sld [smem:$0x7FD]  }
0x2be: {  	[sflag:s16] =	ssyncset.done $0x0  }
0x2bf: {  	[sflag:s16] =	ssyncadd.s32 $0xFFFFD800  }
0x2c0: {  	[tilespmem:s11], [sflag:$0x6] =	stream.linear.gather [spmem:s10], $0x2800, $0x38;
	[tilespmem:$0x19200] =	vst v63  }
0x2c1: {  	_ =	swait.ge [sflag:s17], $0x2800  }
0x2c2: {  	[sflag:s17] =	ssyncset.done $0x0  }
0x2c3: {  	s18 =	rddreg [dreg:$0x1b];
	[sflag:s17] =	ssyncadd.s32 $0xFFFFD800  }
0x2c4: {  	[hbm4b:s18+s29] =	stream.linear.scatter [tilespmem:s11], [sflag:$0x4], $0x2800, $0x38;
	[tilespmem:$0x19200] =	vst v63  }
0x2c5: {  	_ =	swait.ge [sflag:s16], $0x2800  }
0x2c6: {  	[sflag:s16] =	ssyncset.done $0x0  }
0x2c7: {  	[sflag:s16] =	ssyncadd.s32 $0xFFFFD800  }
0x2c8: {  	_ =	swait.ge [sflag:s16], $0x2800  }
0x2c9: {  	s12 =	sld [smem:$0x7F7]  }
0x2ca: {  	s17 =	sld [smem:$0x7F3];
	_ =	sdelay $0x1  }
0x2cb: {  	s18 =	sadd.s32 $0x1, s12  }
0x2cc: {  	p0 =	sne.s32 s18, s17  }
.Ltmp3:
0x2cd: {  	_ = 	snop;
	(pc) =	sbr.rel @p0 .LBB2_1-.Ltmp3, $4  }
0x2ce: {  	[sflag:s16] =	ssyncset.done $0x0  }
0x2cf: {  	[sflag:s16] =	ssyncadd.s32 $0xFFFFD800;
	[smem:$0x7F7] =	sst s18  }
0x2d0: {  	[bflag:$0x0] =	sbarrier.arrive $0xFFFF  }
0x2d1: {  	s12 =	smov.u32 s19;
	s19 =	sld [smem:$0x7FA]  }
0x2d2: {  	_ =	sfence.sel $0x180000  }
0x2d3: {  	[bflag:$0x0] =	sbarrier.arrive $0xFFFF  }
0x2d4: {  	_ =	strace $0x90000047  }
0x2d5: {  	s0 =	stileid.u32;
	[bflag:$0x2] =	sbarrier.arrive $0xFFFF  }
0x2d6: {  	p0 =	sne.s32 s0, $0x0;
	s0 =	rddreg [dreg:$0x3]  }
0x2d7: {  	s0 =	sadd.s32 @!p0 $0x100000, s0  }
0x2d8: {  	[sflag:s0] =	ssyncadd.tile.s32 @!p0 $0x1;
	_ =	shalt  }
.Lfunc_end2:
_tile_overlayer_lowered:
.L_overlay_start_2:
0x2d9: {  	(tag) =	ssettag $0x2  }
0x2da: {  	s0 =	rddreg [dreg:$0x0];
	s2 =	stileid.u32  }
0x2db: {  	s1 =	rddreg [dreg:$0x1];
	p0 =	sne.s32 s2, $0x0  }
0x2dc: {  	s3 =	rddreg [dreg:$0x2];
	[bflag:$0x3] =	sbarrier.arrive $0xFFFF;
	s2 =	simm.s32 @!p0 $0x1C06  }
0x2dd: {  	[timem:s3], [sflag:s2] =	dma.local @!p0 [hbm:s0], s1  }
0x2de: {  	s0 =	simm.s32 @!p0 $0x6  }
0x2df: {  	_ =	swait.ge @!p0 [sflag:s0], s1  }
0x2e0: {  	s1 =	ssub.s32 @!p0 $0x0, s1;
	[sflag:s0] =	ssyncset.done @!p0 $0x0  }
0x2e1: {  	[sflag:s0] =	ssyncadd.s32 @!p0 s1  }
0x2e2: {  	[bflag:$0x3] =	sbarrier.arrive $0xFFFF  }
0x2e3: {  	_ =	shalt  }

</sc_bundles>
